<compile_context>
chip_gen: v7x
topology: tpu7x:2x2x1
jax: 0.10.2.dev20260603
libtpu: 0.0.44.dev20260713+nightly
codegen_flags: <defaults>
</compile_context>

<pallas_src>
import functools

import jax
import jax.numpy as jnp
import numpy as np
from jax import lax
from jax.experimental import pallas as pl
from jax.experimental.pallas import tpu as pltpu
from jax.experimental.pallas import tpu_sc as plsc

N_NODES = 10000
N_EDGES = 320000
D_FEAT = 128

NC = 2
NS = 16
NW = NC * NS
K = 128
NCH = 78
NIT = NCH // 3
E_PER_W = NCH * K
E_MAIN = NW * E_PER_W
TAIL = (N_EDGES - E_MAIN) // NW
NIDX = 5
RPT = 624
RPT_LAST = N_NODES - 15 * RPT

_ZERO_ROWS = np.zeros((RPT_LAST, D_FEAT), np.float32)


def _make_sc_agg():
    mesh = plsc.VectorSubcoreMesh(core_axis_name="c", subcore_axis_name="s")

    @functools.partial(
        pl.kernel,
        out_type=jax.ShapeDtypeStruct((NC, N_NODES, D_FEAT), jnp.float32),
        mesh=mesh,
        scratch_types=[
            pltpu.VMEM((NIDX, 2, K), jnp.int32),
            pltpu.VMEM((3, K, D_FEAT), jnp.float32),
            pltpu.VMEM_SHARED((N_NODES, D_FEAT), jnp.float32),
            pltpu.SemaphoreType.DMA,
            pltpu.SemaphoreType.DMA,
            pltpu.SemaphoreType.DMA,
        ],
    )
    def sc_agg(h_hbm, ei_hbm, zeros_hbm, out_hbm,
               eidx, rows, agg_sh, gsem, ssem, isem):
        cid = lax.axis_index("c")
        sid = lax.axis_index("s")
        wid = sid * NC + cid
        ebase = wid * E_PER_W

        def idx_refill(c, slot):
            pltpu.async_copy(
                ei_hbm.at[pl.ds(0, 2), pl.ds(ebase + c * K, K)],
                eidx.at[slot], isem)

        def idx_wait(c, slot):
            pltpu.make_async_copy(
                ei_hbm.at[pl.ds(0, 2), pl.ds(ebase + c * K, K)],
                eidx.at[slot], isem).wait()

        for c in range(4):
            idx_refill(c, c)
        idx_wait(0, 0)
        idx_wait(1, 1)

        pltpu.async_copy(h_hbm.at[eidx.at[0, 0]], rows.at[0], gsem)
        pltpu.async_copy(h_hbm.at[eidx.at[1, 0]], rows.at[1], gsem)

        rbase = sid * RPT

        @pl.when(cid == 0)
        def _():
            pltpu.sync_copy(h_hbm.at[pl.ds(rbase, RPT)],
                            agg_sh.at[pl.ds(rbase, RPT)])

            @pl.when(sid == NS - 1)
            def _():
                pltpu.sync_copy(h_hbm.at[pl.ds(16 * RPT, RPT_LAST - RPT)],
                                agg_sh.at[pl.ds(16 * RPT, RPT_LAST - RPT)])

        @pl.when(cid == 1)
        def _():
            pltpu.sync_copy(zeros_hbm.at[pl.ds(0, RPT)],
                            agg_sh.at[pl.ds(rbase, RPT)])

            @pl.when(sid == NS - 1)
            def _():
                pltpu.sync_copy(zeros_hbm.at[pl.ds(0, RPT_LAST - RPT)],
                                agg_sh.at[pl.ds(16 * RPT, RPT_LAST - RPT)])

        plsc.subcore_barrier()

        @pl.loop(0, NIT)
        def _(it):
            c0 = 3 * it
            scatters = []
            for b in range(3):
                c = c0 + b
                q = lax.rem(c, NIDX)
                q2 = lax.rem(c + 2, NIDX)

                pltpu.make_async_copy(
                    h_hbm.at[eidx.at[q, 0]], rows.at[b], gsem).wait()
                scatters.append(pltpu.async_copy(
                    rows.at[b], agg_sh.at[eidx.at[q, 1]], ssem, add=True))

                if b == 0:
                    @pl.when(it >= 1)
                    def _():
                        pltpu.make_async_copy(
                            rows.at[2], agg_sh.at[eidx.at[q, 1]], ssem).wait()
                else:
                    scatters[b - 1].wait()

                @pl.when(c + 4 < NCH)
                def _():
                    idx_refill(c + 4, lax.rem(c + 4, NIDX))

                @pl.when(c + 2 < NCH)
                def _():
                    idx_wait(c + 2, q2)
                    pltpu.async_copy(
                        h_hbm.at[eidx.at[q2, 0]], rows.at[(b + 2) % 3], gsem)

        pltpu.make_async_copy(
            rows.at[2], agg_sh.at[eidx.at[0, 1]], ssem).wait()

        @pl.when(wid < 4)
        def _():
            pltpu.sync_copy(
                ei_hbm.at[pl.ds(0, 2), pl.ds(E_MAIN + wid * K, K)],
                eidx.at[0])
            pltpu.async_copy(
                h_hbm.at[eidx.at[0, 0]], rows.at[0], gsem).wait()
            pltpu.sync_copy(rows.at[0], agg_sh.at[eidx.at[0, 1]], add=True)

        plsc.subcore_barrier()

        pltpu.sync_copy(agg_sh.at[pl.ds(rbase, RPT)],
                        out_hbm.at[cid].at[pl.ds(rbase, RPT)])

        @pl.when(sid == NS - 1)
        def _():
            pltpu.sync_copy(
                agg_sh.at[pl.ds(16 * RPT, RPT_LAST - RPT)],
                out_hbm.at[cid].at[pl.ds(16 * RPT, RPT_LAST - RPT)])

    return sc_agg


_sc_agg = _make_sc_agg()


def _mlp_body(a_ref, w1_ref, b1_ref, w2_ref, b2_ref, o_ref):
    z = a_ref[0] + a_ref[1]
    z1 = jnp.maximum(
        jnp.dot(z, w1_ref[...], preferred_element_type=jnp.float32) + b1_ref[...],
        0.0)
    o_ref[...] = (
        jnp.dot(z1, w2_ref[...], preferred_element_type=jnp.float32) + b2_ref[...])


_MLP_BLK = 5000


def _mlp(agg, W1, b1, W2, b2):
    return pl.pallas_call(
        _mlp_body,
        grid=(N_NODES // _MLP_BLK,),
        in_specs=[
            pl.BlockSpec((NC, _MLP_BLK, D_FEAT), lambda i: (0, i, 0)),
            pl.BlockSpec((D_FEAT, D_FEAT), lambda i: (0, 0)),
            pl.BlockSpec((1, D_FEAT), lambda i: (0, 0)),
            pl.BlockSpec((D_FEAT, D_FEAT), lambda i: (0, 0)),
            pl.BlockSpec((1, D_FEAT), lambda i: (0, 0)),
        ],
        out_specs=pl.BlockSpec((_MLP_BLK, D_FEAT), lambda i: (i, 0)),
        out_shape=jax.ShapeDtypeStruct((N_NODES, D_FEAT), jnp.float32),
    )(agg, W1, b1.reshape(1, D_FEAT), W2, b2.reshape(1, D_FEAT))


@jax.jit
def kernel(x, edge_index, W1_0, b1_0, W2_0, b2_0, W1_1, b1_1, W2_1, b2_1):
    ei = edge_index.astype(jnp.int32)
    h = x
    for (W1, b1, W2, b2) in ((W1_0, b1_0, W2_0, b2_0), (W1_1, b1_1, W2_1, b2_1)):
        agg = _sc_agg(h, ei, _ZERO_ROWS)
        h = _mlp(agg, W1, b1, W2, b2)
    return h

# --- scband reference (transcript-rebuilt; emitter-appended) ---
"""Pipeline reference for scband-qgraph-isomorphism-network-22239340659459 (READ-ONLY COPY).

The authoritative reference and input builder live on the scoring server;
editing this copy changes nothing except your own understanding.
"""

import jax, jax.numpy as jnp
import numpy as np

N_NODES = 10000
N_EDGES = 320000
D_FEAT = 128
NUM_LAYERS = 2


def setup_inputs(seed: int = 0) -> dict:
    key = jax.random.key(seed)
    ks = jax.random.split(key, 2 + 4 * NUM_LAYERS)
    x = jax.random.normal(ks[0], (N_NODES, D_FEAT), dtype=jnp.float32)
    edge_index = jax.random.randint(ks[1], (2, N_EDGES), 0, N_NODES, dtype=jnp.int64)
    inp = {"x": x, "edge_index": edge_index}
    scale = 1.0 / np.sqrt(D_FEAT)
    for i in range(NUM_LAYERS):
        inp[f"W1_{i}"] = jax.random.uniform(ks[2 + 4 * i], (D_FEAT, D_FEAT), dtype=jnp.float32, minval=-scale, maxval=scale)
        inp[f"b1_{i}"] = jax.random.uniform(ks[3 + 4 * i], (D_FEAT,), dtype=jnp.float32, minval=-scale, maxval=scale)
        inp[f"W2_{i}"] = jax.random.uniform(ks[4 + 4 * i], (D_FEAT, D_FEAT), dtype=jnp.float32, minval=-scale, maxval=scale)
        inp[f"b2_{i}"] = jax.random.uniform(ks[5 + 4 * i], (D_FEAT,), dtype=jnp.float32, minval=-scale, maxval=scale)
    return inp


def reference(x, edge_index, W1_0, b1_0, W2_0, b2_0, W1_1, b1_1, W2_1, b2_1):
    # GIN network: x_{l+1} = MLP_l((1 + eps) * x_l + sum_{j in N(i)} x_l[j]), eps = 0
    src = edge_index[0]
    dst = edge_index[1]
    params = [(W1_0, b1_0, W2_0, b2_0), (W1_1, b1_1, W2_1, b2_1)]
    h = x
    for (W1, b1, W2, b2) in params:
        # message passing: gather source node features, scatter-add into destination nodes
        msgs = jnp.take(h, src, axis=0)
        agg = jnp.zeros_like(h).at[dst].add(msgs)
        z = h + agg  # (1 + eps) * h + agg with eps = 0
        # MLP: Linear -> ReLU -> Linear
        z = jnp.maximum(z @ W1 + b1, 0.0)
        h = z @ W2 + b2
    return h

if __name__ == "__main__":
    import jax
    _d = setup_inputs()
    print(jax.jit(kernel)(*tuple(_d.values())))

</pallas_src>

<mosaic_0001>
#map = affine_map<(d0, d1) -> (0, 0)>
#map1 = affine_map<(d0, d1) -> (0, 0, 0)>
module attributes {stable_mosaic.version = 14 : i64} {
  func.func @sc_agg(%arg0: i32, %arg1: i32, %arg2: memref<10000x128xf32, #tpu.memory_space<hbm>>, %arg3: memref<2x320000xi32, #tpu.memory_space<hbm>>, %arg4: memref<640x128xf32, #tpu.memory_space<hbm>>, %arg5: memref<2x10000x128xf32, #tpu.memory_space<hbm>>, %arg6: memref<5x2x128xi32, #tpu.memory_space<vmem>>, %arg7: memref<3x128x128xf32, #tpu.memory_space<vmem>>, %arg8: memref<10000x128xf32, #tpu.memory_space<vmem_shared>>, %arg9: memref<!tpu.dma_semaphore, #tpu.memory_space<semaphore_mem>>, %arg10: memref<!tpu.dma_semaphore, #tpu.memory_space<semaphore_mem>>, %arg11: memref<!tpu.dma_semaphore, #tpu.memory_space<semaphore_mem>>) attributes {dimension_semantics = [#tpu.dimension_semantics<core_parallel>, #tpu.dimension_semantics<subcore_parallel>], iteration_bounds = array<i64: 2, 16>, scalar_prefetch = 0 : i64, scratch_operands = 6 : i64, tpu.core_type = #tpu.core_type<sc_vector_subcore>, window_params = [{transform_indices = #map}, {transform_indices = #map}, {transform_indices = #map}, {transform_indices = #map1}]} {
    %mul3A = arith.constant 2 : i32
    %mul3A_0 = arith.muli %arg1, %mul3A : i32
    %add3A = arith.addi %mul3A_0, %arg0 : i32
    %mul3A_1 = arith.constant 9984 : i32
    %mul3A_2 = arith.muli %add3A, %mul3A_1 : i32
    %add3A_3 = arith.constant 0 : i32
    %add3A_4 = arith.addi %mul3A_2, %add3A_3 : i32
    %dma_start3A = arith.constant 0 : i32
    %dma_start3A_5 = arith.constant 0 : i32
    %dma_start3A_6 = arith.constant 0 : i32
    %dma_start3A_7 = tpu.memref_slice %arg6[%dma_start3A, %dma_start3A_5, %dma_start3A_6] : memref<5x2x128xi32, #tpu.memory_space<vmem>> -> memref<1x2x128xi32, #tpu.memory_space<vmem>>
    %dma_start3A_8 = tpu.memref_squeeze %dma_start3A_7 : memref<1x2x128xi32, #tpu.memory_space<vmem>> -> memref<2x128xi32, #tpu.memory_space<vmem>>
    %dma_start3A_9 = arith.constant 0 : i32
    %dma_start3A_10 = tpu.memref_slice %arg3[%dma_start3A_9, %add3A_4] : memref<2x320000xi32, #tpu.memory_space<hbm>> -> memref<2x128xi32, #tpu.memory_space<hbm>>
    %dma_start3A_11 = arith.constant 0 : i32
    %dma_start3A_12 = arith.constant 0 : i32
    %dma_start3A_13 = tpu.memref_slice %arg6[%dma_start3A, %dma_start3A_11, %dma_start3A_12] : memref<5x2x128xi32, #tpu.memory_space<vmem>> -> memref<1x2x128xi32, #tpu.memory_space<vmem>>
    %dma_start3A_14 = tpu.memref_squeeze %dma_start3A_13 : memref<1x2x128xi32, #tpu.memory_space<vmem>> -> memref<2x128xi32, #tpu.memory_space<vmem>>
    %dma_start3A_15 = arith.constant 0 : i32
    %dma_start3A_16 = tpu.memref_slice %arg3[%dma_start3A_15, %add3A_4] : memref<2x320000xi32, #tpu.memory_space<hbm>> -> memref<2x128xi32, #tpu.memory_space<hbm>>
    tpu.enqueue_dma source(%dma_start3A_16 : memref<2x128xi32, #tpu.memory_space<hbm>>) target(%dma_start3A_14 : memref<2x128xi32, #tpu.memory_space<vmem>>) target_semaphore(%arg11 : memref<!tpu.dma_semaphore, #tpu.memory_space<semaphore_mem>>)
    %add3A_17 = arith.constant 128 : i32
    %add3A_18 = arith.addi %mul3A_2, %add3A_17 : i32
    %dma_start3A_19 = arith.constant 1 : i32
    %dma_start3A_20 = arith.constant 0 : i32
    %dma_start3A_21 = arith.constant 0 : i32
    %dma_start3A_22 = tpu.memref_slice %arg6[%dma_start3A_19, %dma_start3A_20, %dma_start3A_21] : memref<5x2x128xi32, #tpu.memory_space<vmem>> -> memref<1x2x128xi32, #tpu.memory_space<vmem>>
    %dma_start3A_23 = tpu.memref_squeeze %dma_start3A_22 : memref<1x2x128xi32, #tpu.memory_space<vmem>> -> memref<2x128xi32, #tpu.memory_space<vmem>>
    %dma_start3A_24 = arith.constant 0 : i32
    %dma_start3A_25 = tpu.memref_slice %arg3[%dma_start3A_24, %add3A_18] : memref<2x320000xi32, #tpu.memory_space<hbm>> -> memref<2x128xi32, #tpu.memory_space<hbm>>
    %dma_start3A_26 = arith.constant 0 : i32
    %dma_start3A_27 = arith.constant 0 : i32
    %dma_start3A_28 = tpu.memref_slice %arg6[%dma_start3A_19, %dma_start3A_26, %dma_start3A_27] : memref<5x2x128xi32, #tpu.memory_space<vmem>> -> memref<1x2x128xi32, #tpu.memory_space<vmem>>
    %dma_start3A_29 = tpu.memref_squeeze %dma_start3A_28 : memref<1x2x128xi32, #tpu.memory_space<vmem>> -> memref<2x128xi32, #tpu.memory_space<vmem>>
    %dma_start3A_30 = arith.constant 0 : i32
    %dma_start3A_31 = tpu.memref_slice %arg3[%dma_start3A_30, %add3A_18] : memref<2x320000xi32, #tpu.memory_space<hbm>> -> memref<2x128xi32, #tpu.memory_space<hbm>>
    tpu.enqueue_dma source(%dma_start3A_31 : memref<2x128xi32, #tpu.memory_space<hbm>>) target(%dma_start3A_29 : memref<2x128xi32, #tpu.memory_space<vmem>>) target_semaphore(%arg11 : memref<!tpu.dma_semaphore, #tpu.memory_space<semaphore_mem>>)
    %add3A_32 = arith.constant 256 : i32
    %add3A_33 = arith.addi %mul3A_2, %add3A_32 : i32
    %dma_start3A_34 = arith.constant 2 : i32
    %dma_start3A_35 = arith.constant 0 : i32
    %dma_start3A_36 = arith.constant 0 : i32
    %dma_start3A_37 = tpu.memref_slice %arg6[%dma_start3A_34, %dma_start3A_35, %dma_start3A_36] : memref<5x2x128xi32, #tpu.memory_space<vmem>> -> memref<1x2x128xi32, #tpu.memory_space<vmem>>
    %dma_start3A_38 = tpu.memref_squeeze %dma_start3A_37 : memref<1x2x128xi32, #tpu.memory_space<vmem>> -> memref<2x128xi32, #tpu.memory_space<vmem>>
    %dma_start3A_39 = arith.constant 0 : i32
    %dma_start3A_40 = tpu.memref_slice %arg3[%dma_start3A_39, %add3A_33] : memref<2x320000xi32, #tpu.memory_space<hbm>> -> memref<2x128xi32, #tpu.memory_space<hbm>>
    %dma_start3A_41 = arith.constant 0 : i32
    %dma_start3A_42 = arith.constant 0 : i32
    %dma_start3A_43 = tpu.memref_slice %arg6[%dma_start3A_34, %dma_start3A_41, %dma_start3A_42] : memref<5x2x128xi32, #tpu.memory_space<vmem>> -> memref<1x2x128xi32, #tpu.memory_space<vmem>>
    %dma_start3A_44 = tpu.memref_squeeze %dma_start3A_43 : memref<1x2x128xi32, #tpu.memory_space<vmem>> -> memref<2x128xi32, #tpu.memory_space<vmem>>
    %dma_start3A_45 = arith.constant 0 : i32
    %dma_start3A_46 = tpu.memref_slice %arg3[%dma_start3A_45, %add3A_33] : memref<2x320000xi32, #tpu.memory_space<hbm>> -> memref<2x128xi32, #tpu.memory_space<hbm>>
    tpu.enqueue_dma source(%dma_start3A_46 : memref<2x128xi32, #tpu.memory_space<hbm>>) target(%dma_start3A_44 : memref<2x128xi32, #tpu.memory_space<vmem>>) target_semaphore(%arg11 : memref<!tpu.dma_semaphore, #tpu.memory_space<semaphore_mem>>)
    %add3A_47 = arith.constant 384 : i32
    %add3A_48 = arith.addi %mul3A_2, %add3A_47 : i32
    %dma_start3A_49 = arith.constant 3 : i32
    %dma_start3A_50 = arith.constant 0 : i32
    %dma_start3A_51 = arith.constant 0 : i32
    %dma_start3A_52 = tpu.memref_slice %arg6[%dma_start3A_49, %dma_start3A_50, %dma_start3A_51] : memref<5x2x128xi32, #tpu.memory_space<vmem>> -> memref<1x2x128xi32, #tpu.memory_space<vmem>>
    %dma_start3A_53 = tpu.memref_squeeze %dma_start3A_52 : memref<1x2x128xi32, #tpu.memory_space<vmem>> -> memref<2x128xi32, #tpu.memory_space<vmem>>
    %dma_start3A_54 = arith.constant 0 : i32
    %dma_start3A_55 = tpu.memref_slice %arg3[%dma_start3A_54, %add3A_48] : memref<2x320000xi32, #tpu.memory_space<hbm>> -> memref<2x128xi32, #tpu.memory_space<hbm>>
    %dma_start3A_56 = arith.constant 0 : i32
    %dma_start3A_57 = arith.constant 0 : i32
    %dma_start3A_58 = tpu.memref_slice %arg6[%dma_start3A_49, %dma_start3A_56, %dma_start3A_57] : memref<5x2x128xi32, #tpu.memory_space<vmem>> -> memref<1x2x128xi32, #tpu.memory_space<vmem>>
    %dma_start3A_59 = tpu.memref_squeeze %dma_start3A_58 : memref<1x2x128xi32, #tpu.memory_space<vmem>> -> memref<2x128xi32, #tpu.memory_space<vmem>>
    %dma_start3A_60 = arith.constant 0 : i32
    %dma_start3A_61 = tpu.memref_slice %arg3[%dma_start3A_60, %add3A_48] : memref<2x320000xi32, #tpu.memory_space<hbm>> -> memref<2x128xi32, #tpu.memory_space<hbm>>
    tpu.enqueue_dma source(%dma_start3A_61 : memref<2x128xi32, #tpu.memory_space<hbm>>) target(%dma_start3A_59 : memref<2x128xi32, #tpu.memory_space<vmem>>) target_semaphore(%arg11 : memref<!tpu.dma_semaphore, #tpu.memory_space<semaphore_mem>>)
    %add3A_62 = arith.constant 0 : i32
    %add3A_63 = arith.addi %mul3A_2, %add3A_62 : i32
    %dma_wait3A = arith.constant 0 : i32
    %dma_wait3A_64 = arith.constant 0 : i32
    %dma_wait3A_65 = arith.constant 0 : i32
    %dma_wait3A_66 = tpu.memref_slice %arg6[%dma_wait3A, %dma_wait3A_64, %dma_wait3A_65] : memref<5x2x128xi32, #tpu.memory_space<vmem>> -> memref<1x2x128xi32, #tpu.memory_space<vmem>>
    %dma_wait3A_67 = tpu.memref_squeeze %dma_wait3A_66 : memref<1x2x128xi32, #tpu.memory_space<vmem>> -> memref<2x128xi32, #tpu.memory_space<vmem>>
    %dma_wait3A_68 = arith.constant 0 : i32
    %dma_wait3A_69 = tpu.memref_slice %arg3[%dma_wait3A_68, %add3A_63] : memref<2x320000xi32, #tpu.memory_space<hbm>> -> memref<2x128xi32, #tpu.memory_space<hbm>>
    %dma_wait3A_70 = arith.constant 0 : i32
    %dma_wait3A_71 = arith.constant 0 : i32
    %dma_wait3A_72 = tpu.memref_slice %arg6[%dma_wait3A, %dma_wait3A_70, %dma_wait3A_71] : memref<5x2x128xi32, #tpu.memory_space<vmem>> -> memref<1x2x128xi32, #tpu.memory_space<vmem>>
    %dma_wait3A_73 = tpu.memref_squeeze %dma_wait3A_72 : memref<1x2x128xi32, #tpu.memory_space<vmem>> -> memref<2x128xi32, #tpu.memory_space<vmem>>
    %dma_wait3A_74 = arith.constant 0 : i32
    %dma_wait3A_75 = tpu.memref_slice %arg3[%dma_wait3A_74, %add3A_63] : memref<2x320000xi32, #tpu.memory_space<hbm>> -> memref<2x128xi32, #tpu.memory_space<hbm>>
    tpu.wait_dma2 semaphore(%arg11 : memref<!tpu.dma_semaphore, #tpu.memory_space<semaphore_mem>>) src(%dma_wait3A_75 : memref<2x128xi32, #tpu.memory_space<hbm>>) dst(%dma_wait3A_73 : memref<2x128xi32, #tpu.memory_space<vmem>>)
    %add3A_76 = arith.constant 128 : i32
    %add3A_77 = arith.addi %mul3A_2, %add3A_76 : i32
    %dma_wait3A_78 = arith.constant 1 : i32
    %dma_wait3A_79 = arith.constant 0 : i32
    %dma_wait3A_80 = arith.constant 0 : i32
    %dma_wait3A_81 = tpu.memref_slice %arg6[%dma_wait3A_78, %dma_wait3A_79, %dma_wait3A_80] : memref<5x2x128xi32, #tpu.memory_space<vmem>> -> memref<1x2x128xi32, #tpu.memory_space<vmem>>
    %dma_wait3A_82 = tpu.memref_squeeze %dma_wait3A_81 : memref<1x2x128xi32, #tpu.memory_space<vmem>> -> memref<2x128xi32, #tpu.memory_space<vmem>>
    %dma_wait3A_83 = arith.constant 0 : i32
    %dma_wait3A_84 = tpu.memref_slice %arg3[%dma_wait3A_83, %add3A_77] : memref<2x320000xi32, #tpu.memory_space<hbm>> -> memref<2x128xi32, #tpu.memory_space<hbm>>
    %dma_wait3A_85 = arith.constant 0 : i32
    %dma_wait3A_86 = arith.constant 0 : i32
    %dma_wait3A_87 = tpu.memref_slice %arg6[%dma_wait3A_78, %dma_wait3A_85, %dma_wait3A_86] : memref<5x2x128xi32, #tpu.memory_space<vmem>> -> memref<1x2x128xi32, #tpu.memory_space<vmem>>
    %dma_wait3A_88 = tpu.memref_squeeze %dma_wait3A_87 : memref<1x2x128xi32, #tpu.memory_space<vmem>> -> memref<2x128xi32, #tpu.memory_space<vmem>>
    %dma_wait3A_89 = arith.constant 0 : i32
    %dma_wait3A_90 = tpu.memref_slice %arg3[%dma_wait3A_89, %add3A_77] : memref<2x320000xi32, #tpu.memory_space<hbm>> -> memref<2x128xi32, #tpu.memory_space<hbm>>
    tpu.wait_dma2 semaphore(%arg11 : memref<!tpu.dma_semaphore, #tpu.memory_space<semaphore_mem>>) src(%dma_wait3A_90 : memref<2x128xi32, #tpu.memory_space<hbm>>) dst(%dma_wait3A_88 : memref<2x128xi32, #tpu.memory_space<vmem>>)
    %dma_start3A_91 = arith.constant 0 : i32
    %dma_start3A_92 = arith.constant 0 : i32
    %dma_start3A_93 = arith.constant 0 : i32
    %dma_start3A_94 = arith.constant 0 : i32
    %dma_start3A_95 = arith.constant 0 : i32
    %dma_start3A_96 = tpu.memref_slice %arg7[%dma_start3A_93, %dma_start3A_94, %dma_start3A_95] : memref<3x128x128xf32, #tpu.memory_space<vmem>> -> memref<1x128x128xf32, #tpu.memory_space<vmem>>
    %dma_start3A_97 = tpu.memref_squeeze %dma_start3A_96 : memref<1x128x128xf32, #tpu.memory_space<vmem>> -> memref<128x128xf32, #tpu.memory_space<vmem>>
    %dma_start3A_98 = arith.constant 0 : i32
    %dma_start3A_99 = tpu.memref_slice %arg6[%dma_start3A_91, %dma_start3A_92, %dma_start3A_98] : memref<5x2x128xi32, #tpu.memory_space<vmem>> -> memref<1x1x128xi32, #tpu.memory_space<vmem>>
    %dma_start3A_100 = tpu.memref_squeeze %dma_start3A_99 : memref<1x1x128xi32, #tpu.memory_space<vmem>> -> memref<128xi32, #tpu.memory_space<vmem>>
    %dma_start3A_101 = arith.constant 0 : i32
    %dma_start3A_102 = arith.constant 0 : i32
    %dma_start3A_103 = tpu.memref_slice %arg2[%dma_start3A_101, %dma_start3A_102] : memref<10000x128xf32, #tpu.memory_space<hbm>> -> memref<10000x128xf32, #tpu.memory_space<hbm>>
    tpu.enqueue_indirect_dma source(%dma_start3A_103 : memref<10000x128xf32, #tpu.memory_space<hbm>>) target(%dma_start3A_97 : memref<128x128xf32, #tpu.memory_space<vmem>>) offsets(%dma_start3A_100 : memref<128xi32, #tpu.memory_space<vmem>>) semaphore(%arg9 : memref<!tpu.dma_semaphore, #tpu.memory_space<semaphore_mem>>)
    %dma_start3A_104 = arith.constant 1 : i32
    %dma_start3A_105 = arith.constant 0 : i32
    %dma_start3A_106 = arith.constant 1 : i32
    %dma_start3A_107 = arith.constant 0 : i32
    %dma_start3A_108 = arith.constant 0 : i32
    %dma_start3A_109 = tpu.memref_slice %arg7[%dma_start3A_106, %dma_start3A_107, %dma_start3A_108] : memref<3x128x128xf32, #tpu.memory_space<vmem>> -> memref<1x128x128xf32, #tpu.memory_space<vmem>>
    %dma_start3A_110 = tpu.memref_squeeze %dma_start3A_109 : memref<1x128x128xf32, #tpu.memory_space<vmem>> -> memref<128x128xf32, #tpu.memory_space<vmem>>
    %dma_start3A_111 = arith.constant 0 : i32
    %dma_start3A_112 = tpu.memref_slice %arg6[%dma_start3A_104, %dma_start3A_105, %dma_start3A_111] : memref<5x2x128xi32, #tpu.memory_space<vmem>> -> memref<1x1x128xi32, #tpu.memory_space<vmem>>
    %dma_start3A_113 = tpu.memref_squeeze %dma_start3A_112 : memref<1x1x128xi32, #tpu.memory_space<vmem>> -> memref<128xi32, #tpu.memory_space<vmem>>
    %dma_start3A_114 = arith.constant 0 : i32
    %dma_start3A_115 = arith.constant 0 : i32
    %dma_start3A_116 = tpu.memref_slice %arg2[%dma_start3A_114, %dma_start3A_115] : memref<10000x128xf32, #tpu.memory_space<hbm>> -> memref<10000x128xf32, #tpu.memory_space<hbm>>
    tpu.enqueue_indirect_dma source(%dma_start3A_116 : memref<10000x128xf32, #tpu.memory_space<hbm>>) target(%dma_start3A_110 : memref<128x128xf32, #tpu.memory_space<vmem>>) offsets(%dma_start3A_113 : memref<128xi32, #tpu.memory_space<vmem>>) semaphore(%arg9 : memref<!tpu.dma_semaphore, #tpu.memory_space<semaphore_mem>>)
    %mul3A_117 = arith.constant 624 : i32
    %mul3A_118 = arith.muli %arg1, %mul3A_117 : i32
    %eq3A = arith.constant 0 : i32
    %eq3A_119 = arith.cmpi eq, %arg0, %eq3A : i32
    %convert_element_type3A = arith.extui %eq3A_119 : i1 to i32
    %cond3A = arith.constant 0 : i32
    %cond3A_120 = arith.cmpi ne, %convert_element_type3A, %cond3A : i32
    scf.if %cond3A_120 {
      "tpu.region"() ({
        %run_scoped3A = tpu.sem_alloc : memref<!tpu.dma_semaphore, #tpu.memory_space<semaphore_mem>>
        %dma_start3A_158 = arith.constant 0 : i32
        %dma_start3A_159 = tpu.memref_slice %arg8[%mul3A_118, %dma_start3A_158] : memref<10000x128xf32, #tpu.memory_space<vmem_shared>> -> memref<624x128xf32, #tpu.memory_space<vmem_shared>>
        %dma_start3A_160 = arith.constant 0 : i32
        %dma_start3A_161 = tpu.memref_slice %arg2[%mul3A_118, %dma_start3A_160] : memref<10000x128xf32, #tpu.memory_space<hbm>> -> memref<624x128xf32, #tpu.memory_space<hbm>>
        tpu.enqueue_dma source(%dma_start3A_161 : memref<624x128xf32, #tpu.memory_space<hbm>>) target(%dma_start3A_159 : memref<624x128xf32, #tpu.memory_space<vmem_shared>>) target_semaphore(%run_scoped3A : memref<!tpu.dma_semaphore, #tpu.memory_space<semaphore_mem>>)
        %dma_wait3A_162 = arith.constant 0 : i32
        %dma_wait3A_163 = tpu.memref_slice %arg8[%mul3A_118, %dma_wait3A_162] : memref<10000x128xf32, #tpu.memory_space<vmem_shared>> -> memref<624x128xf32, #tpu.memory_space<vmem_shared>>
        %dma_wait3A_164 = arith.constant 0 : i32
        %dma_wait3A_165 = tpu.memref_slice %arg2[%mul3A_118, %dma_wait3A_164] : memref<10000x128xf32, #tpu.memory_space<hbm>> -> memref<624x128xf32, #tpu.memory_space<hbm>>
        tpu.wait_dma2 semaphore(%run_scoped3A : memref<!tpu.dma_semaphore, #tpu.memory_space<semaphore_mem>>) src(%dma_wait3A_165 : memref<624x128xf32, #tpu.memory_space<hbm>>) dst(%dma_wait3A_163 : memref<624x128xf32, #tpu.memory_space<vmem_shared>>)
        tpu.yield
      }) : () -> ()
      %eq3A_153 = arith.constant 15 : i32
      %eq3A_154 = arith.cmpi eq, %arg1, %eq3A_153 : i32
      %convert_element_type3A_155 = arith.extui %eq3A_154 : i1 to i32
      %cond3A_156 = arith.constant 0 : i32
      %cond3A_157 = arith.cmpi ne, %convert_element_type3A_155, %cond3A_156 : i32
      scf.if %cond3A_157 {
        "tpu.region"() ({
          %run_scoped3A = tpu.sem_alloc : memref<!tpu.dma_semaphore, #tpu.memory_space<semaphore_mem>>
          %dma_start3A_158 = arith.constant 9984 : i32
          %dma_start3A_159 = arith.constant 0 : i32
          %dma_start3A_160 = tpu.memref_slice %arg8[%dma_start3A_158, %dma_start3A_159] : memref<10000x128xf32, #tpu.memory_space<vmem_shared>> -> memref<16x128xf32, #tpu.memory_space<vmem_shared>>
          %dma_start3A_161 = arith.constant 9984 : i32
          %dma_start3A_162 = arith.constant 0 : i32
          %dma_start3A_163 = tpu.memref_slice %arg2[%dma_start3A_161, %dma_start3A_162] : memref<10000x128xf32, #tpu.memory_space<hbm>> -> memref<16x128xf32, #tpu.memory_space<hbm>>
          tpu.enqueue_dma source(%dma_start3A_163 : memref<16x128xf32, #tpu.memory_space<hbm>>) target(%dma_start3A_160 : memref<16x128xf32, #tpu.memory_space<vmem_shared>>) target_semaphore(%run_scoped3A : memref<!tpu.dma_semaphore, #tpu.memory_space<semaphore_mem>>)
          %dma_wait3A_164 = arith.constant 9984 : i32
          %dma_wait3A_165 = arith.constant 0 : i32
          %dma_wait3A_166 = tpu.memref_slice %arg8[%dma_wait3A_164, %dma_wait3A_165] : memref<10000x128xf32, #tpu.memory_space<vmem_shared>> -> memref<16x128xf32, #tpu.memory_space<vmem_shared>>
          %dma_wait3A_167 = arith.constant 9984 : i32
          %dma_wait3A_168 = arith.constant 0 : i32
          %dma_wait3A_169 = tpu.memref_slice %arg2[%dma_wait3A_167, %dma_wait3A_168] : memref<10000x128xf32, #tpu.memory_space<hbm>> -> memref<16x128xf32, #tpu.memory_space<hbm>>
          tpu.wait_dma2 semaphore(%run_scoped3A : memref<!tpu.dma_semaphore, #tpu.memory_space<semaphore_mem>>) src(%dma_wait3A_169 : memref<16x128xf32, #tpu.memory_space<hbm>>) dst(%dma_wait3A_166 : memref<16x128xf32, #tpu.memory_space<vmem_shared>>)
          tpu.yield
        }) : () -> ()
      } else {
      }
    } else {
    }
    %eq3A_121 = arith.constant 1 : i32
    %eq3A_122 = arith.cmpi eq, %arg0, %eq3A_121 : i32
    %convert_element_type3A_123 = arith.extui %eq3A_122 : i1 to i32
    %cond3A_124 = arith.constant 0 : i32
    %cond3A_125 = arith.cmpi ne, %convert_element_type3A_123, %cond3A_124 : i32
    scf.if %cond3A_125 {
      "tpu.region"() ({
        %run_scoped3A = tpu.sem_alloc : memref<!tpu.dma_semaphore, #tpu.memory_space<semaphore_mem>>
        %dma_start3A_158 = arith.constant 0 : i32
        %dma_start3A_159 = tpu.memref_slice %arg8[%mul3A_118, %dma_start3A_158] : memref<10000x128xf32, #tpu.memory_space<vmem_shared>> -> memref<624x128xf32, #tpu.memory_space<vmem_shared>>
        %dma_start3A_160 = arith.constant 0 : i32
        %dma_start3A_161 = arith.constant 0 : i32
        %dma_start3A_162 = tpu.memref_slice %arg4[%dma_start3A_160, %dma_start3A_161] : memref<640x128xf32, #tpu.memory_space<hbm>> -> memref<624x128xf32, #tpu.memory_space<hbm>>
        tpu.enqueue_dma source(%dma_start3A_162 : memref<624x128xf32, #tpu.memory_space<hbm>>) target(%dma_start3A_159 : memref<624x128xf32, #tpu.memory_space<vmem_shared>>) target_semaphore(%run_scoped3A : memref<!tpu.dma_semaphore, #tpu.memory_space<semaphore_mem>>)
        %dma_wait3A_163 = arith.constant 0 : i32
        %dma_wait3A_164 = tpu.memref_slice %arg8[%mul3A_118, %dma_wait3A_163] : memref<10000x128xf32, #tpu.memory_space<vmem_shared>> -> memref<624x128xf32, #tpu.memory_space<vmem_shared>>
        %dma_wait3A_165 = arith.constant 0 : i32
        %dma_wait3A_166 = arith.constant 0 : i32
        %dma_wait3A_167 = tpu.memref_slice %arg4[%dma_wait3A_165, %dma_wait3A_166] : memref<640x128xf32, #tpu.memory_space<hbm>> -> memref<624x128xf32, #tpu.memory_space<hbm>>
        tpu.wait_dma2 semaphore(%run_scoped3A : memref<!tpu.dma_semaphore, #tpu.memory_space<semaphore_mem>>) src(%dma_wait3A_167 : memref<624x128xf32, #tpu.memory_space<hbm>>) dst(%dma_wait3A_164 : memref<624x128xf32, #tpu.memory_space<vmem_shared>>)
        tpu.yield
      }) : () -> ()
      %eq3A_153 = arith.constant 15 : i32
      %eq3A_154 = arith.cmpi eq, %arg1, %eq3A_153 : i32
      %convert_element_type3A_155 = arith.extui %eq3A_154 : i1 to i32
      %cond3A_156 = arith.constant 0 : i32
      %cond3A_157 = arith.cmpi ne, %convert_element_type3A_155, %cond3A_156 : i32
      scf.if %cond3A_157 {
        "tpu.region"() ({
          %run_scoped3A = tpu.sem_alloc : memref<!tpu.dma_semaphore, #tpu.memory_space<semaphore_mem>>
          %dma_start3A_158 = arith.constant 9984 : i32
          %dma_start3A_159 = arith.constant 0 : i32
          %dma_start3A_160 = tpu.memref_slice %arg8[%dma_start3A_158, %dma_start3A_159] : memref<10000x128xf32, #tpu.memory_space<vmem_shared>> -> memref<16x128xf32, #tpu.memory_space<vmem_shared>>
          %dma_start3A_161 = arith.constant 0 : i32
          %dma_start3A_162 = arith.constant 0 : i32
          %dma_start3A_163 = tpu.memref_slice %arg4[%dma_start3A_161, %dma_start3A_162] : memref<640x128xf32, #tpu.memory_space<hbm>> -> memref<16x128xf32, #tpu.memory_space<hbm>>
          tpu.enqueue_dma source(%dma_start3A_163 : memref<16x128xf32, #tpu.memory_space<hbm>>) target(%dma_start3A_160 : memref<16x128xf32, #tpu.memory_space<vmem_shared>>) target_semaphore(%run_scoped3A : memref<!tpu.dma_semaphore, #tpu.memory_space<semaphore_mem>>)
          %dma_wait3A_164 = arith.constant 9984 : i32
          %dma_wait3A_165 = arith.constant 0 : i32
          %dma_wait3A_166 = tpu.memref_slice %arg8[%dma_wait3A_164, %dma_wait3A_165] : memref<10000x128xf32, #tpu.memory_space<vmem_shared>> -> memref<16x128xf32, #tpu.memory_space<vmem_shared>>
          %dma_wait3A_167 = arith.constant 0 : i32
          %dma_wait3A_168 = arith.constant 0 : i32
          %dma_wait3A_169 = tpu.memref_slice %arg4[%dma_wait3A_167, %dma_wait3A_168] : memref<640x128xf32, #tpu.memory_space<hbm>> -> memref<16x128xf32, #tpu.memory_space<hbm>>
          tpu.wait_dma2 semaphore(%run_scoped3A : memref<!tpu.dma_semaphore, #tpu.memory_space<semaphore_mem>>) src(%dma_wait3A_169 : memref<16x128xf32, #tpu.memory_space<hbm>>) dst(%dma_wait3A_166 : memref<16x128xf32, #tpu.memory_space<vmem_shared>>)
          tpu.yield
        }) : () -> ()
      } else {
      }
    } else {
    }
    %barrier3A = arith.constant 0 : index
    tpu.barrier barrier_id(%barrier3A)
    %scan3A = arith.constant 0 : i32
    %scan3A_126 = arith.constant 26 : i32
    %scan3A_127 = arith.addi %scan3A, %scan3A_126 : i32
    %scan3A_128 = arith.constant 1 : i32
    scf.for %scan3A_153 = %scan3A to %scan3A_127 step %scan3A_128  : i32 {
      %mul3A_154 = arith.constant 1 : i32
      %mul3A_155 = arith.muli %scan3A_153, %mul3A_154 : i32
      %add3A_156 = arith.constant 0 : i32
      %add3A_157 = arith.addi %add3A_156, %mul3A_155 : i32
      %mul3A_158 = arith.constant 3 : i32
      %mul3A_159 = arith.muli %mul3A_158, %add3A_157 : i32
      %add3A_160 = arith.constant 0 : i32
      %add3A_161 = arith.addi %mul3A_159, %add3A_160 : i32
      %rem3A = arith.constant 5 : i32
      %rem3A_162 = arith.remsi %add3A_161, %rem3A : i32
      %add3A_163 = arith.constant 2 : i32
      %add3A_164 = arith.addi %add3A_161, %add3A_163 : i32
      %rem3A_165 = arith.constant 5 : i32
      %rem3A_166 = arith.remsi %add3A_164, %rem3A_165 : i32
      %dma_wait3A_167 = arith.constant 0 : i32
      %dma_wait3A_168 = arith.constant 0 : i32
      %dma_wait3A_169 = arith.constant 0 : i32
      %dma_wait3A_170 = arith.constant 0 : i32
      %dma_wait3A_171 = tpu.memref_slice %arg7[%dma_wait3A_168, %dma_wait3A_169, %dma_wait3A_170] : memref<3x128x128xf32, #tpu.memory_space<vmem>> -> memref<1x128x128xf32, #tpu.memory_space<vmem>>
      %dma_wait3A_172 = tpu.memref_squeeze %dma_wait3A_171 : memref<1x128x128xf32, #tpu.memory_space<vmem>> -> memref<128x128xf32, #tpu.memory_space<vmem>>
      %dma_wait3A_173 = arith.constant 0 : i32
      %dma_wait3A_174 = tpu.memref_slice %arg6[%rem3A_162, %dma_wait3A_167, %dma_wait3A_173] : memref<5x2x128xi32, #tpu.memory_space<vmem>> -> memref<1x1x128xi32, #tpu.memory_space<vmem>>
      %dma_wait3A_175 = tpu.memref_squeeze %dma_wait3A_174 : memref<1x1x128xi32, #tpu.memory_space<vmem>> -> memref<128xi32, #tpu.memory_space<vmem>>
      %dma_wait3A_176 = arith.constant 0 : i32
      %dma_wait3A_177 = arith.constant 0 : i32
      %dma_wait3A_178 = tpu.memref_slice %arg2[%dma_wait3A_176, %dma_wait3A_177] : memref<10000x128xf32, #tpu.memory_space<hbm>> -> memref<10000x128xf32, #tpu.memory_space<hbm>>
      tpu.wait_indirect_dma semaphore(%arg9 : memref<!tpu.dma_semaphore, #tpu.memory_space<semaphore_mem>>) src(%dma_wait3A_178 : memref<10000x128xf32, #tpu.memory_space<hbm>>) dst(%dma_wait3A_172 : memref<128x128xf32, #tpu.memory_space<vmem>>)
      %dma_start3A_179 = arith.constant 0 : i32
      %dma_start3A_180 = arith.constant 1 : i32
      %dma_start3A_181 = arith.constant 0 : i32
      %dma_start3A_182 = arith.constant 0 : i32
      %dma_start3A_183 = tpu.memref_slice %arg7[%dma_start3A_179, %dma_start3A_181, %dma_start3A_182] : memref<3x128x128xf32, #tpu.memory_space<vmem>> -> memref<1x128x128xf32, #tpu.memory_space<vmem>>
      %dma_start3A_184 = tpu.memref_squeeze %dma_start3A_183 : memref<1x128x128xf32, #tpu.memory_space<vmem>> -> memref<128x128xf32, #tpu.memory_space<vmem>>
      %dma_start3A_185 = arith.constant 0 : i32
      %dma_start3A_186 = tpu.memref_slice %arg6[%rem3A_162, %dma_start3A_180, %dma_start3A_185] : memref<5x2x128xi32, #tpu.memory_space<vmem>> -> memref<1x1x128xi32, #tpu.memory_space<vmem>>
      %dma_start3A_187 = tpu.memref_squeeze %dma_start3A_186 : memref<1x1x128xi32, #tpu.memory_space<vmem>> -> memref<128xi32, #tpu.memory_space<vmem>>
      %dma_start3A_188 = arith.constant 0 : i32
      %dma_start3A_189 = arith.constant 0 : i32
      %dma_start3A_190 = tpu.memref_slice %arg8[%dma_start3A_188, %dma_start3A_189] : memref<10000x128xf32, #tpu.memory_space<vmem_shared>> -> memref<10000x128xf32, #tpu.memory_space<vmem_shared>>
      tpu.enqueue_indirect_dma source(%dma_start3A_184 : memref<128x128xf32, #tpu.memory_space<vmem>>) target(%dma_start3A_190 : memref<10000x128xf32, #tpu.memory_space<vmem_shared>>) offsets(%dma_start3A_187 : memref<128xi32, #tpu.memory_space<vmem>>) semaphore(%arg10 : memref<!tpu.dma_semaphore, #tpu.memory_space<semaphore_mem>>) {add = true}
      %ge3A = arith.constant 1 : i32
      %ge3A_191 = arith.cmpi sge, %add3A_157, %ge3A : i32
      %convert_element_type3A_192 = arith.extui %ge3A_191 : i1 to i32
      %cond3A_193 = arith.constant 0 : i32
      %cond3A_194 = arith.cmpi ne, %convert_element_type3A_192, %cond3A_193 : i32
      scf.if %cond3A_194 {
        %dma_wait3A_325 = arith.constant 2 : i32
        %dma_wait3A_326 = arith.constant 1 : i32
        %dma_wait3A_327 = arith.constant 0 : i32
        %dma_wait3A_328 = arith.constant 0 : i32
        %dma_wait3A_329 = tpu.memref_slice %arg7[%dma_wait3A_325, %dma_wait3A_327, %dma_wait3A_328] : memref<3x128x128xf32, #tpu.memory_space<vmem>> -> memref<1x128x128xf32, #tpu.memory_space<vmem>>
        %dma_wait3A_330 = tpu.memref_squeeze %dma_wait3A_329 : memref<1x128x128xf32, #tpu.memory_space<vmem>> -> memref<128x128xf32, #tpu.memory_space<vmem>>
        %dma_wait3A_331 = arith.constant 0 : i32
        %dma_wait3A_332 = tpu.memref_slice %arg6[%rem3A_162, %dma_wait3A_326, %dma_wait3A_331] : memref<5x2x128xi32, #tpu.memory_space<vmem>> -> memref<1x1x128xi32, #tpu.memory_space<vmem>>
        %dma_wait3A_333 = tpu.memref_squeeze %dma_wait3A_332 : memref<1x1x128xi32, #tpu.memory_space<vmem>> -> memref<128xi32, #tpu.memory_space<vmem>>
        %dma_wait3A_334 = arith.constant 0 : i32
        %dma_wait3A_335 = arith.constant 0 : i32
        %dma_wait3A_336 = tpu.memref_slice %arg8[%dma_wait3A_334, %dma_wait3A_335] : memref<10000x128xf32, #tpu.memory_space<vmem_shared>> -> memref<10000x128xf32, #tpu.memory_space<vmem_shared>>
        tpu.wait_indirect_dma semaphore(%arg10 : memref<!tpu.dma_semaphore, #tpu.memory_space<semaphore_mem>>) src(%dma_wait3A_330 : memref<128x128xf32, #tpu.memory_space<vmem>>) dst(%dma_wait3A_336 : memref<10000x128xf32, #tpu.memory_space<vmem_shared>>)
      } else {
      }
      %add3A_195 = arith.constant 4 : i32
      %add3A_196 = arith.addi %add3A_161, %add3A_195 : i32
      %lt3A_197 = arith.constant 78 : i32
      %lt3A_198 = arith.cmpi slt, %add3A_196, %lt3A_197 : i32
      %convert_element_type3A_199 = arith.extui %lt3A_198 : i1 to i32
      %cond3A_200 = arith.constant 0 : i32
      %cond3A_201 = arith.cmpi ne, %convert_element_type3A_199, %cond3A_200 : i32
      scf.if %cond3A_201 {
        %add3A_325 = arith.constant 4 : i32
        %add3A_326 = arith.addi %add3A_161, %add3A_325 : i32
        %add3A_327 = arith.constant 4 : i32
        %add3A_328 = arith.addi %add3A_161, %add3A_327 : i32
        %rem3A_329 = arith.constant 5 : i32
        %rem3A_330 = arith.remsi %add3A_328, %rem3A_329 : i32
        %mul3A_331 = arith.constant 128 : i32
        %mul3A_332 = arith.muli %add3A_326, %mul3A_331 : i32
        %add3A_333 = arith.addi %mul3A_2, %mul3A_332 : i32
        %dma_start3A_334 = arith.constant 0 : i32
        %dma_start3A_335 = arith.constant 0 : i32
        %dma_start3A_336 = tpu.memref_slice %arg6[%rem3A_330, %dma_start3A_334, %dma_start3A_335] : memref<5x2x128xi32, #tpu.memory_space<vmem>> -> memref<1x2x128xi32, #tpu.memory_space<vmem>>
        %dma_start3A_337 = tpu.memref_squeeze %dma_start3A_336 : memref<1x2x128xi32, #tpu.memory_space<vmem>> -> memref<2x128xi32, #tpu.memory_space<vmem>>
        %dma_start3A_338 = arith.constant 0 : i32
        %dma_start3A_339 = tpu.memref_slice %arg3[%dma_start3A_338, %add3A_333] : memref<2x320000xi32, #tpu.memory_space<hbm>> -> memref<2x128xi32, #tpu.memory_space<hbm>>
        %dma_start3A_340 = arith.constant 0 : i32
        %dma_start3A_341 = arith.constant 0 : i32
        %dma_start3A_342 = tpu.memref_slice %arg6[%rem3A_330, %dma_start3A_340, %dma_start3A_341] : memref<5x2x128xi32, #tpu.memory_space<vmem>> -> memref<1x2x128xi32, #tpu.memory_space<vmem>>
        %dma_start3A_343 = tpu.memref_squeeze %dma_start3A_342 : memref<1x2x128xi32, #tpu.memory_space<vmem>> -> memref<2x128xi32, #tpu.memory_space<vmem>>
        %dma_start3A_344 = arith.constant 0 : i32
        %dma_start3A_345 = tpu.memref_slice %arg3[%dma_start3A_344, %add3A_333] : memref<2x320000xi32, #tpu.memory_space<hbm>> -> memref<2x128xi32, #tpu.memory_space<hbm>>
        tpu.enqueue_dma source(%dma_start3A_345 : memref<2x128xi32, #tpu.memory_space<hbm>>) target(%dma_start3A_343 : memref<2x128xi32, #tpu.memory_space<vmem>>) target_semaphore(%arg11 : memref<!tpu.dma_semaphore, #tpu.memory_space<semaphore_mem>>)
      } else {
      }
      %add3A_202 = arith.constant 2 : i32
      %add3A_203 = arith.addi %add3A_161, %add3A_202 : i32
      %lt3A_204 = arith.constant 78 : i32
      %lt3A_205 = arith.cmpi slt, %add3A_203, %lt3A_204 : i32
      %convert_element_type3A_206 = arith.extui %lt3A_205 : i1 to i32
      %cond3A_207 = arith.constant 0 : i32
      %cond3A_208 = arith.cmpi ne, %convert_element_type3A_206, %cond3A_207 : i32
      scf.if %cond3A_208 {
        %add3A_325 = arith.constant 2 : i32
        %add3A_326 = arith.addi %add3A_161, %add3A_325 : i32
        %mul3A_327 = arith.constant 128 : i32
        %mul3A_328 = arith.muli %add3A_326, %mul3A_327 : i32
        %add3A_329 = arith.addi %mul3A_2, %mul3A_328 : i32
        %dma_wait3A_330 = arith.constant 0 : i32
        %dma_wait3A_331 = arith.constant 0 : i32
        %dma_wait3A_332 = tpu.memref_slice %arg6[%rem3A_166, %dma_wait3A_330, %dma_wait3A_331] : memref<5x2x128xi32, #tpu.memory_space<vmem>> -> memref<1x2x128xi32, #tpu.memory_space<vmem>>
        %dma_wait3A_333 = tpu.memref_squeeze %dma_wait3A_332 : memref<1x2x128xi32, #tpu.memory_space<vmem>> -> memref<2x128xi32, #tpu.memory_space<vmem>>
        %dma_wait3A_334 = arith.constant 0 : i32
        %dma_wait3A_335 = tpu.memref_slice %arg3[%dma_wait3A_334, %add3A_329] : memref<2x320000xi32, #tpu.memory_space<hbm>> -> memref<2x128xi32, #tpu.memory_space<hbm>>
        %dma_wait3A_336 = arith.constant 0 : i32
        %dma_wait3A_337 = arith.constant 0 : i32
        %dma_wait3A_338 = tpu.memref_slice %arg6[%rem3A_166, %dma_wait3A_336, %dma_wait3A_337] : memref<5x2x128xi32, #tpu.memory_space<vmem>> -> memref<1x2x128xi32, #tpu.memory_space<vmem>>
        %dma_wait3A_339 = tpu.memref_squeeze %dma_wait3A_338 : memref<1x2x128xi32, #tpu.memory_space<vmem>> -> memref<2x128xi32, #tpu.memory_space<vmem>>
        %dma_wait3A_340 = arith.constant 0 : i32
        %dma_wait3A_341 = tpu.memref_slice %arg3[%dma_wait3A_340, %add3A_329] : memref<2x320000xi32, #tpu.memory_space<hbm>> -> memref<2x128xi32, #tpu.memory_space<hbm>>
        tpu.wait_dma2 semaphore(%arg11 : memref<!tpu.dma_semaphore, #tpu.memory_space<semaphore_mem>>) src(%dma_wait3A_341 : memref<2x128xi32, #tpu.memory_space<hbm>>) dst(%dma_wait3A_339 : memref<2x128xi32, #tpu.memory_space<vmem>>)
        %dma_start3A_342 = arith.constant 0 : i32
        %dma_start3A_343 = arith.constant 2 : i32
        %dma_start3A_344 = arith.constant 0 : i32
        %dma_start3A_345 = arith.constant 0 : i32
        %dma_start3A_346 = tpu.memref_slice %arg7[%dma_start3A_343, %dma_start3A_344, %dma_start3A_345] : memref<3x128x128xf32, #tpu.memory_space<vmem>> -> memref<1x128x128xf32, #tpu.memory_space<vmem>>
        %dma_start3A_347 = tpu.memref_squeeze %dma_start3A_346 : memref<1x128x128xf32, #tpu.memory_space<vmem>> -> memref<128x128xf32, #tpu.memory_space<vmem>>
        %dma_start3A_348 = arith.constant 0 : i32
        %dma_start3A_349 = tpu.memref_slice %arg6[%rem3A_166, %dma_start3A_342, %dma_start3A_348] : memref<5x2x128xi32, #tpu.memory_space<vmem>> -> memref<1x1x128xi32, #tpu.memory_space<vmem>>
        %dma_start3A_350 = tpu.memref_squeeze %dma_start3A_349 : memref<1x1x128xi32, #tpu.memory_space<vmem>> -> memref<128xi32, #tpu.memory_space<vmem>>
        %dma_start3A_351 = arith.constant 0 : i32
        %dma_start3A_352 = arith.constant 0 : i32
        %dma_start3A_353 = tpu.memref_slice %arg2[%dma_start3A_351, %dma_start3A_352] : memref<10000x128xf32, #tpu.memory_space<hbm>> -> memref<10000x128xf32, #tpu.memory_space<hbm>>
        tpu.enqueue_indirect_dma source(%dma_start3A_353 : memref<10000x128xf32, #tpu.memory_space<hbm>>) target(%dma_start3A_347 : memref<128x128xf32, #tpu.memory_space<vmem>>) offsets(%dma_start3A_350 : memref<128xi32, #tpu.memory_space<vmem>>) semaphore(%arg9 : memref<!tpu.dma_semaphore, #tpu.memory_space<semaphore_mem>>)
      } else {
      }
      %add3A_209 = arith.constant 1 : i32
      %add3A_210 = arith.addi %mul3A_159, %add3A_209 : i32
      %rem3A_211 = arith.constant 5 : i32
      %rem3A_212 = arith.remsi %add3A_210, %rem3A_211 : i32
      %add3A_213 = arith.constant 2 : i32
      %add3A_214 = arith.addi %add3A_210, %add3A_213 : i32
      %rem3A_215 = arith.constant 5 : i32
      %rem3A_216 = arith.remsi %add3A_214, %rem3A_215 : i32
      %dma_wait3A_217 = arith.constant 0 : i32
      %dma_wait3A_218 = arith.constant 1 : i32
      %dma_wait3A_219 = arith.constant 0 : i32
      %dma_wait3A_220 = arith.constant 0 : i32
      %dma_wait3A_221 = tpu.memref_slice %arg7[%dma_wait3A_218, %dma_wait3A_219, %dma_wait3A_220] : memref<3x128x128xf32, #tpu.memory_space<vmem>> -> memref<1x128x128xf32, #tpu.memory_space<vmem>>
      %dma_wait3A_222 = tpu.memref_squeeze %dma_wait3A_221 : memref<1x128x128xf32, #tpu.memory_space<vmem>> -> memref<128x128xf32, #tpu.memory_space<vmem>>
      %dma_wait3A_223 = arith.constant 0 : i32
      %dma_wait3A_224 = tpu.memref_slice %arg6[%rem3A_212, %dma_wait3A_217, %dma_wait3A_223] : memref<5x2x128xi32, #tpu.memory_space<vmem>> -> memref<1x1x128xi32, #tpu.memory_space<vmem>>
      %dma_wait3A_225 = tpu.memref_squeeze %dma_wait3A_224 : memref<1x1x128xi32, #tpu.memory_space<vmem>> -> memref<128xi32, #tpu.memory_space<vmem>>
      %dma_wait3A_226 = arith.constant 0 : i32
      %dma_wait3A_227 = arith.constant 0 : i32
      %dma_wait3A_228 = tpu.memref_slice %arg2[%dma_wait3A_226, %dma_wait3A_227] : memref<10000x128xf32, #tpu.memory_space<hbm>> -> memref<10000x128xf32, #tpu.memory_space<hbm>>
      tpu.wait_indirect_dma semaphore(%arg9 : memref<!tpu.dma_semaphore, #tpu.memory_space<semaphore_mem>>) src(%dma_wait3A_228 : memref<10000x128xf32, #tpu.memory_space<hbm>>) dst(%dma_wait3A_222 : memref<128x128xf32, #tpu.memory_space<vmem>>)
      %dma_start3A_229 = arith.constant 1 : i32
      %dma_start3A_230 = arith.constant 1 : i32
      %dma_start3A_231 = arith.constant 0 : i32
      %dma_start3A_232 = arith.constant 0 : i32
      %dma_start3A_233 = tpu.memref_slice %arg7[%dma_start3A_229, %dma_start3A_231, %dma_start3A_232] : memref<3x128x128xf32, #tpu.memory_space<vmem>> -> memref<1x128x128xf32, #tpu.memory_space<vmem>>
      %dma_start3A_234 = tpu.memref_squeeze %dma_start3A_233 : memref<1x128x128xf32, #tpu.memory_space<vmem>> -> memref<128x128xf32, #tpu.memory_space<vmem>>
      %dma_start3A_235 = arith.constant 0 : i32
      %dma_start3A_236 = tpu.memref_slice %arg6[%rem3A_212, %dma_start3A_230, %dma_start3A_235] : memref<5x2x128xi32, #tpu.memory_space<vmem>> -> memref<1x1x128xi32, #tpu.memory_space<vmem>>
      %dma_start3A_237 = tpu.memref_squeeze %dma_start3A_236 : memref<1x1x128xi32, #tpu.memory_space<vmem>> -> memref<128xi32, #tpu.memory_space<vmem>>
      %dma_start3A_238 = arith.constant 0 : i32
      %dma_start3A_239 = arith.constant 0 : i32
      %dma_start3A_240 = tpu.memref_slice %arg8[%dma_start3A_238, %dma_start3A_239] : memref<10000x128xf32, #tpu.memory_space<vmem_shared>> -> memref<10000x128xf32, #tpu.memory_space<vmem_shared>>
      tpu.enqueue_indirect_dma source(%dma_start3A_234 : memref<128x128xf32, #tpu.memory_space<vmem>>) target(%dma_start3A_240 : memref<10000x128xf32, #tpu.memory_space<vmem_shared>>) offsets(%dma_start3A_237 : memref<128xi32, #tpu.memory_space<vmem>>) semaphore(%arg10 : memref<!tpu.dma_semaphore, #tpu.memory_space<semaphore_mem>>) {add = true}
      %dma_wait3A_241 = arith.constant 0 : i32
      %dma_wait3A_242 = arith.constant 1 : i32
      %dma_wait3A_243 = arith.constant 0 : i32
      %dma_wait3A_244 = arith.constant 0 : i32
      %dma_wait3A_245 = tpu.memref_slice %arg7[%dma_wait3A_241, %dma_wait3A_243, %dma_wait3A_244] : memref<3x128x128xf32, #tpu.memory_space<vmem>> -> memref<1x128x128xf32, #tpu.memory_space<vmem>>
      %dma_wait3A_246 = tpu.memref_squeeze %dma_wait3A_245 : memref<1x128x128xf32, #tpu.memory_space<vmem>> -> memref<128x128xf32, #tpu.memory_space<vmem>>
      %dma_wait3A_247 = arith.constant 0 : i32
      %dma_wait3A_248 = tpu.memref_slice %arg6[%rem3A_162, %dma_wait3A_242, %dma_wait3A_247] : memref<5x2x128xi32, #tpu.memory_space<vmem>> -> memref<1x1x128xi32, #tpu.memory_space<vmem>>
      %dma_wait3A_249 = tpu.memref_squeeze %dma_wait3A_248 : memref<1x1x128xi32, #tpu.memory_space<vmem>> -> memref<128xi32, #tpu.memory_space<vmem>>
      %dma_wait3A_250 = arith.constant 0 : i32
      %dma_wait3A_251 = arith.constant 0 : i32
      %dma_wait3A_252 = tpu.memref_slice %arg8[%dma_wait3A_250, %dma_wait3A_251] : memref<10000x128xf32, #tpu.memory_space<vmem_shared>> -> memref<10000x128xf32, #tpu.memory_space<vmem_shared>>
      tpu.wait_indirect_dma semaphore(%arg10 : memref<!tpu.dma_semaphore, #tpu.memory_space<semaphore_mem>>) src(%dma_wait3A_246 : memref<128x128xf32, #tpu.memory_space<vmem>>) dst(%dma_wait3A_252 : memref<10000x128xf32, #tpu.memory_space<vmem_shared>>)
      %add3A_253 = arith.constant 4 : i32
      %add3A_254 = arith.addi %add3A_210, %add3A_253 : i32
      %lt3A_255 = arith.constant 78 : i32
      %lt3A_256 = arith.cmpi slt, %add3A_254, %lt3A_255 : i32
      %convert_element_type3A_257 = arith.extui %lt3A_256 : i1 to i32
      %cond3A_258 = arith.constant 0 : i32
      %cond3A_259 = arith.cmpi ne, %convert_element_type3A_257, %cond3A_258 : i32
      scf.if %cond3A_259 {
        %add3A_325 = arith.constant 4 : i32
        %add3A_326 = arith.addi %add3A_210, %add3A_325 : i32
        %add3A_327 = arith.constant 4 : i32
        %add3A_328 = arith.addi %add3A_210, %add3A_327 : i32
        %rem3A_329 = arith.constant 5 : i32
        %rem3A_330 = arith.remsi %add3A_328, %rem3A_329 : i32
        %mul3A_331 = arith.constant 128 : i32
        %mul3A_332 = arith.muli %add3A_326, %mul3A_331 : i32
        %add3A_333 = arith.addi %mul3A_2, %mul3A_332 : i32
        %dma_start3A_334 = arith.constant 0 : i32
        %dma_start3A_335 = arith.constant 0 : i32
        %dma_start3A_336 = tpu.memref_slice %arg6[%rem3A_330, %dma_start3A_334, %dma_start3A_335] : memref<5x2x128xi32, #tpu.memory_space<vmem>> -> memref<1x2x128xi32, #tpu.memory_space<vmem>>
        %dma_start3A_337 = tpu.memref_squeeze %dma_start3A_336 : memref<1x2x128xi32, #tpu.memory_space<vmem>> -> memref<2x128xi32, #tpu.memory_space<vmem>>
        %dma_start3A_338 = arith.constant 0 : i32
        %dma_start3A_339 = tpu.memref_slice %arg3[%dma_start3A_338, %add3A_333] : memref<2x320000xi32, #tpu.memory_space<hbm>> -> memref<2x128xi32, #tpu.memory_space<hbm>>
        %dma_start3A_340 = arith.constant 0 : i32
        %dma_start3A_341 = arith.constant 0 : i32
        %dma_start3A_342 = tpu.memref_slice %arg6[%rem3A_330, %dma_start3A_340, %dma_start3A_341] : memref<5x2x128xi32, #tpu.memory_space<vmem>> -> memref<1x2x128xi32, #tpu.memory_space<vmem>>
        %dma_start3A_343 = tpu.memref_squeeze %dma_start3A_342 : memref<1x2x128xi32, #tpu.memory_space<vmem>> -> memref<2x128xi32, #tpu.memory_space<vmem>>
        %dma_start3A_344 = arith.constant 0 : i32
        %dma_start3A_345 = tpu.memref_slice %arg3[%dma_start3A_344, %add3A_333] : memref<2x320000xi32, #tpu.memory_space<hbm>> -> memref<2x128xi32, #tpu.memory_space<hbm>>
        tpu.enqueue_dma source(%dma_start3A_345 : memref<2x128xi32, #tpu.memory_space<hbm>>) target(%dma_start3A_343 : memref<2x128xi32, #tpu.memory_space<vmem>>) target_semaphore(%arg11 : memref<!tpu.dma_semaphore, #tpu.memory_space<semaphore_mem>>)
      } else {
      }
      %add3A_260 = arith.constant 2 : i32
      %add3A_261 = arith.addi %add3A_210, %add3A_260 : i32
      %lt3A_262 = arith.constant 78 : i32
      %lt3A_263 = arith.cmpi slt, %add3A_261, %lt3A_262 : i32
      %convert_element_type3A_264 = arith.extui %lt3A_263 : i1 to i32
      %cond3A_265 = arith.constant 0 : i32
      %cond3A_266 = arith.cmpi ne, %convert_element_type3A_264, %cond3A_265 : i32
      scf.if %cond3A_266 {
        %add3A_325 = arith.constant 2 : i32
        %add3A_326 = arith.addi %add3A_210, %add3A_325 : i32
        %mul3A_327 = arith.constant 128 : i32
        %mul3A_328 = arith.muli %add3A_326, %mul3A_327 : i32
        %add3A_329 = arith.addi %mul3A_2, %mul3A_328 : i32
        %dma_wait3A_330 = arith.constant 0 : i32
        %dma_wait3A_331 = arith.constant 0 : i32
        %dma_wait3A_332 = tpu.memref_slice %arg6[%rem3A_216, %dma_wait3A_330, %dma_wait3A_331] : memref<5x2x128xi32, #tpu.memory_space<vmem>> -> memref<1x2x128xi32, #tpu.memory_space<vmem>>
        %dma_wait3A_333 = tpu.memref_squeeze %dma_wait3A_332 : memref<1x2x128xi32, #tpu.memory_space<vmem>> -> memref<2x128xi32, #tpu.memory_space<vmem>>
        %dma_wait3A_334 = arith.constant 0 : i32
        %dma_wait3A_335 = tpu.memref_slice %arg3[%dma_wait3A_334, %add3A_329] : memref<2x320000xi32, #tpu.memory_space<hbm>> -> memref<2x128xi32, #tpu.memory_space<hbm>>
        %dma_wait3A_336 = arith.constant 0 : i32
        %dma_wait3A_337 = arith.constant 0 : i32
        %dma_wait3A_338 = tpu.memref_slice %arg6[%rem3A_216, %dma_wait3A_336, %dma_wait3A_337] : memref<5x2x128xi32, #tpu.memory_space<vmem>> -> memref<1x2x128xi32, #tpu.memory_space<vmem>>
        %dma_wait3A_339 = tpu.memref_squeeze %dma_wait3A_338 : memref<1x2x128xi32, #tpu.memory_space<vmem>> -> memref<2x128xi32, #tpu.memory_space<vmem>>
        %dma_wait3A_340 = arith.constant 0 : i32
        %dma_wait3A_341 = tpu.memref_slice %arg3[%dma_wait3A_340, %add3A_329] : memref<2x320000xi32, #tpu.memory_space<hbm>> -> memref<2x128xi32, #tpu.memory_space<hbm>>
        tpu.wait_dma2 semaphore(%arg11 : memref<!tpu.dma_semaphore, #tpu.memory_space<semaphore_mem>>) src(%dma_wait3A_341 : memref<2x128xi32, #tpu.memory_space<hbm>>) dst(%dma_wait3A_339 : memref<2x128xi32, #tpu.memory_space<vmem>>)
        %dma_start3A_342 = arith.constant 0 : i32
        %dma_start3A_343 = arith.constant 0 : i32
        %dma_start3A_344 = arith.constant 0 : i32
        %dma_start3A_345 = arith.constant 0 : i32
        %dma_start3A_346 = tpu.memref_slice %arg7[%dma_start3A_343, %dma_start3A_344, %dma_start3A_345] : memref<3x128x128xf32, #tpu.memory_space<vmem>> -> memref<1x128x128xf32, #tpu.memory_space<vmem>>
        %dma_start3A_347 = tpu.memref_squeeze %dma_start3A_346 : memref<1x128x128xf32, #tpu.memory_space<vmem>> -> memref<128x128xf32, #tpu.memory_space<vmem>>
        %dma_start3A_348 = arith.constant 0 : i32
        %dma_start3A_349 = tpu.memref_slice %arg6[%rem3A_216, %dma_start3A_342, %dma_start3A_348] : memref<5x2x128xi32, #tpu.memory_space<vmem>> -> memref<1x1x128xi32, #tpu.memory_space<vmem>>
        %dma_start3A_350 = tpu.memref_squeeze %dma_start3A_349 : memref<1x1x128xi32, #tpu.memory_space<vmem>> -> memref<128xi32, #tpu.memory_space<vmem>>
        %dma_start3A_351 = arith.constant 0 : i32
        %dma_start3A_352 = arith.constant 0 : i32
        %dma_start3A_353 = tpu.memref_slice %arg2[%dma_start3A_351, %dma_start3A_352] : memref<10000x128xf32, #tpu.memory_space<hbm>> -> memref<10000x128xf32, #tpu.memory_space<hbm>>
        tpu.enqueue_indirect_dma source(%dma_start3A_353 : memref<10000x128xf32, #tpu.memory_space<hbm>>) target(%dma_start3A_347 : memref<128x128xf32, #tpu.memory_space<vmem>>) offsets(%dma_start3A_350 : memref<128xi32, #tpu.memory_space<vmem>>) semaphore(%arg9 : memref<!tpu.dma_semaphore, #tpu.memory_space<semaphore_mem>>)
      } else {
      }
      %add3A_267 = arith.constant 2 : i32
      %add3A_268 = arith.addi %mul3A_159, %add3A_267 : i32
      %rem3A_269 = arith.constant 5 : i32
      %rem3A_270 = arith.remsi %add3A_268, %rem3A_269 : i32
      %add3A_271 = arith.constant 2 : i32
      %add3A_272 = arith.addi %add3A_268, %add3A_271 : i32
      %rem3A_273 = arith.constant 5 : i32
      %rem3A_274 = arith.remsi %add3A_272, %rem3A_273 : i32
      %dma_wait3A_275 = arith.constant 0 : i32
      %dma_wait3A_276 = arith.constant 2 : i32
      %dma_wait3A_277 = arith.constant 0 : i32
      %dma_wait3A_278 = arith.constant 0 : i32
      %dma_wait3A_279 = tpu.memref_slice %arg7[%dma_wait3A_276, %dma_wait3A_277, %dma_wait3A_278] : memref<3x128x128xf32, #tpu.memory_space<vmem>> -> memref<1x128x128xf32, #tpu.memory_space<vmem>>
      %dma_wait3A_280 = tpu.memref_squeeze %dma_wait3A_279 : memref<1x128x128xf32, #tpu.memory_space<vmem>> -> memref<128x128xf32, #tpu.memory_space<vmem>>
      %dma_wait3A_281 = arith.constant 0 : i32
      %dma_wait3A_282 = tpu.memref_slice %arg6[%rem3A_270, %dma_wait3A_275, %dma_wait3A_281] : memref<5x2x128xi32, #tpu.memory_space<vmem>> -> memref<1x1x128xi32, #tpu.memory_space<vmem>>
      %dma_wait3A_283 = tpu.memref_squeeze %dma_wait3A_282 : memref<1x1x128xi32, #tpu.memory_space<vmem>> -> memref<128xi32, #tpu.memory_space<vmem>>
      %dma_wait3A_284 = arith.constant 0 : i32
      %dma_wait3A_285 = arith.constant 0 : i32
      %dma_wait3A_286 = tpu.memref_slice %arg2[%dma_wait3A_284, %dma_wait3A_285] : memref<10000x128xf32, #tpu.memory_space<hbm>> -> memref<10000x128xf32, #tpu.memory_space<hbm>>
      tpu.wait_indirect_dma semaphore(%arg9 : memref<!tpu.dma_semaphore, #tpu.memory_space<semaphore_mem>>) src(%dma_wait3A_286 : memref<10000x128xf32, #tpu.memory_space<hbm>>) dst(%dma_wait3A_280 : memref<128x128xf32, #tpu.memory_space<vmem>>)
      %dma_start3A_287 = arith.constant 2 : i32
      %dma_start3A_288 = arith.constant 1 : i32
      %dma_start3A_289 = arith.constant 0 : i32
      %dma_start3A_290 = arith.constant 0 : i32
      %dma_start3A_291 = tpu.memref_slice %arg7[%dma_start3A_287, %dma_start3A_289, %dma_start3A_290] : memref<3x128x128xf32, #tpu.memory_space<vmem>> -> memref<1x128x128xf32, #tpu.memory_space<vmem>>
      %dma_start3A_292 = tpu.memref_squeeze %dma_start3A_291 : memref<1x128x128xf32, #tpu.memory_space<vmem>> -> memref<128x128xf32, #tpu.memory_space<vmem>>
      %dma_start3A_293 = arith.constant 0 : i32
      %dma_start3A_294 = tpu.memref_slice %arg6[%rem3A_270, %dma_start3A_288, %dma_start3A_293] : memref<5x2x128xi32, #tpu.memory_space<vmem>> -> memref<1x1x128xi32, #tpu.memory_space<vmem>>
      %dma_start3A_295 = tpu.memref_squeeze %dma_start3A_294 : memref<1x1x128xi32, #tpu.memory_space<vmem>> -> memref<128xi32, #tpu.memory_space<vmem>>
      %dma_start3A_296 = arith.constant 0 : i32
      %dma_start3A_297 = arith.constant 0 : i32
      %dma_start3A_298 = tpu.memref_slice %arg8[%dma_start3A_296, %dma_start3A_297] : memref<10000x128xf32, #tpu.memory_space<vmem_shared>> -> memref<10000x128xf32, #tpu.memory_space<vmem_shared>>
      tpu.enqueue_indirect_dma source(%dma_start3A_292 : memref<128x128xf32, #tpu.memory_space<vmem>>) target(%dma_start3A_298 : memref<10000x128xf32, #tpu.memory_space<vmem_shared>>) offsets(%dma_start3A_295 : memref<128xi32, #tpu.memory_space<vmem>>) semaphore(%arg10 : memref<!tpu.dma_semaphore, #tpu.memory_space<semaphore_mem>>) {add = true}
      %dma_wait3A_299 = arith.constant 1 : i32
      %dma_wait3A_300 = arith.constant 1 : i32
      %dma_wait3A_301 = arith.constant 0 : i32
      %dma_wait3A_302 = arith.constant 0 : i32
      %dma_wait3A_303 = tpu.memref_slice %arg7[%dma_wait3A_299, %dma_wait3A_301, %dma_wait3A_302] : memref<3x128x128xf32, #tpu.memory_space<vmem>> -> memref<1x128x128xf32, #tpu.memory_space<vmem>>
      %dma_wait3A_304 = tpu.memref_squeeze %dma_wait3A_303 : memref<1x128x128xf32, #tpu.memory_space<vmem>> -> memref<128x128xf32, #tpu.memory_space<vmem>>
      %dma_wait3A_305 = arith.constant 0 : i32
      %dma_wait3A_306 = tpu.memref_slice %arg6[%rem3A_212, %dma_wait3A_300, %dma_wait3A_305] : memref<5x2x128xi32, #tpu.memory_space<vmem>> -> memref<1x1x128xi32, #tpu.memory_space<vmem>>
      %dma_wait3A_307 = tpu.memref_squeeze %dma_wait3A_306 : memref<1x1x128xi32, #tpu.memory_space<vmem>> -> memref<128xi32, #tpu.memory_space<vmem>>
      %dma_wait3A_308 = arith.constant 0 : i32
      %dma_wait3A_309 = arith.constant 0 : i32
      %dma_wait3A_310 = tpu.memref_slice %arg8[%dma_wait3A_308, %dma_wait3A_309] : memref<10000x128xf32, #tpu.memory_space<vmem_shared>> -> memref<10000x128xf32, #tpu.memory_space<vmem_shared>>
      tpu.wait_indirect_dma semaphore(%arg10 : memref<!tpu.dma_semaphore, #tpu.memory_space<semaphore_mem>>) src(%dma_wait3A_304 : memref<128x128xf32, #tpu.memory_space<vmem>>) dst(%dma_wait3A_310 : memref<10000x128xf32, #tpu.memory_space<vmem_shared>>)
      %add3A_311 = arith.constant 4 : i32
      %add3A_312 = arith.addi %add3A_268, %add3A_311 : i32
      %lt3A_313 = arith.constant 78 : i32
      %lt3A_314 = arith.cmpi slt, %add3A_312, %lt3A_313 : i32
      %convert_element_type3A_315 = arith.extui %lt3A_314 : i1 to i32
      %cond3A_316 = arith.constant 0 : i32
      %cond3A_317 = arith.cmpi ne, %convert_element_type3A_315, %cond3A_316 : i32
      scf.if %cond3A_317 {
        %add3A_325 = arith.constant 4 : i32
        %add3A_326 = arith.addi %add3A_268, %add3A_325 : i32
        %add3A_327 = arith.constant 4 : i32
        %add3A_328 = arith.addi %add3A_268, %add3A_327 : i32
        %rem3A_329 = arith.constant 5 : i32
        %rem3A_330 = arith.remsi %add3A_328, %rem3A_329 : i32
        %mul3A_331 = arith.constant 128 : i32
        %mul3A_332 = arith.muli %add3A_326, %mul3A_331 : i32
        %add3A_333 = arith.addi %mul3A_2, %mul3A_332 : i32
        %dma_start3A_334 = arith.constant 0 : i32
        %dma_start3A_335 = arith.constant 0 : i32
        %dma_start3A_336 = tpu.memref_slice %arg6[%rem3A_330, %dma_start3A_334, %dma_start3A_335] : memref<5x2x128xi32, #tpu.memory_space<vmem>> -> memref<1x2x128xi32, #tpu.memory_space<vmem>>
        %dma_start3A_337 = tpu.memref_squeeze %dma_start3A_336 : memref<1x2x128xi32, #tpu.memory_space<vmem>> -> memref<2x128xi32, #tpu.memory_space<vmem>>
        %dma_start3A_338 = arith.constant 0 : i32
        %dma_start3A_339 = tpu.memref_slice %arg3[%dma_start3A_338, %add3A_333] : memref<2x320000xi32, #tpu.memory_space<hbm>> -> memref<2x128xi32, #tpu.memory_space<hbm>>
        %dma_start3A_340 = arith.constant 0 : i32
        %dma_start3A_341 = arith.constant 0 : i32
        %dma_start3A_342 = tpu.memref_slice %arg6[%rem3A_330, %dma_start3A_340, %dma_start3A_341] : memref<5x2x128xi32, #tpu.memory_space<vmem>> -> memref<1x2x128xi32, #tpu.memory_space<vmem>>
        %dma_start3A_343 = tpu.memref_squeeze %dma_start3A_342 : memref<1x2x128xi32, #tpu.memory_space<vmem>> -> memref<2x128xi32, #tpu.memory_space<vmem>>
        %dma_start3A_344 = arith.constant 0 : i32
        %dma_start3A_345 = tpu.memref_slice %arg3[%dma_start3A_344, %add3A_333] : memref<2x320000xi32, #tpu.memory_space<hbm>> -> memref<2x128xi32, #tpu.memory_space<hbm>>
        tpu.enqueue_dma source(%dma_start3A_345 : memref<2x128xi32, #tpu.memory_space<hbm>>) target(%dma_start3A_343 : memref<2x128xi32, #tpu.memory_space<vmem>>) target_semaphore(%arg11 : memref<!tpu.dma_semaphore, #tpu.memory_space<semaphore_mem>>)
      } else {
      }
      %add3A_318 = arith.constant 2 : i32
      %add3A_319 = arith.addi %add3A_268, %add3A_318 : i32
      %lt3A_320 = arith.constant 78 : i32
      %lt3A_321 = arith.cmpi slt, %add3A_319, %lt3A_320 : i32
      %convert_element_type3A_322 = arith.extui %lt3A_321 : i1 to i32
      %cond3A_323 = arith.constant 0 : i32
      %cond3A_324 = arith.cmpi ne, %convert_element_type3A_322, %cond3A_323 : i32
      scf.if %cond3A_324 {
        %add3A_325 = arith.constant 2 : i32
        %add3A_326 = arith.addi %add3A_268, %add3A_325 : i32
        %mul3A_327 = arith.constant 128 : i32
        %mul3A_328 = arith.muli %add3A_326, %mul3A_327 : i32
        %add3A_329 = arith.addi %mul3A_2, %mul3A_328 : i32
        %dma_wait3A_330 = arith.constant 0 : i32
        %dma_wait3A_331 = arith.constant 0 : i32
        %dma_wait3A_332 = tpu.memref_slice %arg6[%rem3A_274, %dma_wait3A_330, %dma_wait3A_331] : memref<5x2x128xi32, #tpu.memory_space<vmem>> -> memref<1x2x128xi32, #tpu.memory_space<vmem>>
        %dma_wait3A_333 = tpu.memref_squeeze %dma_wait3A_332 : memref<1x2x128xi32, #tpu.memory_space<vmem>> -> memref<2x128xi32, #tpu.memory_space<vmem>>
        %dma_wait3A_334 = arith.constant 0 : i32
        %dma_wait3A_335 = tpu.memref_slice %arg3[%dma_wait3A_334, %add3A_329] : memref<2x320000xi32, #tpu.memory_space<hbm>> -> memref<2x128xi32, #tpu.memory_space<hbm>>
        %dma_wait3A_336 = arith.constant 0 : i32
        %dma_wait3A_337 = arith.constant 0 : i32
        %dma_wait3A_338 = tpu.memref_slice %arg6[%rem3A_274, %dma_wait3A_336, %dma_wait3A_337] : memref<5x2x128xi32, #tpu.memory_space<vmem>> -> memref<1x2x128xi32, #tpu.memory_space<vmem>>
        %dma_wait3A_339 = tpu.memref_squeeze %dma_wait3A_338 : memref<1x2x128xi32, #tpu.memory_space<vmem>> -> memref<2x128xi32, #tpu.memory_space<vmem>>
        %dma_wait3A_340 = arith.constant 0 : i32
        %dma_wait3A_341 = tpu.memref_slice %arg3[%dma_wait3A_340, %add3A_329] : memref<2x320000xi32, #tpu.memory_space<hbm>> -> memref<2x128xi32, #tpu.memory_space<hbm>>
        tpu.wait_dma2 semaphore(%arg11 : memref<!tpu.dma_semaphore, #tpu.memory_space<semaphore_mem>>) src(%dma_wait3A_341 : memref<2x128xi32, #tpu.memory_space<hbm>>) dst(%dma_wait3A_339 : memref<2x128xi32, #tpu.memory_space<vmem>>)
        %dma_start3A_342 = arith.constant 0 : i32
        %dma_start3A_343 = arith.constant 1 : i32
        %dma_start3A_344 = arith.constant 0 : i32
        %dma_start3A_345 = arith.constant 0 : i32
        %dma_start3A_346 = tpu.memref_slice %arg7[%dma_start3A_343, %dma_start3A_344, %dma_start3A_345] : memref<3x128x128xf32, #tpu.memory_space<vmem>> -> memref<1x128x128xf32, #tpu.memory_space<vmem>>
        %dma_start3A_347 = tpu.memref_squeeze %dma_start3A_346 : memref<1x128x128xf32, #tpu.memory_space<vmem>> -> memref<128x128xf32, #tpu.memory_space<vmem>>
        %dma_start3A_348 = arith.constant 0 : i32
        %dma_start3A_349 = tpu.memref_slice %arg6[%rem3A_274, %dma_start3A_342, %dma_start3A_348] : memref<5x2x128xi32, #tpu.memory_space<vmem>> -> memref<1x1x128xi32, #tpu.memory_space<vmem>>
        %dma_start3A_350 = tpu.memref_squeeze %dma_start3A_349 : memref<1x1x128xi32, #tpu.memory_space<vmem>> -> memref<128xi32, #tpu.memory_space<vmem>>
        %dma_start3A_351 = arith.constant 0 : i32
        %dma_start3A_352 = arith.constant 0 : i32
        %dma_start3A_353 = tpu.memref_slice %arg2[%dma_start3A_351, %dma_start3A_352] : memref<10000x128xf32, #tpu.memory_space<hbm>> -> memref<10000x128xf32, #tpu.memory_space<hbm>>
        tpu.enqueue_indirect_dma source(%dma_start3A_353 : memref<10000x128xf32, #tpu.memory_space<hbm>>) target(%dma_start3A_347 : memref<128x128xf32, #tpu.memory_space<vmem>>) offsets(%dma_start3A_350 : memref<128xi32, #tpu.memory_space<vmem>>) semaphore(%arg9 : memref<!tpu.dma_semaphore, #tpu.memory_space<semaphore_mem>>)
      } else {
      }
    }
    %scan3A_129 = arith.constant 26 : i32
    %dma_wait3A_130 = arith.constant 2 : i32
    %dma_wait3A_131 = arith.constant 0 : i32
    %dma_wait3A_132 = arith.constant 1 : i32
    %dma_wait3A_133 = arith.constant 0 : i32
    %dma_wait3A_134 = arith.constant 0 : i32
    %dma_wait3A_135 = tpu.memref_slice %arg7[%dma_wait3A_130, %dma_wait3A_133, %dma_wait3A_134] : memref<3x128x128xf32, #tpu.memory_space<vmem>> -> memref<1x128x128xf32, #tpu.memory_space<vmem>>
    %dma_wait3A_136 = tpu.memref_squeeze %dma_wait3A_135 : memref<1x128x128xf32, #tpu.memory_space<vmem>> -> memref<128x128xf32, #tpu.memory_space<vmem>>
    %dma_wait3A_137 = arith.constant 0 : i32
    %dma_wait3A_138 = tpu.memref_slice %arg6[%dma_wait3A_131, %dma_wait3A_132, %dma_wait3A_137] : memref<5x2x128xi32, #tpu.memory_space<vmem>> -> memref<1x1x128xi32, #tpu.memory_space<vmem>>
    %dma_wait3A_139 = tpu.memref_squeeze %dma_wait3A_138 : memref<1x1x128xi32, #tpu.memory_space<vmem>> -> memref<128xi32, #tpu.memory_space<vmem>>
    %dma_wait3A_140 = arith.constant 0 : i32
    %dma_wait3A_141 = arith.constant 0 : i32
    %dma_wait3A_142 = tpu.memref_slice %arg8[%dma_wait3A_140, %dma_wait3A_141] : memref<10000x128xf32, #tpu.memory_space<vmem_shared>> -> memref<10000x128xf32, #tpu.memory_space<vmem_shared>>
    tpu.wait_indirect_dma semaphore(%arg10 : memref<!tpu.dma_semaphore, #tpu.memory_space<semaphore_mem>>) src(%dma_wait3A_136 : memref<128x128xf32, #tpu.memory_space<vmem>>) dst(%dma_wait3A_142 : memref<10000x128xf32, #tpu.memory_space<vmem_shared>>)
    %lt3A = arith.constant 4 : i32
    %lt3A_143 = arith.cmpi slt, %add3A, %lt3A : i32
    %convert_element_type3A_144 = arith.extui %lt3A_143 : i1 to i32
    %cond3A_145 = arith.constant 0 : i32
    %cond3A_146 = arith.cmpi ne, %convert_element_type3A_144, %cond3A_145 : i32
    scf.if %cond3A_146 {
      %mul3A_153 = arith.constant 128 : i32
      %mul3A_154 = arith.muli %add3A, %mul3A_153 : i32
      %add3A_155 = arith.constant 319488 : i32
      %add3A_156 = arith.addi %add3A_155, %mul3A_154 : i32
      %run_scoped3A = arith.constant 0 : i32
      "tpu.region"() ({
        %run_scoped3A_186 = tpu.sem_alloc : memref<!tpu.dma_semaphore, #tpu.memory_space<semaphore_mem>>
        %dma_start3A_187 = arith.constant 0 : i32
        %dma_start3A_188 = arith.constant 0 : i32
        %dma_start3A_189 = tpu.memref_slice %arg6[%run_scoped3A, %dma_start3A_187, %dma_start3A_188] : memref<5x2x128xi32, #tpu.memory_space<vmem>> -> memref<1x2x128xi32, #tpu.memory_space<vmem>>
        %dma_start3A_190 = tpu.memref_squeeze %dma_start3A_189 : memref<1x2x128xi32, #tpu.memory_space<vmem>> -> memref<2x128xi32, #tpu.memory_space<vmem>>
        %dma_start3A_191 = arith.constant 0 : i32
        %dma_start3A_192 = tpu.memref_slice %arg3[%dma_start3A_191, %add3A_156] : memref<2x320000xi32, #tpu.memory_space<hbm>> -> memref<2x128xi32, #tpu.memory_space<hbm>>
        %dma_start3A_193 = arith.constant 0 : i32
        %dma_start3A_194 = arith.constant 0 : i32
        %dma_start3A_195 = tpu.memref_slice %arg6[%run_scoped3A, %dma_start3A_193, %dma_start3A_194] : memref<5x2x128xi32, #tpu.memory_space<vmem>> -> memref<1x2x128xi32, #tpu.memory_space<vmem>>
        %dma_start3A_196 = tpu.memref_squeeze %dma_start3A_195 : memref<1x2x128xi32, #tpu.memory_space<vmem>> -> memref<2x128xi32, #tpu.memory_space<vmem>>
        %dma_start3A_197 = arith.constant 0 : i32
        %dma_start3A_198 = tpu.memref_slice %arg3[%dma_start3A_197, %add3A_156] : memref<2x320000xi32, #tpu.memory_space<hbm>> -> memref<2x128xi32, #tpu.memory_space<hbm>>
        tpu.enqueue_dma source(%dma_start3A_198 : memref<2x128xi32, #tpu.memory_space<hbm>>) target(%dma_start3A_196 : memref<2x128xi32, #tpu.memory_space<vmem>>) target_semaphore(%run_scoped3A_186 : memref<!tpu.dma_semaphore, #tpu.memory_space<semaphore_mem>>)
        %dma_wait3A_199 = arith.constant 0 : i32
        %dma_wait3A_200 = arith.constant 0 : i32
        %dma_wait3A_201 = tpu.memref_slice %arg6[%run_scoped3A, %dma_wait3A_199, %dma_wait3A_200] : memref<5x2x128xi32, #tpu.memory_space<vmem>> -> memref<1x2x128xi32, #tpu.memory_space<vmem>>
        %dma_wait3A_202 = tpu.memref_squeeze %dma_wait3A_201 : memref<1x2x128xi32, #tpu.memory_space<vmem>> -> memref<2x128xi32, #tpu.memory_space<vmem>>
        %dma_wait3A_203 = arith.constant 0 : i32
        %dma_wait3A_204 = tpu.memref_slice %arg3[%dma_wait3A_203, %add3A_156] : memref<2x320000xi32, #tpu.memory_space<hbm>> -> memref<2x128xi32, #tpu.memory_space<hbm>>
        %dma_wait3A_205 = arith.constant 0 : i32
        %dma_wait3A_206 = arith.constant 0 : i32
        %dma_wait3A_207 = tpu.memref_slice %arg6[%run_scoped3A, %dma_wait3A_205, %dma_wait3A_206] : memref<5x2x128xi32, #tpu.memory_space<vmem>> -> memref<1x2x128xi32, #tpu.memory_space<vmem>>
        %dma_wait3A_208 = tpu.memref_squeeze %dma_wait3A_207 : memref<1x2x128xi32, #tpu.memory_space<vmem>> -> memref<2x128xi32, #tpu.memory_space<vmem>>
        %dma_wait3A_209 = arith.constant 0 : i32
        %dma_wait3A_210 = tpu.memref_slice %arg3[%dma_wait3A_209, %add3A_156] : memref<2x320000xi32, #tpu.memory_space<hbm>> -> memref<2x128xi32, #tpu.memory_space<hbm>>
        tpu.wait_dma2 semaphore(%run_scoped3A_186 : memref<!tpu.dma_semaphore, #tpu.memory_space<semaphore_mem>>) src(%dma_wait3A_210 : memref<2x128xi32, #tpu.memory_space<hbm>>) dst(%dma_wait3A_208 : memref<2x128xi32, #tpu.memory_space<vmem>>)
        tpu.yield
      }) : () -> ()
      %dma_start3A_157 = arith.constant 0 : i32
      %dma_start3A_158 = arith.constant 0 : i32
      %dma_start3A_159 = arith.constant 0 : i32
      %dma_start3A_160 = arith.constant 0 : i32
      %dma_start3A_161 = arith.constant 0 : i32
      %dma_start3A_162 = tpu.memref_slice %arg7[%dma_start3A_159, %dma_start3A_160, %dma_start3A_161] : memref<3x128x128xf32, #tpu.memory_space<vmem>> -> memref<1x128x128xf32, #tpu.memory_space<vmem>>
      %dma_start3A_163 = tpu.memref_squeeze %dma_start3A_162 : memref<1x128x128xf32, #tpu.memory_space<vmem>> -> memref<128x128xf32, #tpu.memory_space<vmem>>
      %dma_start3A_164 = arith.constant 0 : i32
      %dma_start3A_165 = tpu.memref_slice %arg6[%dma_start3A_157, %dma_start3A_158, %dma_start3A_164] : memref<5x2x128xi32, #tpu.memory_space<vmem>> -> memref<1x1x128xi32, #tpu.memory_space<vmem>>
      %dma_start3A_166 = tpu.memref_squeeze %dma_start3A_165 : memref<1x1x128xi32, #tpu.memory_space<vmem>> -> memref<128xi32, #tpu.memory_space<vmem>>
      %dma_start3A_167 = arith.constant 0 : i32
      %dma_start3A_168 = arith.constant 0 : i32
      %dma_start3A_169 = tpu.memref_slice %arg2[%dma_start3A_167, %dma_start3A_168] : memref<10000x128xf32, #tpu.memory_space<hbm>> -> memref<10000x128xf32, #tpu.memory_space<hbm>>
      tpu.enqueue_indirect_dma source(%dma_start3A_169 : memref<10000x128xf32, #tpu.memory_space<hbm>>) target(%dma_start3A_163 : memref<128x128xf32, #tpu.memory_space<vmem>>) offsets(%dma_start3A_166 : memref<128xi32, #tpu.memory_space<vmem>>) semaphore(%arg9 : memref<!tpu.dma_semaphore, #tpu.memory_space<semaphore_mem>>)
      %dma_wait3A_170 = arith.constant 0 : i32
      %dma_wait3A_171 = arith.constant 0 : i32
      %dma_wait3A_172 = arith.constant 0 : i32
      %dma_wait3A_173 = arith.constant 0 : i32
      %dma_wait3A_174 = arith.constant 0 : i32
      %dma_wait3A_175 = tpu.memref_slice %arg7[%dma_wait3A_172, %dma_wait3A_173, %dma_wait3A_174] : memref<3x128x128xf32, #tpu.memory_space<vmem>> -> memref<1x128x128xf32, #tpu.memory_space<vmem>>
      %dma_wait3A_176 = tpu.memref_squeeze %dma_wait3A_175 : memref<1x128x128xf32, #tpu.memory_space<vmem>> -> memref<128x128xf32, #tpu.memory_space<vmem>>
      %dma_wait3A_177 = arith.constant 0 : i32
      %dma_wait3A_178 = tpu.memref_slice %arg6[%dma_wait3A_170, %dma_wait3A_171, %dma_wait3A_177] : memref<5x2x128xi32, #tpu.memory_space<vmem>> -> memref<1x1x128xi32, #tpu.memory_space<vmem>>
      %dma_wait3A_179 = tpu.memref_squeeze %dma_wait3A_178 : memref<1x1x128xi32, #tpu.memory_space<vmem>> -> memref<128xi32, #tpu.memory_space<vmem>>
      %dma_wait3A_180 = arith.constant 0 : i32
      %dma_wait3A_181 = arith.constant 0 : i32
      %dma_wait3A_182 = tpu.memref_slice %arg2[%dma_wait3A_180, %dma_wait3A_181] : memref<10000x128xf32, #tpu.memory_space<hbm>> -> memref<10000x128xf32, #tpu.memory_space<hbm>>
      tpu.wait_indirect_dma semaphore(%arg9 : memref<!tpu.dma_semaphore, #tpu.memory_space<semaphore_mem>>) src(%dma_wait3A_182 : memref<10000x128xf32, #tpu.memory_space<hbm>>) dst(%dma_wait3A_176 : memref<128x128xf32, #tpu.memory_space<vmem>>)
      %run_scoped3A_183 = arith.constant 0 : i32
      %run_scoped3A_184 = arith.constant 0 : i32
      %run_scoped3A_185 = arith.constant 1 : i32
      "tpu.region"() ({
        %run_scoped3A_186 = tpu.sem_alloc : memref<!tpu.dma_semaphore, #tpu.memory_space<semaphore_mem>>
        %dma_start3A_187 = arith.constant 0 : i32
        %dma_start3A_188 = arith.constant 0 : i32
        %dma_start3A_189 = tpu.memref_slice %arg7[%run_scoped3A_183, %dma_start3A_187, %dma_start3A_188] : memref<3x128x128xf32, #tpu.memory_space<vmem>> -> memref<1x128x128xf32, #tpu.memory_space<vmem>>
        %dma_start3A_190 = tpu.memref_squeeze %dma_start3A_189 : memref<1x128x128xf32, #tpu.memory_space<vmem>> -> memref<128x128xf32, #tpu.memory_space<vmem>>
        %dma_start3A_191 = arith.constant 0 : i32
        %dma_start3A_192 = tpu.memref_slice %arg6[%run_scoped3A_184, %run_scoped3A_185, %dma_start3A_191] : memref<5x2x128xi32, #tpu.memory_space<vmem>> -> memref<1x1x128xi32, #tpu.memory_space<vmem>>
        %dma_start3A_193 = tpu.memref_squeeze %dma_start3A_192 : memref<1x1x128xi32, #tpu.memory_space<vmem>> -> memref<128xi32, #tpu.memory_space<vmem>>
        %dma_start3A_194 = arith.constant 0 : i32
        %dma_start3A_195 = arith.constant 0 : i32
        %dma_start3A_196 = tpu.memref_slice %arg8[%dma_start3A_194, %dma_start3A_195] : memref<10000x128xf32, #tpu.memory_space<vmem_shared>> -> memref<10000x128xf32, #tpu.memory_space<vmem_shared>>
        tpu.enqueue_indirect_dma source(%dma_start3A_190 : memref<128x128xf32, #tpu.memory_space<vmem>>) target(%dma_start3A_196 : memref<10000x128xf32, #tpu.memory_space<vmem_shared>>) offsets(%dma_start3A_193 : memref<128xi32, #tpu.memory_space<vmem>>) semaphore(%run_scoped3A_186 : memref<!tpu.dma_semaphore, #tpu.memory_space<semaphore_mem>>) {add = true}
        %dma_wait3A_197 = arith.constant 0 : i32
        %dma_wait3A_198 = arith.constant 0 : i32
        %dma_wait3A_199 = tpu.memref_slice %arg7[%run_scoped3A_183, %dma_wait3A_197, %dma_wait3A_198] : memref<3x128x128xf32, #tpu.memory_space<vmem>> -> memref<1x128x128xf32, #tpu.memory_space<vmem>>
        %dma_wait3A_200 = tpu.memref_squeeze %dma_wait3A_199 : memref<1x128x128xf32, #tpu.memory_space<vmem>> -> memref<128x128xf32, #tpu.memory_space<vmem>>
        %dma_wait3A_201 = arith.constant 0 : i32
        %dma_wait3A_202 = tpu.memref_slice %arg6[%run_scoped3A_184, %run_scoped3A_185, %dma_wait3A_201] : memref<5x2x128xi32, #tpu.memory_space<vmem>> -> memref<1x1x128xi32, #tpu.memory_space<vmem>>
        %dma_wait3A_203 = tpu.memref_squeeze %dma_wait3A_202 : memref<1x1x128xi32, #tpu.memory_space<vmem>> -> memref<128xi32, #tpu.memory_space<vmem>>
        %dma_wait3A_204 = arith.constant 0 : i32
        %dma_wait3A_205 = arith.constant 0 : i32
        %dma_wait3A_206 = tpu.memref_slice %arg8[%dma_wait3A_204, %dma_wait3A_205] : memref<10000x128xf32, #tpu.memory_space<vmem_shared>> -> memref<10000x128xf32, #tpu.memory_space<vmem_shared>>
        tpu.wait_indirect_dma semaphore(%run_scoped3A_186 : memref<!tpu.dma_semaphore, #tpu.memory_space<semaphore_mem>>) src(%dma_wait3A_200 : memref<128x128xf32, #tpu.memory_space<vmem>>) dst(%dma_wait3A_206 : memref<10000x128xf32, #tpu.memory_space<vmem_shared>>)
        tpu.yield
      }) : () -> ()
    } else {
    }
    %barrier3A_147 = arith.constant 0 : index
    tpu.barrier barrier_id(%barrier3A_147)
    "tpu.region"() ({
      %run_scoped3A = tpu.sem_alloc : memref<!tpu.dma_semaphore, #tpu.memory_space<semaphore_mem>>
      %dma_start3A_153 = arith.constant 0 : i32
      %dma_start3A_154 = arith.constant 0 : i32
      %dma_start3A_155 = tpu.memref_slice %arg5[%arg0, %dma_start3A_153, %dma_start3A_154] : memref<2x10000x128xf32, #tpu.memory_space<hbm>> -> memref<1x10000x128xf32, #tpu.memory_space<hbm>>
      %dma_start3A_156 = tpu.memref_squeeze %dma_start3A_155 : memref<1x10000x128xf32, #tpu.memory_space<hbm>> -> memref<10000x128xf32, #tpu.memory_space<hbm>>
      %dma_start3A_157 = arith.constant 0 : i32
      %dma_start3A_158 = tpu.memref_slice %dma_start3A_156[%mul3A_118, %dma_start3A_157] : memref<10000x128xf32, #tpu.memory_space<hbm>> -> memref<624x128xf32, #tpu.memory_space<hbm>>
      %dma_start3A_159 = arith.constant 0 : i32
      %dma_start3A_160 = tpu.memref_slice %arg8[%mul3A_118, %dma_start3A_159] : memref<10000x128xf32, #tpu.memory_space<vmem_shared>> -> memref<624x128xf32, #tpu.memory_space<vmem_shared>>
      tpu.enqueue_dma source(%dma_start3A_160 : memref<624x128xf32, #tpu.memory_space<vmem_shared>>) target(%dma_start3A_158 : memref<624x128xf32, #tpu.memory_space<hbm>>) target_semaphore(%run_scoped3A : memref<!tpu.dma_semaphore, #tpu.memory_space<semaphore_mem>>)
      %dma_wait3A_161 = arith.constant 0 : i32
      %dma_wait3A_162 = arith.constant 0 : i32
      %dma_wait3A_163 = tpu.memref_slice %arg5[%arg0, %dma_wait3A_161, %dma_wait3A_162] : memref<2x10000x128xf32, #tpu.memory_space<hbm>> -> memref<1x10000x128xf32, #tpu.memory_space<hbm>>
      %dma_wait3A_164 = tpu.memref_squeeze %dma_wait3A_163 : memref<1x10000x128xf32, #tpu.memory_space<hbm>> -> memref<10000x128xf32, #tpu.memory_space<hbm>>
      %dma_wait3A_165 = arith.constant 0 : i32
      %dma_wait3A_166 = tpu.memref_slice %dma_wait3A_164[%mul3A_118, %dma_wait3A_165] : memref<10000x128xf32, #tpu.memory_space<hbm>> -> memref<624x128xf32, #tpu.memory_space<hbm>>
      %dma_wait3A_167 = arith.constant 0 : i32
      %dma_wait3A_168 = tpu.memref_slice %arg8[%mul3A_118, %dma_wait3A_167] : memref<10000x128xf32, #tpu.memory_space<vmem_shared>> -> memref<624x128xf32, #tpu.memory_space<vmem_shared>>
      tpu.wait_dma2 semaphore(%run_scoped3A : memref<!tpu.dma_semaphore, #tpu.memory_space<semaphore_mem>>) src(%dma_wait3A_168 : memref<624x128xf32, #tpu.memory_space<vmem_shared>>) dst(%dma_wait3A_166 : memref<624x128xf32, #tpu.memory_space<hbm>>)
      tpu.yield
    }) : () -> ()
    %eq3A_148 = arith.constant 15 : i32
    %eq3A_149 = arith.cmpi eq, %arg1, %eq3A_148 : i32
    %convert_element_type3A_150 = arith.extui %eq3A_149 : i1 to i32
    %cond3A_151 = arith.constant 0 : i32
    %cond3A_152 = arith.cmpi ne, %convert_element_type3A_150, %cond3A_151 : i32
    scf.if %cond3A_152 {
      "tpu.region"() ({
        %run_scoped3A = tpu.sem_alloc : memref<!tpu.dma_semaphore, #tpu.memory_space<semaphore_mem>>
        %dma_start3A_153 = arith.constant 0 : i32
        %dma_start3A_154 = arith.constant 0 : i32
        %dma_start3A_155 = tpu.memref_slice %arg5[%arg0, %dma_start3A_153, %dma_start3A_154] : memref<2x10000x128xf32, #tpu.memory_space<hbm>> -> memref<1x10000x128xf32, #tpu.memory_space<hbm>>
        %dma_start3A_156 = tpu.memref_squeeze %dma_start3A_155 : memref<1x10000x128xf32, #tpu.memory_space<hbm>> -> memref<10000x128xf32, #tpu.memory_space<hbm>>
        %dma_start3A_157 = arith.constant 9984 : i32
        %dma_start3A_158 = arith.constant 0 : i32
        %dma_start3A_159 = tpu.memref_slice %dma_start3A_156[%dma_start3A_157, %dma_start3A_158] : memref<10000x128xf32, #tpu.memory_space<hbm>> -> memref<16x128xf32, #tpu.memory_space<hbm>>
        %dma_start3A_160 = arith.constant 9984 : i32
        %dma_start3A_161 = arith.constant 0 : i32
        %dma_start3A_162 = tpu.memref_slice %arg8[%dma_start3A_160, %dma_start3A_161] : memref<10000x128xf32, #tpu.memory_space<vmem_shared>> -> memref<16x128xf32, #tpu.memory_space<vmem_shared>>
        tpu.enqueue_dma source(%dma_start3A_162 : memref<16x128xf32, #tpu.memory_space<vmem_shared>>) target(%dma_start3A_159 : memref<16x128xf32, #tpu.memory_space<hbm>>) target_semaphore(%run_scoped3A : memref<!tpu.dma_semaphore, #tpu.memory_space<semaphore_mem>>)
        %dma_wait3A_163 = arith.constant 0 : i32
        %dma_wait3A_164 = arith.constant 0 : i32
        %dma_wait3A_165 = tpu.memref_slice %arg5[%arg0, %dma_wait3A_163, %dma_wait3A_164] : memref<2x10000x128xf32, #tpu.memory_space<hbm>> -> memref<1x10000x128xf32, #tpu.memory_space<hbm>>
        %dma_wait3A_166 = tpu.memref_squeeze %dma_wait3A_165 : memref<1x10000x128xf32, #tpu.memory_space<hbm>> -> memref<10000x128xf32, #tpu.memory_space<hbm>>
        %dma_wait3A_167 = arith.constant 9984 : i32
        %dma_wait3A_168 = arith.constant 0 : i32
        %dma_wait3A_169 = tpu.memref_slice %dma_wait3A_166[%dma_wait3A_167, %dma_wait3A_168] : memref<10000x128xf32, #tpu.memory_space<hbm>> -> memref<16x128xf32, #tpu.memory_space<hbm>>
        %dma_wait3A_170 = arith.constant 9984 : i32
        %dma_wait3A_171 = arith.constant 0 : i32
        %dma_wait3A_172 = tpu.memref_slice %arg8[%dma_wait3A_170, %dma_wait3A_171] : memref<10000x128xf32, #tpu.memory_space<vmem_shared>> -> memref<16x128xf32, #tpu.memory_space<vmem_shared>>
        tpu.wait_dma2 semaphore(%run_scoped3A : memref<!tpu.dma_semaphore, #tpu.memory_space<semaphore_mem>>) src(%dma_wait3A_172 : memref<16x128xf32, #tpu.memory_space<vmem_shared>>) dst(%dma_wait3A_169 : memref<16x128xf32, #tpu.memory_space<hbm>>)
        tpu.yield
      }) : () -> ()
    } else {
    }
    return
  }
}

#map = affine_map<(d0, d1) -> (0, 0)>
#map1 = affine_map<(d0, d1) -> (0, 0, 0)>
module attributes {stable_mosaic.version = 14 : i64} {
  func.func @sc_agg(%arg0: i32, %arg1: i32, %arg2: memref<10000x128xf32, #tpu.memory_space<hbm>>, %arg3: memref<2x320000xi32, #tpu.memory_space<hbm>>, %arg4: memref<640x128xf32, #tpu.memory_space<hbm>>, %arg5: memref<2x10000x128xf32, #tpu.memory_space<hbm>>, %arg6: memref<5x2x128xi32, #tpu.memory_space<vmem>>, %arg7: memref<3x128x128xf32, #tpu.memory_space<vmem>>, %arg8: memref<10000x128xf32, #tpu.memory_space<vmem_shared>>, %arg9: memref<!tpu.dma_semaphore, #tpu.memory_space<semaphore_mem>>, %arg10: memref<!tpu.dma_semaphore, #tpu.memory_space<semaphore_mem>>, %arg11: memref<!tpu.dma_semaphore, #tpu.memory_space<semaphore_mem>>) attributes {dimension_semantics = [#tpu.dimension_semantics<core_parallel>, #tpu.dimension_semantics<subcore_parallel>], iteration_bounds = array<i64: 2, 16>, scalar_prefetch = 0 : i64, scratch_operands = 6 : i64, tpu.core_type = #tpu.core_type<sc_vector_subcore>, window_params = [{transform_indices = #map}, {transform_indices = #map}, {transform_indices = #map}, {transform_indices = #map1}]} {
    %mul3A = arith.constant 2 : i32
    %mul3A_0 = arith.muli %arg1, %mul3A : i32
    %add3A = arith.addi %mul3A_0, %arg0 : i32
    %mul3A_1 = arith.constant 9984 : i32
    %mul3A_2 = arith.muli %add3A, %mul3A_1 : i32
    %add3A_3 = arith.constant 0 : i32
    %add3A_4 = arith.addi %mul3A_2, %add3A_3 : i32
    %dma_start3A = arith.constant 0 : i32
    %dma_start3A_5 = arith.constant 0 : i32
    %dma_start3A_6 = arith.constant 0 : i32
    %dma_start3A_7 = tpu.memref_slice %arg6[%dma_start3A, %dma_start3A_5, %dma_start3A_6] : memref<5x2x128xi32, #tpu.memory_space<vmem>> -> memref<1x2x128xi32, #tpu.memory_space<vmem>>
    %dma_start3A_8 = tpu.memref_squeeze %dma_start3A_7 : memref<1x2x128xi32, #tpu.memory_space<vmem>> -> memref<2x128xi32, #tpu.memory_space<vmem>>
    %dma_start3A_9 = arith.constant 0 : i32
    %dma_start3A_10 = tpu.memref_slice %arg3[%dma_start3A_9, %add3A_4] : memref<2x320000xi32, #tpu.memory_space<hbm>> -> memref<2x128xi32, #tpu.memory_space<hbm>>
    %dma_start3A_11 = arith.constant 0 : i32
    %dma_start3A_12 = arith.constant 0 : i32
    %dma_start3A_13 = tpu.memref_slice %arg6[%dma_start3A, %dma_start3A_11, %dma_start3A_12] : memref<5x2x128xi32, #tpu.memory_space<vmem>> -> memref<1x2x128xi32, #tpu.memory_space<vmem>>
    %dma_start3A_14 = tpu.memref_squeeze %dma_start3A_13 : memref<1x2x128xi32, #tpu.memory_space<vmem>> -> memref<2x128xi32, #tpu.memory_space<vmem>>
    %dma_start3A_15 = arith.constant 0 : i32
    %dma_start3A_16 = tpu.memref_slice %arg3[%dma_start3A_15, %add3A_4] : memref<2x320000xi32, #tpu.memory_space<hbm>> -> memref<2x128xi32, #tpu.memory_space<hbm>>
    tpu.enqueue_dma source(%dma_start3A_16 : memref<2x128xi32, #tpu.memory_space<hbm>>) target(%dma_start3A_14 : memref<2x128xi32, #tpu.memory_space<vmem>>) target_semaphore(%arg11 : memref<!tpu.dma_semaphore, #tpu.memory_space<semaphore_mem>>)
    %add3A_17 = arith.constant 128 : i32
    %add3A_18 = arith.addi %mul3A_2, %add3A_17 : i32
    %dma_start3A_19 = arith.constant 1 : i32
    %dma_start3A_20 = arith.constant 0 : i32
    %dma_start3A_21 = arith.constant 0 : i32
    %dma_start3A_22 = tpu.memref_slice %arg6[%dma_start3A_19, %dma_start3A_20, %dma_start3A_21] : memref<5x2x128xi32, #tpu.memory_space<vmem>> -> memref<1x2x128xi32, #tpu.memory_space<vmem>>
    %dma_start3A_23 = tpu.memref_squeeze %dma_start3A_22 : memref<1x2x128xi32, #tpu.memory_space<vmem>> -> memref<2x128xi32, #tpu.memory_space<vmem>>
    %dma_start3A_24 = arith.constant 0 : i32
    %dma_start3A_25 = tpu.memref_slice %arg3[%dma_start3A_24, %add3A_18] : memref<2x320000xi32, #tpu.memory_space<hbm>> -> memref<2x128xi32, #tpu.memory_space<hbm>>
    %dma_start3A_26 = arith.constant 0 : i32
    %dma_start3A_27 = arith.constant 0 : i32
    %dma_start3A_28 = tpu.memref_slice %arg6[%dma_start3A_19, %dma_start3A_26, %dma_start3A_27] : memref<5x2x128xi32, #tpu.memory_space<vmem>> -> memref<1x2x128xi32, #tpu.memory_space<vmem>>
    %dma_start3A_29 = tpu.memref_squeeze %dma_start3A_28 : memref<1x2x128xi32, #tpu.memory_space<vmem>> -> memref<2x128xi32, #tpu.memory_space<vmem>>
    %dma_start3A_30 = arith.constant 0 : i32
    %dma_start3A_31 = tpu.memref_slice %arg3[%dma_start3A_30, %add3A_18] : memref<2x320000xi32, #tpu.memory_space<hbm>> -> memref<2x128xi32, #tpu.memory_space<hbm>>
    tpu.enqueue_dma source(%dma_start3A_31 : memref<2x128xi32, #tpu.memory_space<hbm>>) target(%dma_start3A_29 : memref<2x128xi32, #tpu.memory_space<vmem>>) target_semaphore(%arg11 : memref<!tpu.dma_semaphore, #tpu.memory_space<semaphore_mem>>)
    %add3A_32 = arith.constant 256 : i32
    %add3A_33 = arith.addi %mul3A_2, %add3A_32 : i32
    %dma_start3A_34 = arith.constant 2 : i32
    %dma_start3A_35 = arith.constant 0 : i32
    %dma_start3A_36 = arith.constant 0 : i32
    %dma_start3A_37 = tpu.memref_slice %arg6[%dma_start3A_34, %dma_start3A_35, %dma_start3A_36] : memref<5x2x128xi32, #tpu.memory_space<vmem>> -> memref<1x2x128xi32, #tpu.memory_space<vmem>>
    %dma_start3A_38 = tpu.memref_squeeze %dma_start3A_37 : memref<1x2x128xi32, #tpu.memory_space<vmem>> -> memref<2x128xi32, #tpu.memory_space<vmem>>
    %dma_start3A_39 = arith.constant 0 : i32
    %dma_start3A_40 = tpu.memref_slice %arg3[%dma_start3A_39, %add3A_33] : memref<2x320000xi32, #tpu.memory_space<hbm>> -> memref<2x128xi32, #tpu.memory_space<hbm>>
    %dma_start3A_41 = arith.constant 0 : i32
    %dma_start3A_42 = arith.constant 0 : i32
    %dma_start3A_43 = tpu.memref_slice %arg6[%dma_start3A_34, %dma_start3A_41, %dma_start3A_42] : memref<5x2x128xi32, #tpu.memory_space<vmem>> -> memref<1x2x128xi32, #tpu.memory_space<vmem>>
    %dma_start3A_44 = tpu.memref_squeeze %dma_start3A_43 : memref<1x2x128xi32, #tpu.memory_space<vmem>> -> memref<2x128xi32, #tpu.memory_space<vmem>>
    %dma_start3A_45 = arith.constant 0 : i32
    %dma_start3A_46 = tpu.memref_slice %arg3[%dma_start3A_45, %add3A_33] : memref<2x320000xi32, #tpu.memory_space<hbm>> -> memref<2x128xi32, #tpu.memory_space<hbm>>
    tpu.enqueue_dma source(%dma_start3A_46 : memref<2x128xi32, #tpu.memory_space<hbm>>) target(%dma_start3A_44 : memref<2x128xi32, #tpu.memory_space<vmem>>) target_semaphore(%arg11 : memref<!tpu.dma_semaphore, #tpu.memory_space<semaphore_mem>>)
    %add3A_47 = arith.constant 384 : i32
    %add3A_48 = arith.addi %mul3A_2, %add3A_47 : i32
    %dma_start3A_49 = arith.constant 3 : i32
    %dma_start3A_50 = arith.constant 0 : i32
    %dma_start3A_51 = arith.constant 0 : i32
    %dma_start3A_52 = tpu.memref_slice %arg6[%dma_start3A_49, %dma_start3A_50, %dma_start3A_51] : memref<5x2x128xi32, #tpu.memory_space<vmem>> -> memref<1x2x128xi32, #tpu.memory_space<vmem>>
    %dma_start3A_53 = tpu.memref_squeeze %dma_start3A_52 : memref<1x2x128xi32, #tpu.memory_space<vmem>> -> memref<2x128xi32, #tpu.memory_space<vmem>>
    %dma_start3A_54 = arith.constant 0 : i32
    %dma_start3A_55 = tpu.memref_slice %arg3[%dma_start3A_54, %add3A_48] : memref<2x320000xi32, #tpu.memory_space<hbm>> -> memref<2x128xi32, #tpu.memory_space<hbm>>
    %dma_start3A_56 = arith.constant 0 : i32
    %dma_start3A_57 = arith.constant 0 : i32
    %dma_start3A_58 = tpu.memref_slice %arg6[%dma_start3A_49, %dma_start3A_56, %dma_start3A_57] : memref<5x2x128xi32, #tpu.memory_space<vmem>> -> memref<1x2x128xi32, #tpu.memory_space<vmem>>
    %dma_start3A_59 = tpu.memref_squeeze %dma_start3A_58 : memref<1x2x128xi32, #tpu.memory_space<vmem>> -> memref<2x128xi32, #tpu.memory_space<vmem>>
    %dma_start3A_60 = arith.constant 0 : i32
    %dma_start3A_61 = tpu.memref_slice %arg3[%dma_start3A_60, %add3A_48] : memref<2x320000xi32, #tpu.memory_space<hbm>> -> memref<2x128xi32, #tpu.memory_space<hbm>>
    tpu.enqueue_dma source(%dma_start3A_61 : memref<2x128xi32, #tpu.memory_space<hbm>>) target(%dma_start3A_59 : memref<2x128xi32, #tpu.memory_space<vmem>>) target_semaphore(%arg11 : memref<!tpu.dma_semaphore, #tpu.memory_space<semaphore_mem>>)
    %add3A_62 = arith.constant 0 : i32
    %add3A_63 = arith.addi %mul3A_2, %add3A_62 : i32
    %dma_wait3A = arith.constant 0 : i32
    %dma_wait3A_64 = arith.constant 0 : i32
    %dma_wait3A_65 = arith.constant 0 : i32
    %dma_wait3A_66 = tpu.memref_slice %arg6[%dma_wait3A, %dma_wait3A_64, %dma_wait3A_65] : memref<5x2x128xi32, #tpu.memory_space<vmem>> -> memref<1x2x128xi32, #tpu.memory_space<vmem>>
    %dma_wait3A_67 = tpu.memref_squeeze %dma_wait3A_66 : memref<1x2x128xi32, #tpu.memory_space<vmem>> -> memref<2x128xi32, #tpu.memory_space<vmem>>
    %dma_wait3A_68 = arith.constant 0 : i32
    %dma_wait3A_69 = tpu.memref_slice %arg3[%dma_wait3A_68, %add3A_63] : memref<2x320000xi32, #tpu.memory_space<hbm>> -> memref<2x128xi32, #tpu.memory_space<hbm>>
    %dma_wait3A_70 = arith.constant 0 : i32
    %dma_wait3A_71 = arith.constant 0 : i32
    %dma_wait3A_72 = tpu.memref_slice %arg6[%dma_wait3A, %dma_wait3A_70, %dma_wait3A_71] : memref<5x2x128xi32, #tpu.memory_space<vmem>> -> memref<1x2x128xi32, #tpu.memory_space<vmem>>
    %dma_wait3A_73 = tpu.memref_squeeze %dma_wait3A_72 : memref<1x2x128xi32, #tpu.memory_space<vmem>> -> memref<2x128xi32, #tpu.memory_space<vmem>>
    %dma_wait3A_74 = arith.constant 0 : i32
    %dma_wait3A_75 = tpu.memref_slice %arg3[%dma_wait3A_74, %add3A_63] : memref<2x320000xi32, #tpu.memory_space<hbm>> -> memref<2x128xi32, #tpu.memory_space<hbm>>
    tpu.wait_dma2 semaphore(%arg11 : memref<!tpu.dma_semaphore, #tpu.memory_space<semaphore_mem>>) src(%dma_wait3A_75 : memref<2x128xi32, #tpu.memory_space<hbm>>) dst(%dma_wait3A_73 : memref<2x128xi32, #tpu.memory_space<vmem>>)
    %add3A_76 = arith.constant 128 : i32
    %add3A_77 = arith.addi %mul3A_2, %add3A_76 : i32
    %dma_wait3A_78 = arith.constant 1 : i32
    %dma_wait3A_79 = arith.constant 0 : i32
    %dma_wait3A_80 = arith.constant 0 : i32
    %dma_wait3A_81 = tpu.memref_slice %arg6[%dma_wait3A_78, %dma_wait3A_79, %dma_wait3A_80] : memref<5x2x128xi32, #tpu.memory_space<vmem>> -> memref<1x2x128xi32, #tpu.memory_space<vmem>>
    %dma_wait3A_82 = tpu.memref_squeeze %dma_wait3A_81 : memref<1x2x128xi32, #tpu.memory_space<vmem>> -> memref<2x128xi32, #tpu.memory_space<vmem>>
    %dma_wait3A_83 = arith.constant 0 : i32
    %dma_wait3A_84 = tpu.memref_slice %arg3[%dma_wait3A_83, %add3A_77] : memref<2x320000xi32, #tpu.memory_space<hbm>> -> memref<2x128xi32, #tpu.memory_space<hbm>>
    %dma_wait3A_85 = arith.constant 0 : i32
    %dma_wait3A_86 = arith.constant 0 : i32
    %dma_wait3A_87 = tpu.memref_slice %arg6[%dma_wait3A_78, %dma_wait3A_85, %dma_wait3A_86] : memref<5x2x128xi32, #tpu.memory_space<vmem>> -> memref<1x2x128xi32, #tpu.memory_space<vmem>>
    %dma_wait3A_88 = tpu.memref_squeeze %dma_wait3A_87 : memref<1x2x128xi32, #tpu.memory_space<vmem>> -> memref<2x128xi32, #tpu.memory_space<vmem>>
    %dma_wait3A_89 = arith.constant 0 : i32
    %dma_wait3A_90 = tpu.memref_slice %arg3[%dma_wait3A_89, %add3A_77] : memref<2x320000xi32, #tpu.memory_space<hbm>> -> memref<2x128xi32, #tpu.memory_space<hbm>>
    tpu.wait_dma2 semaphore(%arg11 : memref<!tpu.dma_semaphore, #tpu.memory_space<semaphore_mem>>) src(%dma_wait3A_90 : memref<2x128xi32, #tpu.memory_space<hbm>>) dst(%dma_wait3A_88 : memref<2x128xi32, #tpu.memory_space<vmem>>)
    %dma_start3A_91 = arith.constant 0 : i32
    %dma_start3A_92 = arith.constant 0 : i32
    %dma_start3A_93 = arith.constant 0 : i32
    %dma_start3A_94 = arith.constant 0 : i32
    %dma_start3A_95 = arith.constant 0 : i32
    %dma_start3A_96 = tpu.memref_slice %arg7[%dma_start3A_93, %dma_start3A_94, %dma_start3A_95] : memref<3x128x128xf32, #tpu.memory_space<vmem>> -> memref<1x128x128xf32, #tpu.memory_space<vmem>>
    %dma_start3A_97 = tpu.memref_squeeze %dma_start3A_96 : memref<1x128x128xf32, #tpu.memory_space<vmem>> -> memref<128x128xf32, #tpu.memory_space<vmem>>
    %dma_start3A_98 = arith.constant 0 : i32
    %dma_start3A_99 = tpu.memref_slice %arg6[%dma_start3A_91, %dma_start3A_92, %dma_start3A_98] : memref<5x2x128xi32, #tpu.memory_space<vmem>> -> memref<1x1x128xi32, #tpu.memory_space<vmem>>
    %dma_start3A_100 = tpu.memref_squeeze %dma_start3A_99 : memref<1x1x128xi32, #tpu.memory_space<vmem>> -> memref<128xi32, #tpu.memory_space<vmem>>
    %dma_start3A_101 = arith.constant 0 : i32
    %dma_start3A_102 = arith.constant 0 : i32
    %dma_start3A_103 = tpu.memref_slice %arg2[%dma_start3A_101, %dma_start3A_102] : memref<10000x128xf32, #tpu.memory_space<hbm>> -> memref<10000x128xf32, #tpu.memory_space<hbm>>
    tpu.enqueue_indirect_dma source(%dma_start3A_103 : memref<10000x128xf32, #tpu.memory_space<hbm>>) target(%dma_start3A_97 : memref<128x128xf32, #tpu.memory_space<vmem>>) offsets(%dma_start3A_100 : memref<128xi32, #tpu.memory_space<vmem>>) semaphore(%arg9 : memref<!tpu.dma_semaphore, #tpu.memory_space<semaphore_mem>>)
    %dma_start3A_104 = arith.constant 1 : i32
    %dma_start3A_105 = arith.constant 0 : i32
    %dma_start3A_106 = arith.constant 1 : i32
    %dma_start3A_107 = arith.constant 0 : i32
    %dma_start3A_108 = arith.constant 0 : i32
    %dma_start3A_109 = tpu.memref_slice %arg7[%dma_start3A_106, %dma_start3A_107, %dma_start3A_108] : memref<3x128x128xf32, #tpu.memory_space<vmem>> -> memref<1x128x128xf32, #tpu.memory_space<vmem>>
    %dma_start3A_110 = tpu.memref_squeeze %dma_start3A_109 : memref<1x128x128xf32, #tpu.memory_space<vmem>> -> memref<128x128xf32, #tpu.memory_space<vmem>>
    %dma_start3A_111 = arith.constant 0 : i32
    %dma_start3A_112 = tpu.memref_slice %arg6[%dma_start3A_104, %dma_start3A_105, %dma_start3A_111] : memref<5x2x128xi32, #tpu.memory_space<vmem>> -> memref<1x1x128xi32, #tpu.memory_space<vmem>>
    %dma_start3A_113 = tpu.memref_squeeze %dma_start3A_112 : memref<1x1x128xi32, #tpu.memory_space<vmem>> -> memref<128xi32, #tpu.memory_space<vmem>>
    %dma_start3A_114 = arith.constant 0 : i32
    %dma_start3A_115 = arith.constant 0 : i32
    %dma_start3A_116 = tpu.memref_slice %arg2[%dma_start3A_114, %dma_start3A_115] : memref<10000x128xf32, #tpu.memory_space<hbm>> -> memref<10000x128xf32, #tpu.memory_space<hbm>>
    tpu.enqueue_indirect_dma source(%dma_start3A_116 : memref<10000x128xf32, #tpu.memory_space<hbm>>) target(%dma_start3A_110 : memref<128x128xf32, #tpu.memory_space<vmem>>) offsets(%dma_start3A_113 : memref<128xi32, #tpu.memory_space<vmem>>) semaphore(%arg9 : memref<!tpu.dma_semaphore, #tpu.memory_space<semaphore_mem>>)
    %mul3A_117 = arith.constant 624 : i32
    %mul3A_118 = arith.muli %arg1, %mul3A_117 : i32
    %eq3A = arith.constant 0 : i32
    %eq3A_119 = arith.cmpi eq, %arg0, %eq3A : i32
    %convert_element_type3A = arith.extui %eq3A_119 : i1 to i32
    %cond3A = arith.constant 0 : i32
    %cond3A_120 = arith.cmpi ne, %convert_element_type3A, %cond3A : i32
    scf.if %cond3A_120 {
      "tpu.region"() ({
        %run_scoped3A = tpu.sem_alloc : memref<!tpu.dma_semaphore, #tpu.memory_space<semaphore_mem>>
        %dma_start3A_158 = arith.constant 0 : i32
        %dma_start3A_159 = tpu.memref_slice %arg8[%mul3A_118, %dma_start3A_158] : memref<10000x128xf32, #tpu.memory_space<vmem_shared>> -> memref<624x128xf32, #tpu.memory_space<vmem_shared>>
        %dma_start3A_160 = arith.constant 0 : i32
        %dma_start3A_161 = tpu.memref_slice %arg2[%mul3A_118, %dma_start3A_160] : memref<10000x128xf32, #tpu.memory_space<hbm>> -> memref<624x128xf32, #tpu.memory_space<hbm>>
        tpu.enqueue_dma source(%dma_start3A_161 : memref<624x128xf32, #tpu.memory_space<hbm>>) target(%dma_start3A_159 : memref<624x128xf32, #tpu.memory_space<vmem_shared>>) target_semaphore(%run_scoped3A : memref<!tpu.dma_semaphore, #tpu.memory_space<semaphore_mem>>)
        %dma_wait3A_162 = arith.constant 0 : i32
        %dma_wait3A_163 = tpu.memref_slice %arg8[%mul3A_118, %dma_wait3A_162] : memref<10000x128xf32, #tpu.memory_space<vmem_shared>> -> memref<624x128xf32, #tpu.memory_space<vmem_shared>>
        %dma_wait3A_164 = arith.constant 0 : i32
        %dma_wait3A_165 = tpu.memref_slice %arg2[%mul3A_118, %dma_wait3A_164] : memref<10000x128xf32, #tpu.memory_space<hbm>> -> memref<624x128xf32, #tpu.memory_space<hbm>>
        tpu.wait_dma2 semaphore(%run_scoped3A : memref<!tpu.dma_semaphore, #tpu.memory_space<semaphore_mem>>) src(%dma_wait3A_165 : memref<624x128xf32, #tpu.memory_space<hbm>>) dst(%dma_wait3A_163 : memref<624x128xf32, #tpu.memory_space<vmem_shared>>)
        tpu.yield
      }) : () -> ()
      %eq3A_153 = arith.constant 15 : i32
      %eq3A_154 = arith.cmpi eq, %arg1, %eq3A_153 : i32
      %convert_element_type3A_155 = arith.extui %eq3A_154 : i1 to i32
      %cond3A_156 = arith.constant 0 : i32
      %cond3A_157 = arith.cmpi ne, %convert_element_type3A_155, %cond3A_156 : i32
      scf.if %cond3A_157 {
        "tpu.region"() ({
          %run_scoped3A = tpu.sem_alloc : memref<!tpu.dma_semaphore, #tpu.memory_space<semaphore_mem>>
          %dma_start3A_158 = arith.constant 9984 : i32
          %dma_start3A_159 = arith.constant 0 : i32
          %dma_start3A_160 = tpu.memref_slice %arg8[%dma_start3A_158, %dma_start3A_159] : memref<10000x128xf32, #tpu.memory_space<vmem_shared>> -> memref<16x128xf32, #tpu.memory_space<vmem_shared>>
          %dma_start3A_161 = arith.constant 9984 : i32
          %dma_start3A_162 = arith.constant 0 : i32
          %dma_start3A_163 = tpu.memref_slice %arg2[%dma_start3A_161, %dma_start3A_162] : memref<10000x128xf32, #tpu.memory_space<hbm>> -> memref<16x128xf32, #tpu.memory_space<hbm>>
          tpu.enqueue_dma source(%dma_start3A_163 : memref<16x128xf32, #tpu.memory_space<hbm>>) target(%dma_start3A_160 : memref<16x128xf32, #tpu.memory_space<vmem_shared>>) target_semaphore(%run_scoped3A : memref<!tpu.dma_semaphore, #tpu.memory_space<semaphore_mem>>)
          %dma_wait3A_164 = arith.constant 9984 : i32
          %dma_wait3A_165 = arith.constant 0 : i32
          %dma_wait3A_166 = tpu.memref_slice %arg8[%dma_wait3A_164, %dma_wait3A_165] : memref<10000x128xf32, #tpu.memory_space<vmem_shared>> -> memref<16x128xf32, #tpu.memory_space<vmem_shared>>
          %dma_wait3A_167 = arith.constant 9984 : i32
          %dma_wait3A_168 = arith.constant 0 : i32
          %dma_wait3A_169 = tpu.memref_slice %arg2[%dma_wait3A_167, %dma_wait3A_168] : memref<10000x128xf32, #tpu.memory_space<hbm>> -> memref<16x128xf32, #tpu.memory_space<hbm>>
          tpu.wait_dma2 semaphore(%run_scoped3A : memref<!tpu.dma_semaphore, #tpu.memory_space<semaphore_mem>>) src(%dma_wait3A_169 : memref<16x128xf32, #tpu.memory_space<hbm>>) dst(%dma_wait3A_166 : memref<16x128xf32, #tpu.memory_space<vmem_shared>>)
          tpu.yield
        }) : () -> ()
      } else {
      }
    } else {
    }
    %eq3A_121 = arith.constant 1 : i32
    %eq3A_122 = arith.cmpi eq, %arg0, %eq3A_121 : i32
    %convert_element_type3A_123 = arith.extui %eq3A_122 : i1 to i32
    %cond3A_124 = arith.constant 0 : i32
    %cond3A_125 = arith.cmpi ne, %convert_element_type3A_123, %cond3A_124 : i32
    scf.if %cond3A_125 {
      "tpu.region"() ({
        %run_scoped3A = tpu.sem_alloc : memref<!tpu.dma_semaphore, #tpu.memory_space<semaphore_mem>>
        %dma_start3A_158 = arith.constant 0 : i32
        %dma_start3A_159 = tpu.memref_slice %arg8[%mul3A_118, %dma_start3A_158] : memref<10000x128xf32, #tpu.memory_space<vmem_shared>> -> memref<624x128xf32, #tpu.memory_space<vmem_shared>>
        %dma_start3A_160 = arith.constant 0 : i32
        %dma_start3A_161 = arith.constant 0 : i32
        %dma_start3A_162 = tpu.memref_slice %arg4[%dma_start3A_160, %dma_start3A_161] : memref<640x128xf32, #tpu.memory_space<hbm>> -> memref<624x128xf32, #tpu.memory_space<hbm>>
        tpu.enqueue_dma source(%dma_start3A_162 : memref<624x128xf32, #tpu.memory_space<hbm>>) target(%dma_start3A_159 : memref<624x128xf32, #tpu.memory_space<vmem_shared>>) target_semaphore(%run_scoped3A : memref<!tpu.dma_semaphore, #tpu.memory_space<semaphore_mem>>)
        %dma_wait3A_163 = arith.constant 0 : i32
        %dma_wait3A_164 = tpu.memref_slice %arg8[%mul3A_118, %dma_wait3A_163] : memref<10000x128xf32, #tpu.memory_space<vmem_shared>> -> memref<624x128xf32, #tpu.memory_space<vmem_shared>>
        %dma_wait3A_165 = arith.constant 0 : i32
        %dma_wait3A_166 = arith.constant 0 : i32
        %dma_wait3A_167 = tpu.memref_slice %arg4[%dma_wait3A_165, %dma_wait3A_166] : memref<640x128xf32, #tpu.memory_space<hbm>> -> memref<624x128xf32, #tpu.memory_space<hbm>>
        tpu.wait_dma2 semaphore(%run_scoped3A : memref<!tpu.dma_semaphore, #tpu.memory_space<semaphore_mem>>) src(%dma_wait3A_167 : memref<624x128xf32, #tpu.memory_space<hbm>>) dst(%dma_wait3A_164 : memref<624x128xf32, #tpu.memory_space<vmem_shared>>)
        tpu.yield
      }) : () -> ()
      %eq3A_153 = arith.constant 15 : i32
      %eq3A_154 = arith.cmpi eq, %arg1, %eq3A_153 : i32
      %convert_element_type3A_155 = arith.extui %eq3A_154 : i1 to i32
      %cond3A_156 = arith.constant 0 : i32
      %cond3A_157 = arith.cmpi ne, %convert_element_type3A_155, %cond3A_156 : i32
      scf.if %cond3A_157 {
        "tpu.region"() ({
          %run_scoped3A = tpu.sem_alloc : memref<!tpu.dma_semaphore, #tpu.memory_space<semaphore_mem>>
          %dma_start3A_158 = arith.constant 9984 : i32
          %dma_start3A_159 = arith.constant 0 : i32
          %dma_start3A_160 = tpu.memref_slice %arg8[%dma_start3A_158, %dma_start3A_159] : memref<10000x128xf32, #tpu.memory_space<vmem_shared>> -> memref<16x128xf32, #tpu.memory_space<vmem_shared>>
          %dma_start3A_161 = arith.constant 0 : i32
          %dma_start3A_162 = arith.constant 0 : i32
          %dma_start3A_163 = tpu.memref_slice %arg4[%dma_start3A_161, %dma_start3A_162] : memref<640x128xf32, #tpu.memory_space<hbm>> -> memref<16x128xf32, #tpu.memory_space<hbm>>
          tpu.enqueue_dma source(%dma_start3A_163 : memref<16x128xf32, #tpu.memory_space<hbm>>) target(%dma_start3A_160 : memref<16x128xf32, #tpu.memory_space<vmem_shared>>) target_semaphore(%run_scoped3A : memref<!tpu.dma_semaphore, #tpu.memory_space<semaphore_mem>>)
          %dma_wait3A_164 = arith.constant 9984 : i32
          %dma_wait3A_165 = arith.constant 0 : i32
          %dma_wait3A_166 = tpu.memref_slice %arg8[%dma_wait3A_164, %dma_wait3A_165] : memref<10000x128xf32, #tpu.memory_space<vmem_shared>> -> memref<16x128xf32, #tpu.memory_space<vmem_shared>>
          %dma_wait3A_167 = arith.constant 0 : i32
          %dma_wait3A_168 = arith.constant 0 : i32
          %dma_wait3A_169 = tpu.memref_slice %arg4[%dma_wait3A_167, %dma_wait3A_168] : memref<640x128xf32, #tpu.memory_space<hbm>> -> memref<16x128xf32, #tpu.memory_space<hbm>>
          tpu.wait_dma2 semaphore(%run_scoped3A : memref<!tpu.dma_semaphore, #tpu.memory_space<semaphore_mem>>) src(%dma_wait3A_169 : memref<16x128xf32, #tpu.memory_space<hbm>>) dst(%dma_wait3A_166 : memref<16x128xf32, #tpu.memory_space<vmem_shared>>)
          tpu.yield
        }) : () -> ()
      } else {
      }
    } else {
    }
    %barrier3A = arith.constant 0 : index
    tpu.barrier barrier_id(%barrier3A)
    %scan3A = arith.constant 0 : i32
    %scan3A_126 = arith.constant 26 : i32
    %scan3A_127 = arith.addi %scan3A, %scan3A_126 : i32
    %scan3A_128 = arith.constant 1 : i32
    scf.for %scan3A_153 = %scan3A to %scan3A_127 step %scan3A_128  : i32 {
      %mul3A_154 = arith.constant 1 : i32
      %mul3A_155 = arith.muli %scan3A_153, %mul3A_154 : i32
      %add3A_156 = arith.constant 0 : i32
      %add3A_157 = arith.addi %add3A_156, %mul3A_155 : i32
      %mul3A_158 = arith.constant 3 : i32
      %mul3A_159 = arith.muli %mul3A_158, %add3A_157 : i32
      %add3A_160 = arith.constant 0 : i32
      %add3A_161 = arith.addi %mul3A_159, %add3A_160 : i32
      %rem3A = arith.constant 5 : i32
      %rem3A_162 = arith.remsi %add3A_161, %rem3A : i32
      %add3A_163 = arith.constant 2 : i32
      %add3A_164 = arith.addi %add3A_161, %add3A_163 : i32
      %rem3A_165 = arith.constant 5 : i32
      %rem3A_166 = arith.remsi %add3A_164, %rem3A_165 : i32
      %dma_wait3A_167 = arith.constant 0 : i32
      %dma_wait3A_168 = arith.constant 0 : i32
      %dma_wait3A_169 = arith.constant 0 : i32
      %dma_wait3A_170 = arith.constant 0 : i32
      %dma_wait3A_171 = tpu.memref_slice %arg7[%dma_wait3A_168, %dma_wait3A_169, %dma_wait3A_170] : memref<3x128x128xf32, #tpu.memory_space<vmem>> -> memref<1x128x128xf32, #tpu.memory_space<vmem>>
      %dma_wait3A_172 = tpu.memref_squeeze %dma_wait3A_171 : memref<1x128x128xf32, #tpu.memory_space<vmem>> -> memref<128x128xf32, #tpu.memory_space<vmem>>
      %dma_wait3A_173 = arith.constant 0 : i32
      %dma_wait3A_174 = tpu.memref_slice %arg6[%rem3A_162, %dma_wait3A_167, %dma_wait3A_173] : memref<5x2x128xi32, #tpu.memory_space<vmem>> -> memref<1x1x128xi32, #tpu.memory_space<vmem>>
      %dma_wait3A_175 = tpu.memref_squeeze %dma_wait3A_174 : memref<1x1x128xi32, #tpu.memory_space<vmem>> -> memref<128xi32, #tpu.memory_space<vmem>>
      %dma_wait3A_176 = arith.constant 0 : i32
      %dma_wait3A_177 = arith.constant 0 : i32
      %dma_wait3A_178 = tpu.memref_slice %arg2[%dma_wait3A_176, %dma_wait3A_177] : memref<10000x128xf32, #tpu.memory_space<hbm>> -> memref<10000x128xf32, #tpu.memory_space<hbm>>
      tpu.wait_indirect_dma semaphore(%arg9 : memref<!tpu.dma_semaphore, #tpu.memory_space<semaphore_mem>>) src(%dma_wait3A_178 : memref<10000x128xf32, #tpu.memory_space<hbm>>) dst(%dma_wait3A_172 : memref<128x128xf32, #tpu.memory_space<vmem>>)
      %dma_start3A_179 = arith.constant 0 : i32
      %dma_start3A_180 = arith.constant 1 : i32
      %dma_start3A_181 = arith.constant 0 : i32
      %dma_start3A_182 = arith.constant 0 : i32
      %dma_start3A_183 = tpu.memref_slice %arg7[%dma_start3A_179, %dma_start3A_181, %dma_start3A_182] : memref<3x128x128xf32, #tpu.memory_space<vmem>> -> memref<1x128x128xf32, #tpu.memory_space<vmem>>
      %dma_start3A_184 = tpu.memref_squeeze %dma_start3A_183 : memref<1x128x128xf32, #tpu.memory_space<vmem>> -> memref<128x128xf32, #tpu.memory_space<vmem>>
      %dma_start3A_185 = arith.constant 0 : i32
      %dma_start3A_186 = tpu.memref_slice %arg6[%rem3A_162, %dma_start3A_180, %dma_start3A_185] : memref<5x2x128xi32, #tpu.memory_space<vmem>> -> memref<1x1x128xi32, #tpu.memory_space<vmem>>
      %dma_start3A_187 = tpu.memref_squeeze %dma_start3A_186 : memref<1x1x128xi32, #tpu.memory_space<vmem>> -> memref<128xi32, #tpu.memory_space<vmem>>
      %dma_start3A_188 = arith.constant 0 : i32
      %dma_start3A_189 = arith.constant 0 : i32
      %dma_start3A_190 = tpu.memref_slice %arg8[%dma_start3A_188, %dma_start3A_189] : memref<10000x128xf32, #tpu.memory_space<vmem_shared>> -> memref<10000x128xf32, #tpu.memory_space<vmem_shared>>
      tpu.enqueue_indirect_dma source(%dma_start3A_184 : memref<128x128xf32, #tpu.memory_space<vmem>>) target(%dma_start3A_190 : memref<10000x128xf32, #tpu.memory_space<vmem_shared>>) offsets(%dma_start3A_187 : memref<128xi32, #tpu.memory_space<vmem>>) semaphore(%arg10 : memref<!tpu.dma_semaphore, #tpu.memory_space<semaphore_mem>>) {add = true}
      %ge3A = arith.constant 1 : i32
      %ge3A_191 = arith.cmpi sge, %add3A_157, %ge3A : i32
      %convert_element_type3A_192 = arith.extui %ge3A_191 : i1 to i32
      %cond3A_193 = arith.constant 0 : i32
      %cond3A_194 = arith.cmpi ne, %convert_element_type3A_192, %cond3A_193 : i32
      scf.if %cond3A_194 {
        %dma_wait3A_325 = arith.constant 2 : i32
        %dma_wait3A_326 = arith.constant 1 : i32
        %dma_wait3A_327 = arith.constant 0 : i32
        %dma_wait3A_328 = arith.constant 0 : i32
        %dma_wait3A_329 = tpu.memref_slice %arg7[%dma_wait3A_325, %dma_wait3A_327, %dma_wait3A_328] : memref<3x128x128xf32, #tpu.memory_space<vmem>> -> memref<1x128x128xf32, #tpu.memory_space<vmem>>
        %dma_wait3A_330 = tpu.memref_squeeze %dma_wait3A_329 : memref<1x128x128xf32, #tpu.memory_space<vmem>> -> memref<128x128xf32, #tpu.memory_space<vmem>>
        %dma_wait3A_331 = arith.constant 0 : i32
        %dma_wait3A_332 = tpu.memref_slice %arg6[%rem3A_162, %dma_wait3A_326, %dma_wait3A_331] : memref<5x2x128xi32, #tpu.memory_space<vmem>> -> memref<1x1x128xi32, #tpu.memory_space<vmem>>
        %dma_wait3A_333 = tpu.memref_squeeze %dma_wait3A_332 : memref<1x1x128xi32, #tpu.memory_space<vmem>> -> memref<128xi32, #tpu.memory_space<vmem>>
        %dma_wait3A_334 = arith.constant 0 : i32
        %dma_wait3A_335 = arith.constant 0 : i32
        %dma_wait3A_336 = tpu.memref_slice %arg8[%dma_wait3A_334, %dma_wait3A_335] : memref<10000x128xf32, #tpu.memory_space<vmem_shared>> -> memref<10000x128xf32, #tpu.memory_space<vmem_shared>>
        tpu.wait_indirect_dma semaphore(%arg10 : memref<!tpu.dma_semaphore, #tpu.memory_space<semaphore_mem>>) src(%dma_wait3A_330 : memref<128x128xf32, #tpu.memory_space<vmem>>) dst(%dma_wait3A_336 : memref<10000x128xf32, #tpu.memory_space<vmem_shared>>)
      } else {
      }
      %add3A_195 = arith.constant 4 : i32
      %add3A_196 = arith.addi %add3A_161, %add3A_195 : i32
      %lt3A_197 = arith.constant 78 : i32
      %lt3A_198 = arith.cmpi slt, %add3A_196, %lt3A_197 : i32
      %convert_element_type3A_199 = arith.extui %lt3A_198 : i1 to i32
      %cond3A_200 = arith.constant 0 : i32
      %cond3A_201 = arith.cmpi ne, %convert_element_type3A_199, %cond3A_200 : i32
      scf.if %cond3A_201 {
        %add3A_325 = arith.constant 4 : i32
        %add3A_326 = arith.addi %add3A_161, %add3A_325 : i32
        %add3A_327 = arith.constant 4 : i32
        %add3A_328 = arith.addi %add3A_161, %add3A_327 : i32
        %rem3A_329 = arith.constant 5 : i32
        %rem3A_330 = arith.remsi %add3A_328, %rem3A_329 : i32
        %mul3A_331 = arith.constant 128 : i32
        %mul3A_332 = arith.muli %add3A_326, %mul3A_331 : i32
        %add3A_333 = arith.addi %mul3A_2, %mul3A_332 : i32
        %dma_start3A_334 = arith.constant 0 : i32
        %dma_start3A_335 = arith.constant 0 : i32
        %dma_start3A_336 = tpu.memref_slice %arg6[%rem3A_330, %dma_start3A_334, %dma_start3A_335] : memref<5x2x128xi32, #tpu.memory_space<vmem>> -> memref<1x2x128xi32, #tpu.memory_space<vmem>>
        %dma_start3A_337 = tpu.memref_squeeze %dma_start3A_336 : memref<1x2x128xi32, #tpu.memory_space<vmem>> -> memref<2x128xi32, #tpu.memory_space<vmem>>
        %dma_start3A_338 = arith.constant 0 : i32
        %dma_start3A_339 = tpu.memref_slice %arg3[%dma_start3A_338, %add3A_333] : memref<2x320000xi32, #tpu.memory_space<hbm>> -> memref<2x128xi32, #tpu.memory_space<hbm>>
        %dma_start3A_340 = arith.constant 0 : i32
        %dma_start3A_341 = arith.constant 0 : i32
        %dma_start3A_342 = tpu.memref_slice %arg6[%rem3A_330, %dma_start3A_340, %dma_start3A_341] : memref<5x2x128xi32, #tpu.memory_space<vmem>> -> memref<1x2x128xi32, #tpu.memory_space<vmem>>
        %dma_start3A_343 = tpu.memref_squeeze %dma_start3A_342 : memref<1x2x128xi32, #tpu.memory_space<vmem>> -> memref<2x128xi32, #tpu.memory_space<vmem>>
        %dma_start3A_344 = arith.constant 0 : i32
        %dma_start3A_345 = tpu.memref_slice %arg3[%dma_start3A_344, %add3A_333] : memref<2x320000xi32, #tpu.memory_space<hbm>> -> memref<2x128xi32, #tpu.memory_space<hbm>>
        tpu.enqueue_dma source(%dma_start3A_345 : memref<2x128xi32, #tpu.memory_space<hbm>>) target(%dma_start3A_343 : memref<2x128xi32, #tpu.memory_space<vmem>>) target_semaphore(%arg11 : memref<!tpu.dma_semaphore, #tpu.memory_space<semaphore_mem>>)
      } else {
      }
      %add3A_202 = arith.constant 2 : i32
      %add3A_203 = arith.addi %add3A_161, %add3A_202 : i32
      %lt3A_204 = arith.constant 78 : i32
      %lt3A_205 = arith.cmpi slt, %add3A_203, %lt3A_204 : i32
      %convert_element_type3A_206 = arith.extui %lt3A_205 : i1 to i32
      %cond3A_207 = arith.constant 0 : i32
      %cond3A_208 = arith.cmpi ne, %convert_element_type3A_206, %cond3A_207 : i32
      scf.if %cond3A_208 {
        %add3A_325 = arith.constant 2 : i32
        %add3A_326 = arith.addi %add3A_161, %add3A_325 : i32
        %mul3A_327 = arith.constant 128 : i32
        %mul3A_328 = arith.muli %add3A_326, %mul3A_327 : i32
        %add3A_329 = arith.addi %mul3A_2, %mul3A_328 : i32
        %dma_wait3A_330 = arith.constant 0 : i32
        %dma_wait3A_331 = arith.constant 0 : i32
        %dma_wait3A_332 = tpu.memref_slice %arg6[%rem3A_166, %dma_wait3A_330, %dma_wait3A_331] : memref<5x2x128xi32, #tpu.memory_space<vmem>> -> memref<1x2x128xi32, #tpu.memory_space<vmem>>
        %dma_wait3A_333 = tpu.memref_squeeze %dma_wait3A_332 : memref<1x2x128xi32, #tpu.memory_space<vmem>> -> memref<2x128xi32, #tpu.memory_space<vmem>>
        %dma_wait3A_334 = arith.constant 0 : i32
        %dma_wait3A_335 = tpu.memref_slice %arg3[%dma_wait3A_334, %add3A_329] : memref<2x320000xi32, #tpu.memory_space<hbm>> -> memref<2x128xi32, #tpu.memory_space<hbm>>
        %dma_wait3A_336 = arith.constant 0 : i32
        %dma_wait3A_337 = arith.constant 0 : i32
        %dma_wait3A_338 = tpu.memref_slice %arg6[%rem3A_166, %dma_wait3A_336, %dma_wait3A_337] : memref<5x2x128xi32, #tpu.memory_space<vmem>> -> memref<1x2x128xi32, #tpu.memory_space<vmem>>
        %dma_wait3A_339 = tpu.memref_squeeze %dma_wait3A_338 : memref<1x2x128xi32, #tpu.memory_space<vmem>> -> memref<2x128xi32, #tpu.memory_space<vmem>>
        %dma_wait3A_340 = arith.constant 0 : i32
        %dma_wait3A_341 = tpu.memref_slice %arg3[%dma_wait3A_340, %add3A_329] : memref<2x320000xi32, #tpu.memory_space<hbm>> -> memref<2x128xi32, #tpu.memory_space<hbm>>
        tpu.wait_dma2 semaphore(%arg11 : memref<!tpu.dma_semaphore, #tpu.memory_space<semaphore_mem>>) src(%dma_wait3A_341 : memref<2x128xi32, #tpu.memory_space<hbm>>) dst(%dma_wait3A_339 : memref<2x128xi32, #tpu.memory_space<vmem>>)
        %dma_start3A_342 = arith.constant 0 : i32
        %dma_start3A_343 = arith.constant 2 : i32
        %dma_start3A_344 = arith.constant 0 : i32
        %dma_start3A_345 = arith.constant 0 : i32
        %dma_start3A_346 = tpu.memref_slice %arg7[%dma_start3A_343, %dma_start3A_344, %dma_start3A_345] : memref<3x128x128xf32, #tpu.memory_space<vmem>> -> memref<1x128x128xf32, #tpu.memory_space<vmem>>
        %dma_start3A_347 = tpu.memref_squeeze %dma_start3A_346 : memref<1x128x128xf32, #tpu.memory_space<vmem>> -> memref<128x128xf32, #tpu.memory_space<vmem>>
        %dma_start3A_348 = arith.constant 0 : i32
        %dma_start3A_349 = tpu.memref_slice %arg6[%rem3A_166, %dma_start3A_342, %dma_start3A_348] : memref<5x2x128xi32, #tpu.memory_space<vmem>> -> memref<1x1x128xi32, #tpu.memory_space<vmem>>
        %dma_start3A_350 = tpu.memref_squeeze %dma_start3A_349 : memref<1x1x128xi32, #tpu.memory_space<vmem>> -> memref<128xi32, #tpu.memory_space<vmem>>
        %dma_start3A_351 = arith.constant 0 : i32
        %dma_start3A_352 = arith.constant 0 : i32
        %dma_start3A_353 = tpu.memref_slice %arg2[%dma_start3A_351, %dma_start3A_352] : memref<10000x128xf32, #tpu.memory_space<hbm>> -> memref<10000x128xf32, #tpu.memory_space<hbm>>
        tpu.enqueue_indirect_dma source(%dma_start3A_353 : memref<10000x128xf32, #tpu.memory_space<hbm>>) target(%dma_start3A_347 : memref<128x128xf32, #tpu.memory_space<vmem>>) offsets(%dma_start3A_350 : memref<128xi32, #tpu.memory_space<vmem>>) semaphore(%arg9 : memref<!tpu.dma_semaphore, #tpu.memory_space<semaphore_mem>>)
      } else {
      }
      %add3A_209 = arith.constant 1 : i32
      %add3A_210 = arith.addi %mul3A_159, %add3A_209 : i32
      %rem3A_211 = arith.constant 5 : i32
      %rem3A_212 = arith.remsi %add3A_210, %rem3A_211 : i32
      %add3A_213 = arith.constant 2 : i32
      %add3A_214 = arith.addi %add3A_210, %add3A_213 : i32
      %rem3A_215 = arith.constant 5 : i32
      %rem3A_216 = arith.remsi %add3A_214, %rem3A_215 : i32
      %dma_wait3A_217 = arith.constant 0 : i32
      %dma_wait3A_218 = arith.constant 1 : i32
      %dma_wait3A_219 = arith.constant 0 : i32
      %dma_wait3A_220 = arith.constant 0 : i32
      %dma_wait3A_221 = tpu.memref_slice %arg7[%dma_wait3A_218, %dma_wait3A_219, %dma_wait3A_220] : memref<3x128x128xf32, #tpu.memory_space<vmem>> -> memref<1x128x128xf32, #tpu.memory_space<vmem>>
      %dma_wait3A_222 = tpu.memref_squeeze %dma_wait3A_221 : memref<1x128x128xf32, #tpu.memory_space<vmem>> -> memref<128x128xf32, #tpu.memory_space<vmem>>
      %dma_wait3A_223 = arith.constant 0 : i32
      %dma_wait3A_224 = tpu.memref_slice %arg6[%rem3A_212, %dma_wait3A_217, %dma_wait3A_223] : memref<5x2x128xi32, #tpu.memory_space<vmem>> -> memref<1x1x128xi32, #tpu.memory_space<vmem>>
      %dma_wait3A_225 = tpu.memref_squeeze %dma_wait3A_224 : memref<1x1x128xi32, #tpu.memory_space<vmem>> -> memref<128xi32, #tpu.memory_space<vmem>>
      %dma_wait3A_226 = arith.constant 0 : i32
      %dma_wait3A_227 = arith.constant 0 : i32
      %dma_wait3A_228 = tpu.memref_slice %arg2[%dma_wait3A_226, %dma_wait3A_227] : memref<10000x128xf32, #tpu.memory_space<hbm>> -> memref<10000x128xf32, #tpu.memory_space<hbm>>
      tpu.wait_indirect_dma semaphore(%arg9 : memref<!tpu.dma_semaphore, #tpu.memory_space<semaphore_mem>>) src(%dma_wait3A_228 : memref<10000x128xf32, #tpu.memory_space<hbm>>) dst(%dma_wait3A_222 : memref<128x128xf32, #tpu.memory_space<vmem>>)
      %dma_start3A_229 = arith.constant 1 : i32
      %dma_start3A_230 = arith.constant 1 : i32
      %dma_start3A_231 = arith.constant 0 : i32
      %dma_start3A_232 = arith.constant 0 : i32
      %dma_start3A_233 = tpu.memref_slice %arg7[%dma_start3A_229, %dma_start3A_231, %dma_start3A_232] : memref<3x128x128xf32, #tpu.memory_space<vmem>> -> memref<1x128x128xf32, #tpu.memory_space<vmem>>
      %dma_start3A_234 = tpu.memref_squeeze %dma_start3A_233 : memref<1x128x128xf32, #tpu.memory_space<vmem>> -> memref<128x128xf32, #tpu.memory_space<vmem>>
      %dma_start3A_235 = arith.constant 0 : i32
      %dma_start3A_236 = tpu.memref_slice %arg6[%rem3A_212, %dma_start3A_230, %dma_start3A_235] : memref<5x2x128xi32, #tpu.memory_space<vmem>> -> memref<1x1x128xi32, #tpu.memory_space<vmem>>
      %dma_start3A_237 = tpu.memref_squeeze %dma_start3A_236 : memref<1x1x128xi32, #tpu.memory_space<vmem>> -> memref<128xi32, #tpu.memory_space<vmem>>
      %dma_start3A_238 = arith.constant 0 : i32
      %dma_start3A_239 = arith.constant 0 : i32
      %dma_start3A_240 = tpu.memref_slice %arg8[%dma_start3A_238, %dma_start3A_239] : memref<10000x128xf32, #tpu.memory_space<vmem_shared>> -> memref<10000x128xf32, #tpu.memory_space<vmem_shared>>
      tpu.enqueue_indirect_dma source(%dma_start3A_234 : memref<128x128xf32, #tpu.memory_space<vmem>>) target(%dma_start3A_240 : memref<10000x128xf32, #tpu.memory_space<vmem_shared>>) offsets(%dma_start3A_237 : memref<128xi32, #tpu.memory_space<vmem>>) semaphore(%arg10 : memref<!tpu.dma_semaphore, #tpu.memory_space<semaphore_mem>>) {add = true}
      %dma_wait3A_241 = arith.constant 0 : i32
      %dma_wait3A_242 = arith.constant 1 : i32
      %dma_wait3A_243 = arith.constant 0 : i32
      %dma_wait3A_244 = arith.constant 0 : i32
      %dma_wait3A_245 = tpu.memref_slice %arg7[%dma_wait3A_241, %dma_wait3A_243, %dma_wait3A_244] : memref<3x128x128xf32, #tpu.memory_space<vmem>> -> memref<1x128x128xf32, #tpu.memory_space<vmem>>
      %dma_wait3A_246 = tpu.memref_squeeze %dma_wait3A_245 : memref<1x128x128xf32, #tpu.memory_space<vmem>> -> memref<128x128xf32, #tpu.memory_space<vmem>>
      %dma_wait3A_247 = arith.constant 0 : i32
      %dma_wait3A_248 = tpu.memref_slice %arg6[%rem3A_162, %dma_wait3A_242, %dma_wait3A_247] : memref<5x2x128xi32, #tpu.memory_space<vmem>> -> memref<1x1x128xi32, #tpu.memory_space<vmem>>
      %dma_wait3A_249 = tpu.memref_squeeze %dma_wait3A_248 : memref<1x1x128xi32, #tpu.memory_space<vmem>> -> memref<128xi32, #tpu.memory_space<vmem>>
      %dma_wait3A_250 = arith.constant 0 : i32
      %dma_wait3A_251 = arith.constant 0 : i32
      %dma_wait3A_252 = tpu.memref_slice %arg8[%dma_wait3A_250, %dma_wait3A_251] : memref<10000x128xf32, #tpu.memory_space<vmem_shared>> -> memref<10000x128xf32, #tpu.memory_space<vmem_shared>>
      tpu.wait_indirect_dma semaphore(%arg10 : memref<!tpu.dma_semaphore, #tpu.memory_space<semaphore_mem>>) src(%dma_wait3A_246 : memref<128x128xf32, #tpu.memory_space<vmem>>) dst(%dma_wait3A_252 : memref<10000x128xf32, #tpu.memory_space<vmem_shared>>)
      %add3A_253 = arith.constant 4 : i32
      %add3A_254 = arith.addi %add3A_210, %add3A_253 : i32
      %lt3A_255 = arith.constant 78 : i32
      %lt3A_256 = arith.cmpi slt, %add3A_254, %lt3A_255 : i32
      %convert_element_type3A_257 = arith.extui %lt3A_256 : i1 to i32
      %cond3A_258 = arith.constant 0 : i32
      %cond3A_259 = arith.cmpi ne, %convert_element_type3A_257, %cond3A_258 : i32
      scf.if %cond3A_259 {
        %add3A_325 = arith.constant 4 : i32
        %add3A_326 = arith.addi %add3A_210, %add3A_325 : i32
        %add3A_327 = arith.constant 4 : i32
        %add3A_328 = arith.addi %add3A_210, %add3A_327 : i32
        %rem3A_329 = arith.constant 5 : i32
        %rem3A_330 = arith.remsi %add3A_328, %rem3A_329 : i32
        %mul3A_331 = arith.constant 128 : i32
        %mul3A_332 = arith.muli %add3A_326, %mul3A_331 : i32
        %add3A_333 = arith.addi %mul3A_2, %mul3A_332 : i32
        %dma_start3A_334 = arith.constant 0 : i32
        %dma_start3A_335 = arith.constant 0 : i32
        %dma_start3A_336 = tpu.memref_slice %arg6[%rem3A_330, %dma_start3A_334, %dma_start3A_335] : memref<5x2x128xi32, #tpu.memory_space<vmem>> -> memref<1x2x128xi32, #tpu.memory_space<vmem>>
        %dma_start3A_337 = tpu.memref_squeeze %dma_start3A_336 : memref<1x2x128xi32, #tpu.memory_space<vmem>> -> memref<2x128xi32, #tpu.memory_space<vmem>>
        %dma_start3A_338 = arith.constant 0 : i32
        %dma_start3A_339 = tpu.memref_slice %arg3[%dma_start3A_338, %add3A_333] : memref<2x320000xi32, #tpu.memory_space<hbm>> -> memref<2x128xi32, #tpu.memory_space<hbm>>
        %dma_start3A_340 = arith.constant 0 : i32
        %dma_start3A_341 = arith.constant 0 : i32
        %dma_start3A_342 = tpu.memref_slice %arg6[%rem3A_330, %dma_start3A_340, %dma_start3A_341] : memref<5x2x128xi32, #tpu.memory_space<vmem>> -> memref<1x2x128xi32, #tpu.memory_space<vmem>>
        %dma_start3A_343 = tpu.memref_squeeze %dma_start3A_342 : memref<1x2x128xi32, #tpu.memory_space<vmem>> -> memref<2x128xi32, #tpu.memory_space<vmem>>
        %dma_start3A_344 = arith.constant 0 : i32
        %dma_start3A_345 = tpu.memref_slice %arg3[%dma_start3A_344, %add3A_333] : memref<2x320000xi32, #tpu.memory_space<hbm>> -> memref<2x128xi32, #tpu.memory_space<hbm>>
        tpu.enqueue_dma source(%dma_start3A_345 : memref<2x128xi32, #tpu.memory_space<hbm>>) target(%dma_start3A_343 : memref<2x128xi32, #tpu.memory_space<vmem>>) target_semaphore(%arg11 : memref<!tpu.dma_semaphore, #tpu.memory_space<semaphore_mem>>)
      } else {
      }
      %add3A_260 = arith.constant 2 : i32
      %add3A_261 = arith.addi %add3A_210, %add3A_260 : i32
      %lt3A_262 = arith.constant 78 : i32
      %lt3A_263 = arith.cmpi slt, %add3A_261, %lt3A_262 : i32
      %convert_element_type3A_264 = arith.extui %lt3A_263 : i1 to i32
      %cond3A_265 = arith.constant 0 : i32
      %cond3A_266 = arith.cmpi ne, %convert_element_type3A_264, %cond3A_265 : i32
      scf.if %cond3A_266 {
        %add3A_325 = arith.constant 2 : i32
        %add3A_326 = arith.addi %add3A_210, %add3A_325 : i32
        %mul3A_327 = arith.constant 128 : i32
        %mul3A_328 = arith.muli %add3A_326, %mul3A_327 : i32
        %add3A_329 = arith.addi %mul3A_2, %mul3A_328 : i32
        %dma_wait3A_330 = arith.constant 0 : i32
        %dma_wait3A_331 = arith.constant 0 : i32
        %dma_wait3A_332 = tpu.memref_slice %arg6[%rem3A_216, %dma_wait3A_330, %dma_wait3A_331] : memref<5x2x128xi32, #tpu.memory_space<vmem>> -> memref<1x2x128xi32, #tpu.memory_space<vmem>>
        %dma_wait3A_333 = tpu.memref_squeeze %dma_wait3A_332 : memref<1x2x128xi32, #tpu.memory_space<vmem>> -> memref<2x128xi32, #tpu.memory_space<vmem>>
        %dma_wait3A_334 = arith.constant 0 : i32
        %dma_wait3A_335 = tpu.memref_slice %arg3[%dma_wait3A_334, %add3A_329] : memref<2x320000xi32, #tpu.memory_space<hbm>> -> memref<2x128xi32, #tpu.memory_space<hbm>>
        %dma_wait3A_336 = arith.constant 0 : i32
        %dma_wait3A_337 = arith.constant 0 : i32
        %dma_wait3A_338 = tpu.memref_slice %arg6[%rem3A_216, %dma_wait3A_336, %dma_wait3A_337] : memref<5x2x128xi32, #tpu.memory_space<vmem>> -> memref<1x2x128xi32, #tpu.memory_space<vmem>>
        %dma_wait3A_339 = tpu.memref_squeeze %dma_wait3A_338 : memref<1x2x128xi32, #tpu.memory_space<vmem>> -> memref<2x128xi32, #tpu.memory_space<vmem>>
        %dma_wait3A_340 = arith.constant 0 : i32
        %dma_wait3A_341 = tpu.memref_slice %arg3[%dma_wait3A_340, %add3A_329] : memref<2x320000xi32, #tpu.memory_space<hbm>> -> memref<2x128xi32, #tpu.memory_space<hbm>>
        tpu.wait_dma2 semaphore(%arg11 : memref<!tpu.dma_semaphore, #tpu.memory_space<semaphore_mem>>) src(%dma_wait3A_341 : memref<2x128xi32, #tpu.memory_space<hbm>>) dst(%dma_wait3A_339 : memref<2x128xi32, #tpu.memory_space<vmem>>)
        %dma_start3A_342 = arith.constant 0 : i32
        %dma_start3A_343 = arith.constant 0 : i32
        %dma_start3A_344 = arith.constant 0 : i32
        %dma_start3A_345 = arith.constant 0 : i32
        %dma_start3A_346 = tpu.memref_slice %arg7[%dma_start3A_343, %dma_start3A_344, %dma_start3A_345] : memref<3x128x128xf32, #tpu.memory_space<vmem>> -> memref<1x128x128xf32, #tpu.memory_space<vmem>>
        %dma_start3A_347 = tpu.memref_squeeze %dma_start3A_346 : memref<1x128x128xf32, #tpu.memory_space<vmem>> -> memref<128x128xf32, #tpu.memory_space<vmem>>
        %dma_start3A_348 = arith.constant 0 : i32
        %dma_start3A_349 = tpu.memref_slice %arg6[%rem3A_216, %dma_start3A_342, %dma_start3A_348] : memref<5x2x128xi32, #tpu.memory_space<vmem>> -> memref<1x1x128xi32, #tpu.memory_space<vmem>>
        %dma_start3A_350 = tpu.memref_squeeze %dma_start3A_349 : memref<1x1x128xi32, #tpu.memory_space<vmem>> -> memref<128xi32, #tpu.memory_space<vmem>>
        %dma_start3A_351 = arith.constant 0 : i32
        %dma_start3A_352 = arith.constant 0 : i32
        %dma_start3A_353 = tpu.memref_slice %arg2[%dma_start3A_351, %dma_start3A_352] : memref<10000x128xf32, #tpu.memory_space<hbm>> -> memref<10000x128xf32, #tpu.memory_space<hbm>>
        tpu.enqueue_indirect_dma source(%dma_start3A_353 : memref<10000x128xf32, #tpu.memory_space<hbm>>) target(%dma_start3A_347 : memref<128x128xf32, #tpu.memory_space<vmem>>) offsets(%dma_start3A_350 : memref<128xi32, #tpu.memory_space<vmem>>) semaphore(%arg9 : memref<!tpu.dma_semaphore, #tpu.memory_space<semaphore_mem>>)
      } else {
      }
      %add3A_267 = arith.constant 2 : i32
      %add3A_268 = arith.addi %mul3A_159, %add3A_267 : i32
      %rem3A_269 = arith.constant 5 : i32
      %rem3A_270 = arith.remsi %add3A_268, %rem3A_269 : i32
      %add3A_271 = arith.constant 2 : i32
      %add3A_272 = arith.addi %add3A_268, %add3A_271 : i32
      %rem3A_273 = arith.constant 5 : i32
      %rem3A_274 = arith.remsi %add3A_272, %rem3A_273 : i32
      %dma_wait3A_275 = arith.constant 0 : i32
      %dma_wait3A_276 = arith.constant 2 : i32
      %dma_wait3A_277 = arith.constant 0 : i32
      %dma_wait3A_278 = arith.constant 0 : i32
      %dma_wait3A_279 = tpu.memref_slice %arg7[%dma_wait3A_276, %dma_wait3A_277, %dma_wait3A_278] : memref<3x128x128xf32, #tpu.memory_space<vmem>> -> memref<1x128x128xf32, #tpu.memory_space<vmem>>
      %dma_wait3A_280 = tpu.memref_squeeze %dma_wait3A_279 : memref<1x128x128xf32, #tpu.memory_space<vmem>> -> memref<128x128xf32, #tpu.memory_space<vmem>>
      %dma_wait3A_281 = arith.constant 0 : i32
      %dma_wait3A_282 = tpu.memref_slice %arg6[%rem3A_270, %dma_wait3A_275, %dma_wait3A_281] : memref<5x2x128xi32, #tpu.memory_space<vmem>> -> memref<1x1x128xi32, #tpu.memory_space<vmem>>
      %dma_wait3A_283 = tpu.memref_squeeze %dma_wait3A_282 : memref<1x1x128xi32, #tpu.memory_space<vmem>> -> memref<128xi32, #tpu.memory_space<vmem>>
      %dma_wait3A_284 = arith.constant 0 : i32
      %dma_wait3A_285 = arith.constant 0 : i32
      %dma_wait3A_286 = tpu.memref_slice %arg2[%dma_wait3A_284, %dma_wait3A_285] : memref<10000x128xf32, #tpu.memory_space<hbm>> -> memref<10000x128xf32, #tpu.memory_space<hbm>>
      tpu.wait_indirect_dma semaphore(%arg9 : memref<!tpu.dma_semaphore, #tpu.memory_space<semaphore_mem>>) src(%dma_wait3A_286 : memref<10000x128xf32, #tpu.memory_space<hbm>>) dst(%dma_wait3A_280 : memref<128x128xf32, #tpu.memory_space<vmem>>)
      %dma_start3A_287 = arith.constant 2 : i32
      %dma_start3A_288 = arith.constant 1 : i32
      %dma_start3A_289 = arith.constant 0 : i32
      %dma_start3A_290 = arith.constant 0 : i32
      %dma_start3A_291 = tpu.memref_slice %arg7[%dma_start3A_287, %dma_start3A_289, %dma_start3A_290] : memref<3x128x128xf32, #tpu.memory_space<vmem>> -> memref<1x128x128xf32, #tpu.memory_space<vmem>>
      %dma_start3A_292 = tpu.memref_squeeze %dma_start3A_291 : memref<1x128x128xf32, #tpu.memory_space<vmem>> -> memref<128x128xf32, #tpu.memory_space<vmem>>
      %dma_start3A_293 = arith.constant 0 : i32
      %dma_start3A_294 = tpu.memref_slice %arg6[%rem3A_270, %dma_start3A_288, %dma_start3A_293] : memref<5x2x128xi32, #tpu.memory_space<vmem>> -> memref<1x1x128xi32, #tpu.memory_space<vmem>>
      %dma_start3A_295 = tpu.memref_squeeze %dma_start3A_294 : memref<1x1x128xi32, #tpu.memory_space<vmem>> -> memref<128xi32, #tpu.memory_space<vmem>>
      %dma_start3A_296 = arith.constant 0 : i32
      %dma_start3A_297 = arith.constant 0 : i32
      %dma_start3A_298 = tpu.memref_slice %arg8[%dma_start3A_296, %dma_start3A_297] : memref<10000x128xf32, #tpu.memory_space<vmem_shared>> -> memref<10000x128xf32, #tpu.memory_space<vmem_shared>>
      tpu.enqueue_indirect_dma source(%dma_start3A_292 : memref<128x128xf32, #tpu.memory_space<vmem>>) target(%dma_start3A_298 : memref<10000x128xf32, #tpu.memory_space<vmem_shared>>) offsets(%dma_start3A_295 : memref<128xi32, #tpu.memory_space<vmem>>) semaphore(%arg10 : memref<!tpu.dma_semaphore, #tpu.memory_space<semaphore_mem>>) {add = true}
      %dma_wait3A_299 = arith.constant 1 : i32
      %dma_wait3A_300 = arith.constant 1 : i32
      %dma_wait3A_301 = arith.constant 0 : i32
      %dma_wait3A_302 = arith.constant 0 : i32
      %dma_wait3A_303 = tpu.memref_slice %arg7[%dma_wait3A_299, %dma_wait3A_301, %dma_wait3A_302] : memref<3x128x128xf32, #tpu.memory_space<vmem>> -> memref<1x128x128xf32, #tpu.memory_space<vmem>>
      %dma_wait3A_304 = tpu.memref_squeeze %dma_wait3A_303 : memref<1x128x128xf32, #tpu.memory_space<vmem>> -> memref<128x128xf32, #tpu.memory_space<vmem>>
      %dma_wait3A_305 = arith.constant 0 : i32
      %dma_wait3A_306 = tpu.memref_slice %arg6[%rem3A_212, %dma_wait3A_300, %dma_wait3A_305] : memref<5x2x128xi32, #tpu.memory_space<vmem>> -> memref<1x1x128xi32, #tpu.memory_space<vmem>>
      %dma_wait3A_307 = tpu.memref_squeeze %dma_wait3A_306 : memref<1x1x128xi32, #tpu.memory_space<vmem>> -> memref<128xi32, #tpu.memory_space<vmem>>
      %dma_wait3A_308 = arith.constant 0 : i32
      %dma_wait3A_309 = arith.constant 0 : i32
      %dma_wait3A_310 = tpu.memref_slice %arg8[%dma_wait3A_308, %dma_wait3A_309] : memref<10000x128xf32, #tpu.memory_space<vmem_shared>> -> memref<10000x128xf32, #tpu.memory_space<vmem_shared>>
      tpu.wait_indirect_dma semaphore(%arg10 : memref<!tpu.dma_semaphore, #tpu.memory_space<semaphore_mem>>) src(%dma_wait3A_304 : memref<128x128xf32, #tpu.memory_space<vmem>>) dst(%dma_wait3A_310 : memref<10000x128xf32, #tpu.memory_space<vmem_shared>>)
      %add3A_311 = arith.constant 4 : i32
      %add3A_312 = arith.addi %add3A_268, %add3A_311 : i32
      %lt3A_313 = arith.constant 78 : i32
      %lt3A_314 = arith.cmpi slt, %add3A_312, %lt3A_313 : i32
      %convert_element_type3A_315 = arith.extui %lt3A_314 : i1 to i32
      %cond3A_316 = arith.constant 0 : i32
      %cond3A_317 = arith.cmpi ne, %convert_element_type3A_315, %cond3A_316 : i32
      scf.if %cond3A_317 {
        %add3A_325 = arith.constant 4 : i32
        %add3A_326 = arith.addi %add3A_268, %add3A_325 : i32
        %add3A_327 = arith.constant 4 : i32
        %add3A_328 = arith.addi %add3A_268, %add3A_327 : i32
        %rem3A_329 = arith.constant 5 : i32
        %rem3A_330 = arith.remsi %add3A_328, %rem3A_329 : i32
        %mul3A_331 = arith.constant 128 : i32
        %mul3A_332 = arith.muli %add3A_326, %mul3A_331 : i32
        %add3A_333 = arith.addi %mul3A_2, %mul3A_332 : i32
        %dma_start3A_334 = arith.constant 0 : i32
        %dma_start3A_335 = arith.constant 0 : i32
        %dma_start3A_336 = tpu.memref_slice %arg6[%rem3A_330, %dma_start3A_334, %dma_start3A_335] : memref<5x2x128xi32, #tpu.memory_space<vmem>> -> memref<1x2x128xi32, #tpu.memory_space<vmem>>
        %dma_start3A_337 = tpu.memref_squeeze %dma_start3A_336 : memref<1x2x128xi32, #tpu.memory_space<vmem>> -> memref<2x128xi32, #tpu.memory_space<vmem>>
        %dma_start3A_338 = arith.constant 0 : i32
        %dma_start3A_339 = tpu.memref_slice %arg3[%dma_start3A_338, %add3A_333] : memref<2x320000xi32, #tpu.memory_space<hbm>> -> memref<2x128xi32, #tpu.memory_space<hbm>>
        %dma_start3A_340 = arith.constant 0 : i32
        %dma_start3A_341 = arith.constant 0 : i32
        %dma_start3A_342 = tpu.memref_slice %arg6[%rem3A_330, %dma_start3A_340, %dma_start3A_341] : memref<5x2x128xi32, #tpu.memory_space<vmem>> -> memref<1x2x128xi32, #tpu.memory_space<vmem>>
        %dma_start3A_343 = tpu.memref_squeeze %dma_start3A_342 : memref<1x2x128xi32, #tpu.memory_space<vmem>> -> memref<2x128xi32, #tpu.memory_space<vmem>>
        %dma_start3A_344 = arith.constant 0 : i32
        %dma_start3A_345 = tpu.memref_slice %arg3[%dma_start3A_344, %add3A_333] : memref<2x320000xi32, #tpu.memory_space<hbm>> -> memref<2x128xi32, #tpu.memory_space<hbm>>
        tpu.enqueue_dma source(%dma_start3A_345 : memref<2x128xi32, #tpu.memory_space<hbm>>) target(%dma_start3A_343 : memref<2x128xi32, #tpu.memory_space<vmem>>) target_semaphore(%arg11 : memref<!tpu.dma_semaphore, #tpu.memory_space<semaphore_mem>>)
      } else {
      }
      %add3A_318 = arith.constant 2 : i32
      %add3A_319 = arith.addi %add3A_268, %add3A_318 : i32
      %lt3A_320 = arith.constant 78 : i32
      %lt3A_321 = arith.cmpi slt, %add3A_319, %lt3A_320 : i32
      %convert_element_type3A_322 = arith.extui %lt3A_321 : i1 to i32
      %cond3A_323 = arith.constant 0 : i32
      %cond3A_324 = arith.cmpi ne, %convert_element_type3A_322, %cond3A_323 : i32
      scf.if %cond3A_324 {
        %add3A_325 = arith.constant 2 : i32
        %add3A_326 = arith.addi %add3A_268, %add3A_325 : i32
        %mul3A_327 = arith.constant 128 : i32
        %mul3A_328 = arith.muli %add3A_326, %mul3A_327 : i32
        %add3A_329 = arith.addi %mul3A_2, %mul3A_328 : i32
        %dma_wait3A_330 = arith.constant 0 : i32
        %dma_wait3A_331 = arith.constant 0 : i32
        %dma_wait3A_332 = tpu.memref_slice %arg6[%rem3A_274, %dma_wait3A_330, %dma_wait3A_331] : memref<5x2x128xi32, #tpu.memory_space<vmem>> -> memref<1x2x128xi32, #tpu.memory_space<vmem>>
        %dma_wait3A_333 = tpu.memref_squeeze %dma_wait3A_332 : memref<1x2x128xi32, #tpu.memory_space<vmem>> -> memref<2x128xi32, #tpu.memory_space<vmem>>
        %dma_wait3A_334 = arith.constant 0 : i32
        %dma_wait3A_335 = tpu.memref_slice %arg3[%dma_wait3A_334, %add3A_329] : memref<2x320000xi32, #tpu.memory_space<hbm>> -> memref<2x128xi32, #tpu.memory_space<hbm>>
        %dma_wait3A_336 = arith.constant 0 : i32
        %dma_wait3A_337 = arith.constant 0 : i32
        %dma_wait3A_338 = tpu.memref_slice %arg6[%rem3A_274, %dma_wait3A_336, %dma_wait3A_337] : memref<5x2x128xi32, #tpu.memory_space<vmem>> -> memref<1x2x128xi32, #tpu.memory_space<vmem>>
        %dma_wait3A_339 = tpu.memref_squeeze %dma_wait3A_338 : memref<1x2x128xi32, #tpu.memory_space<vmem>> -> memref<2x128xi32, #tpu.memory_space<vmem>>
        %dma_wait3A_340 = arith.constant 0 : i32
        %dma_wait3A_341 = tpu.memref_slice %arg3[%dma_wait3A_340, %add3A_329] : memref<2x320000xi32, #tpu.memory_space<hbm>> -> memref<2x128xi32, #tpu.memory_space<hbm>>
        tpu.wait_dma2 semaphore(%arg11 : memref<!tpu.dma_semaphore, #tpu.memory_space<semaphore_mem>>) src(%dma_wait3A_341 : memref<2x128xi32, #tpu.memory_space<hbm>>) dst(%dma_wait3A_339 : memref<2x128xi32, #tpu.memory_space<vmem>>)
        %dma_start3A_342 = arith.constant 0 : i32
        %dma_start3A_343 = arith.constant 1 : i32
        %dma_start3A_344 = arith.constant 0 : i32
        %dma_start3A_345 = arith.constant 0 : i32
        %dma_start3A_346 = tpu.memref_slice %arg7[%dma_start3A_343, %dma_start3A_344, %dma_start3A_345] : memref<3x128x128xf32, #tpu.memory_space<vmem>> -> memref<1x128x128xf32, #tpu.memory_space<vmem>>
        %dma_start3A_347 = tpu.memref_squeeze %dma_start3A_346 : memref<1x128x128xf32, #tpu.memory_space<vmem>> -> memref<128x128xf32, #tpu.memory_space<vmem>>
        %dma_start3A_348 = arith.constant 0 : i32
        %dma_start3A_349 = tpu.memref_slice %arg6[%rem3A_274, %dma_start3A_342, %dma_start3A_348] : memref<5x2x128xi32, #tpu.memory_space<vmem>> -> memref<1x1x128xi32, #tpu.memory_space<vmem>>
        %dma_start3A_350 = tpu.memref_squeeze %dma_start3A_349 : memref<1x1x128xi32, #tpu.memory_space<vmem>> -> memref<128xi32, #tpu.memory_space<vmem>>
        %dma_start3A_351 = arith.constant 0 : i32
        %dma_start3A_352 = arith.constant 0 : i32
        %dma_start3A_353 = tpu.memref_slice %arg2[%dma_start3A_351, %dma_start3A_352] : memref<10000x128xf32, #tpu.memory_space<hbm>> -> memref<10000x128xf32, #tpu.memory_space<hbm>>
        tpu.enqueue_indirect_dma source(%dma_start3A_353 : memref<10000x128xf32, #tpu.memory_space<hbm>>) target(%dma_start3A_347 : memref<128x128xf32, #tpu.memory_space<vmem>>) offsets(%dma_start3A_350 : memref<128xi32, #tpu.memory_space<vmem>>) semaphore(%arg9 : memref<!tpu.dma_semaphore, #tpu.memory_space<semaphore_mem>>)
      } else {
      }
    }
    %scan3A_129 = arith.constant 26 : i32
    %dma_wait3A_130 = arith.constant 2 : i32
    %dma_wait3A_131 = arith.constant 0 : i32
    %dma_wait3A_132 = arith.constant 1 : i32
    %dma_wait3A_133 = arith.constant 0 : i32
    %dma_wait3A_134 = arith.constant 0 : i32
    %dma_wait3A_135 = tpu.memref_slice %arg7[%dma_wait3A_130, %dma_wait3A_133, %dma_wait3A_134] : memref<3x128x128xf32, #tpu.memory_space<vmem>> -> memref<1x128x128xf32, #tpu.memory_space<vmem>>
    %dma_wait3A_136 = tpu.memref_squeeze %dma_wait3A_135 : memref<1x128x128xf32, #tpu.memory_space<vmem>> -> memref<128x128xf32, #tpu.memory_space<vmem>>
    %dma_wait3A_137 = arith.constant 0 : i32
    %dma_wait3A_138 = tpu.memref_slice %arg6[%dma_wait3A_131, %dma_wait3A_132, %dma_wait3A_137] : memref<5x2x128xi32, #tpu.memory_space<vmem>> -> memref<1x1x128xi32, #tpu.memory_space<vmem>>
    %dma_wait3A_139 = tpu.memref_squeeze %dma_wait3A_138 : memref<1x1x128xi32, #tpu.memory_space<vmem>> -> memref<128xi32, #tpu.memory_space<vmem>>
    %dma_wait3A_140 = arith.constant 0 : i32
    %dma_wait3A_141 = arith.constant 0 : i32
    %dma_wait3A_142 = tpu.memref_slice %arg8[%dma_wait3A_140, %dma_wait3A_141] : memref<10000x128xf32, #tpu.memory_space<vmem_shared>> -> memref<10000x128xf32, #tpu.memory_space<vmem_shared>>
    tpu.wait_indirect_dma semaphore(%arg10 : memref<!tpu.dma_semaphore, #tpu.memory_space<semaphore_mem>>) src(%dma_wait3A_136 : memref<128x128xf32, #tpu.memory_space<vmem>>) dst(%dma_wait3A_142 : memref<10000x128xf32, #tpu.memory_space<vmem_shared>>)
    %lt3A = arith.constant 4 : i32
    %lt3A_143 = arith.cmpi slt, %add3A, %lt3A : i32
    %convert_element_type3A_144 = arith.extui %lt3A_143 : i1 to i32
    %cond3A_145 = arith.constant 0 : i32
    %cond3A_146 = arith.cmpi ne, %convert_element_type3A_144, %cond3A_145 : i32
    scf.if %cond3A_146 {
      %mul3A_153 = arith.constant 128 : i32
      %mul3A_154 = arith.muli %add3A, %mul3A_153 : i32
      %add3A_155 = arith.constant 319488 : i32
      %add3A_156 = arith.addi %add3A_155, %mul3A_154 : i32
      %run_scoped3A = arith.constant 0 : i32
      "tpu.region"() ({
        %run_scoped3A_186 = tpu.sem_alloc : memref<!tpu.dma_semaphore, #tpu.memory_space<semaphore_mem>>
        %dma_start3A_187 = arith.constant 0 : i32
        %dma_start3A_188 = arith.constant 0 : i32
        %dma_start3A_189 = tpu.memref_slice %arg6[%run_scoped3A, %dma_start3A_187, %dma_start3A_188] : memref<5x2x128xi32, #tpu.memory_space<vmem>> -> memref<1x2x128xi32, #tpu.memory_space<vmem>>
        %dma_start3A_190 = tpu.memref_squeeze %dma_start3A_189 : memref<1x2x128xi32, #tpu.memory_space<vmem>> -> memref<2x128xi32, #tpu.memory_space<vmem>>
        %dma_start3A_191 = arith.constant 0 : i32
        %dma_start3A_192 = tpu.memref_slice %arg3[%dma_start3A_191, %add3A_156] : memref<2x320000xi32, #tpu.memory_space<hbm>> -> memref<2x128xi32, #tpu.memory_space<hbm>>
        %dma_start3A_193 = arith.constant 0 : i32
        %dma_start3A_194 = arith.constant 0 : i32
        %dma_start3A_195 = tpu.memref_slice %arg6[%run_scoped3A, %dma_start3A_193, %dma_start3A_194] : memref<5x2x128xi32, #tpu.memory_space<vmem>> -> memref<1x2x128xi32, #tpu.memory_space<vmem>>
        %dma_start3A_196 = tpu.memref_squeeze %dma_start3A_195 : memref<1x2x128xi32, #tpu.memory_space<vmem>> -> memref<2x128xi32, #tpu.memory_space<vmem>>
        %dma_start3A_197 = arith.constant 0 : i32
        %dma_start3A_198 = tpu.memref_slice %arg3[%dma_start3A_197, %add3A_156] : memref<2x320000xi32, #tpu.memory_space<hbm>> -> memref<2x128xi32, #tpu.memory_space<hbm>>
        tpu.enqueue_dma source(%dma_start3A_198 : memref<2x128xi32, #tpu.memory_space<hbm>>) target(%dma_start3A_196 : memref<2x128xi32, #tpu.memory_space<vmem>>) target_semaphore(%run_scoped3A_186 : memref<!tpu.dma_semaphore, #tpu.memory_space<semaphore_mem>>)
        %dma_wait3A_199 = arith.constant 0 : i32
        %dma_wait3A_200 = arith.constant 0 : i32
        %dma_wait3A_201 = tpu.memref_slice %arg6[%run_scoped3A, %dma_wait3A_199, %dma_wait3A_200] : memref<5x2x128xi32, #tpu.memory_space<vmem>> -> memref<1x2x128xi32, #tpu.memory_space<vmem>>
        %dma_wait3A_202 = tpu.memref_squeeze %dma_wait3A_201 : memref<1x2x128xi32, #tpu.memory_space<vmem>> -> memref<2x128xi32, #tpu.memory_space<vmem>>
        %dma_wait3A_203 = arith.constant 0 : i32
        %dma_wait3A_204 = tpu.memref_slice %arg3[%dma_wait3A_203, %add3A_156] : memref<2x320000xi32, #tpu.memory_space<hbm>> -> memref<2x128xi32, #tpu.memory_space<hbm>>
        %dma_wait3A_205 = arith.constant 0 : i32
        %dma_wait3A_206 = arith.constant 0 : i32
        %dma_wait3A_207 = tpu.memref_slice %arg6[%run_scoped3A, %dma_wait3A_205, %dma_wait3A_206] : memref<5x2x128xi32, #tpu.memory_space<vmem>> -> memref<1x2x128xi32, #tpu.memory_space<vmem>>
        %dma_wait3A_208 = tpu.memref_squeeze %dma_wait3A_207 : memref<1x2x128xi32, #tpu.memory_space<vmem>> -> memref<2x128xi32, #tpu.memory_space<vmem>>
        %dma_wait3A_209 = arith.constant 0 : i32
        %dma_wait3A_210 = tpu.memref_slice %arg3[%dma_wait3A_209, %add3A_156] : memref<2x320000xi32, #tpu.memory_space<hbm>> -> memref<2x128xi32, #tpu.memory_space<hbm>>
        tpu.wait_dma2 semaphore(%run_scoped3A_186 : memref<!tpu.dma_semaphore, #tpu.memory_space<semaphore_mem>>) src(%dma_wait3A_210 : memref<2x128xi32, #tpu.memory_space<hbm>>) dst(%dma_wait3A_208 : memref<2x128xi32, #tpu.memory_space<vmem>>)
        tpu.yield
      }) : () -> ()
      %dma_start3A_157 = arith.constant 0 : i32
      %dma_start3A_158 = arith.constant 0 : i32
      %dma_start3A_159 = arith.constant 0 : i32
      %dma_start3A_160 = arith.constant 0 : i32
      %dma_start3A_161 = arith.constant 0 : i32
      %dma_start3A_162 = tpu.memref_slice %arg7[%dma_start3A_159, %dma_start3A_160, %dma_start3A_161] : memref<3x128x128xf32, #tpu.memory_space<vmem>> -> memref<1x128x128xf32, #tpu.memory_space<vmem>>
      %dma_start3A_163 = tpu.memref_squeeze %dma_start3A_162 : memref<1x128x128xf32, #tpu.memory_space<vmem>> -> memref<128x128xf32, #tpu.memory_space<vmem>>
      %dma_start3A_164 = arith.constant 0 : i32
      %dma_start3A_165 = tpu.memref_slice %arg6[%dma_start3A_157, %dma_start3A_158, %dma_start3A_164] : memref<5x2x128xi32, #tpu.memory_space<vmem>> -> memref<1x1x128xi32, #tpu.memory_space<vmem>>
      %dma_start3A_166 = tpu.memref_squeeze %dma_start3A_165 : memref<1x1x128xi32, #tpu.memory_space<vmem>> -> memref<128xi32, #tpu.memory_space<vmem>>
      %dma_start3A_167 = arith.constant 0 : i32
      %dma_start3A_168 = arith.constant 0 : i32
      %dma_start3A_169 = tpu.memref_slice %arg2[%dma_start3A_167, %dma_start3A_168] : memref<10000x128xf32, #tpu.memory_space<hbm>> -> memref<10000x128xf32, #tpu.memory_space<hbm>>
      tpu.enqueue_indirect_dma source(%dma_start3A_169 : memref<10000x128xf32, #tpu.memory_space<hbm>>) target(%dma_start3A_163 : memref<128x128xf32, #tpu.memory_space<vmem>>) offsets(%dma_start3A_166 : memref<128xi32, #tpu.memory_space<vmem>>) semaphore(%arg9 : memref<!tpu.dma_semaphore, #tpu.memory_space<semaphore_mem>>)
      %dma_wait3A_170 = arith.constant 0 : i32
      %dma_wait3A_171 = arith.constant 0 : i32
      %dma_wait3A_172 = arith.constant 0 : i32
      %dma_wait3A_173 = arith.constant 0 : i32
      %dma_wait3A_174 = arith.constant 0 : i32
      %dma_wait3A_175 = tpu.memref_slice %arg7[%dma_wait3A_172, %dma_wait3A_173, %dma_wait3A_174] : memref<3x128x128xf32, #tpu.memory_space<vmem>> -> memref<1x128x128xf32, #tpu.memory_space<vmem>>
      %dma_wait3A_176 = tpu.memref_squeeze %dma_wait3A_175 : memref<1x128x128xf32, #tpu.memory_space<vmem>> -> memref<128x128xf32, #tpu.memory_space<vmem>>
      %dma_wait3A_177 = arith.constant 0 : i32
      %dma_wait3A_178 = tpu.memref_slice %arg6[%dma_wait3A_170, %dma_wait3A_171, %dma_wait3A_177] : memref<5x2x128xi32, #tpu.memory_space<vmem>> -> memref<1x1x128xi32, #tpu.memory_space<vmem>>
      %dma_wait3A_179 = tpu.memref_squeeze %dma_wait3A_178 : memref<1x1x128xi32, #tpu.memory_space<vmem>> -> memref<128xi32, #tpu.memory_space<vmem>>
      %dma_wait3A_180 = arith.constant 0 : i32
      %dma_wait3A_181 = arith.constant 0 : i32
      %dma_wait3A_182 = tpu.memref_slice %arg2[%dma_wait3A_180, %dma_wait3A_181] : memref<10000x128xf32, #tpu.memory_space<hbm>> -> memref<10000x128xf32, #tpu.memory_space<hbm>>
      tpu.wait_indirect_dma semaphore(%arg9 : memref<!tpu.dma_semaphore, #tpu.memory_space<semaphore_mem>>) src(%dma_wait3A_182 : memref<10000x128xf32, #tpu.memory_space<hbm>>) dst(%dma_wait3A_176 : memref<128x128xf32, #tpu.memory_space<vmem>>)
      %run_scoped3A_183 = arith.constant 0 : i32
      %run_scoped3A_184 = arith.constant 0 : i32
      %run_scoped3A_185 = arith.constant 1 : i32
      "tpu.region"() ({
        %run_scoped3A_186 = tpu.sem_alloc : memref<!tpu.dma_semaphore, #tpu.memory_space<semaphore_mem>>
        %dma_start3A_187 = arith.constant 0 : i32
        %dma_start3A_188 = arith.constant 0 : i32
        %dma_start3A_189 = tpu.memref_slice %arg7[%run_scoped3A_183, %dma_start3A_187, %dma_start3A_188] : memref<3x128x128xf32, #tpu.memory_space<vmem>> -> memref<1x128x128xf32, #tpu.memory_space<vmem>>
        %dma_start3A_190 = tpu.memref_squeeze %dma_start3A_189 : memref<1x128x128xf32, #tpu.memory_space<vmem>> -> memref<128x128xf32, #tpu.memory_space<vmem>>
        %dma_start3A_191 = arith.constant 0 : i32
        %dma_start3A_192 = tpu.memref_slice %arg6[%run_scoped3A_184, %run_scoped3A_185, %dma_start3A_191] : memref<5x2x128xi32, #tpu.memory_space<vmem>> -> memref<1x1x128xi32, #tpu.memory_space<vmem>>
        %dma_start3A_193 = tpu.memref_squeeze %dma_start3A_192 : memref<1x1x128xi32, #tpu.memory_space<vmem>> -> memref<128xi32, #tpu.memory_space<vmem>>
        %dma_start3A_194 = arith.constant 0 : i32
        %dma_start3A_195 = arith.constant 0 : i32
        %dma_start3A_196 = tpu.memref_slice %arg8[%dma_start3A_194, %dma_start3A_195] : memref<10000x128xf32, #tpu.memory_space<vmem_shared>> -> memref<10000x128xf32, #tpu.memory_space<vmem_shared>>
        tpu.enqueue_indirect_dma source(%dma_start3A_190 : memref<128x128xf32, #tpu.memory_space<vmem>>) target(%dma_start3A_196 : memref<10000x128xf32, #tpu.memory_space<vmem_shared>>) offsets(%dma_start3A_193 : memref<128xi32, #tpu.memory_space<vmem>>) semaphore(%run_scoped3A_186 : memref<!tpu.dma_semaphore, #tpu.memory_space<semaphore_mem>>) {add = true}
        %dma_wait3A_197 = arith.constant 0 : i32
        %dma_wait3A_198 = arith.constant 0 : i32
        %dma_wait3A_199 = tpu.memref_slice %arg7[%run_scoped3A_183, %dma_wait3A_197, %dma_wait3A_198] : memref<3x128x128xf32, #tpu.memory_space<vmem>> -> memref<1x128x128xf32, #tpu.memory_space<vmem>>
        %dma_wait3A_200 = tpu.memref_squeeze %dma_wait3A_199 : memref<1x128x128xf32, #tpu.memory_space<vmem>> -> memref<128x128xf32, #tpu.memory_space<vmem>>
        %dma_wait3A_201 = arith.constant 0 : i32
        %dma_wait3A_202 = tpu.memref_slice %arg6[%run_scoped3A_184, %run_scoped3A_185, %dma_wait3A_201] : memref<5x2x128xi32, #tpu.memory_space<vmem>> -> memref<1x1x128xi32, #tpu.memory_space<vmem>>
        %dma_wait3A_203 = tpu.memref_squeeze %dma_wait3A_202 : memref<1x1x128xi32, #tpu.memory_space<vmem>> -> memref<128xi32, #tpu.memory_space<vmem>>
        %dma_wait3A_204 = arith.constant 0 : i32
        %dma_wait3A_205 = arith.constant 0 : i32
        %dma_wait3A_206 = tpu.memref_slice %arg8[%dma_wait3A_204, %dma_wait3A_205] : memref<10000x128xf32, #tpu.memory_space<vmem_shared>> -> memref<10000x128xf32, #tpu.memory_space<vmem_shared>>
        tpu.wait_indirect_dma semaphore(%run_scoped3A_186 : memref<!tpu.dma_semaphore, #tpu.memory_space<semaphore_mem>>) src(%dma_wait3A_200 : memref<128x128xf32, #tpu.memory_space<vmem>>) dst(%dma_wait3A_206 : memref<10000x128xf32, #tpu.memory_space<vmem_shared>>)
        tpu.yield
      }) : () -> ()
    } else {
    }
    %barrier3A_147 = arith.constant 0 : index
    tpu.barrier barrier_id(%barrier3A_147)
    "tpu.region"() ({
      %run_scoped3A = tpu.sem_alloc : memref<!tpu.dma_semaphore, #tpu.memory_space<semaphore_mem>>
      %dma_start3A_153 = arith.constant 0 : i32
      %dma_start3A_154 = arith.constant 0 : i32
      %dma_start3A_155 = tpu.memref_slice %arg5[%arg0, %dma_start3A_153, %dma_start3A_154] : memref<2x10000x128xf32, #tpu.memory_space<hbm>> -> memref<1x10000x128xf32, #tpu.memory_space<hbm>>
      %dma_start3A_156 = tpu.memref_squeeze %dma_start3A_155 : memref<1x10000x128xf32, #tpu.memory_space<hbm>> -> memref<10000x128xf32, #tpu.memory_space<hbm>>
      %dma_start3A_157 = arith.constant 0 : i32
      %dma_start3A_158 = tpu.memref_slice %dma_start3A_156[%mul3A_118, %dma_start3A_157] : memref<10000x128xf32, #tpu.memory_space<hbm>> -> memref<624x128xf32, #tpu.memory_space<hbm>>
      %dma_start3A_159 = arith.constant 0 : i32
      %dma_start3A_160 = tpu.memref_slice %arg8[%mul3A_118, %dma_start3A_159] : memref<10000x128xf32, #tpu.memory_space<vmem_shared>> -> memref<624x128xf32, #tpu.memory_space<vmem_shared>>
      tpu.enqueue_dma source(%dma_start3A_160 : memref<624x128xf32, #tpu.memory_space<vmem_shared>>) target(%dma_start3A_158 : memref<624x128xf32, #tpu.memory_space<hbm>>) target_semaphore(%run_scoped3A : memref<!tpu.dma_semaphore, #tpu.memory_space<semaphore_mem>>)
      %dma_wait3A_161 = arith.constant 0 : i32
      %dma_wait3A_162 = arith.constant 0 : i32
      %dma_wait3A_163 = tpu.memref_slice %arg5[%arg0, %dma_wait3A_161, %dma_wait3A_162] : memref<2x10000x128xf32, #tpu.memory_space<hbm>> -> memref<1x10000x128xf32, #tpu.memory_space<hbm>>
      %dma_wait3A_164 = tpu.memref_squeeze %dma_wait3A_163 : memref<1x10000x128xf32, #tpu.memory_space<hbm>> -> memref<10000x128xf32, #tpu.memory_space<hbm>>
      %dma_wait3A_165 = arith.constant 0 : i32
      %dma_wait3A_166 = tpu.memref_slice %dma_wait3A_164[%mul3A_118, %dma_wait3A_165] : memref<10000x128xf32, #tpu.memory_space<hbm>> -> memref<624x128xf32, #tpu.memory_space<hbm>>
      %dma_wait3A_167 = arith.constant 0 : i32
      %dma_wait3A_168 = tpu.memref_slice %arg8[%mul3A_118, %dma_wait3A_167] : memref<10000x128xf32, #tpu.memory_space<vmem_shared>> -> memref<624x128xf32, #tpu.memory_space<vmem_shared>>
      tpu.wait_dma2 semaphore(%run_scoped3A : memref<!tpu.dma_semaphore, #tpu.memory_space<semaphore_mem>>) src(%dma_wait3A_168 : memref<624x128xf32, #tpu.memory_space<vmem_shared>>) dst(%dma_wait3A_166 : memref<624x128xf32, #tpu.memory_space<hbm>>)
      tpu.yield
    }) : () -> ()
    %eq3A_148 = arith.constant 15 : i32
    %eq3A_149 = arith.cmpi eq, %arg1, %eq3A_148 : i32
    %convert_element_type3A_150 = arith.extui %eq3A_149 : i1 to i32
    %cond3A_151 = arith.constant 0 : i32
    %cond3A_152 = arith.cmpi ne, %convert_element_type3A_150, %cond3A_151 : i32
    scf.if %cond3A_152 {
      "tpu.region"() ({
        %run_scoped3A = tpu.sem_alloc : memref<!tpu.dma_semaphore, #tpu.memory_space<semaphore_mem>>
        %dma_start3A_153 = arith.constant 0 : i32
        %dma_start3A_154 = arith.constant 0 : i32
        %dma_start3A_155 = tpu.memref_slice %arg5[%arg0, %dma_start3A_153, %dma_start3A_154] : memref<2x10000x128xf32, #tpu.memory_space<hbm>> -> memref<1x10000x128xf32, #tpu.memory_space<hbm>>
        %dma_start3A_156 = tpu.memref_squeeze %dma_start3A_155 : memref<1x10000x128xf32, #tpu.memory_space<hbm>> -> memref<10000x128xf32, #tpu.memory_space<hbm>>
        %dma_start3A_157 = arith.constant 9984 : i32
        %dma_start3A_158 = arith.constant 0 : i32
        %dma_start3A_159 = tpu.memref_slice %dma_start3A_156[%dma_start3A_157, %dma_start3A_158] : memref<10000x128xf32, #tpu.memory_space<hbm>> -> memref<16x128xf32, #tpu.memory_space<hbm>>
        %dma_start3A_160 = arith.constant 9984 : i32
        %dma_start3A_161 = arith.constant 0 : i32
        %dma_start3A_162 = tpu.memref_slice %arg8[%dma_start3A_160, %dma_start3A_161] : memref<10000x128xf32, #tpu.memory_space<vmem_shared>> -> memref<16x128xf32, #tpu.memory_space<vmem_shared>>
        tpu.enqueue_dma source(%dma_start3A_162 : memref<16x128xf32, #tpu.memory_space<vmem_shared>>) target(%dma_start3A_159 : memref<16x128xf32, #tpu.memory_space<hbm>>) target_semaphore(%run_scoped3A : memref<!tpu.dma_semaphore, #tpu.memory_space<semaphore_mem>>)
        %dma_wait3A_163 = arith.constant 0 : i32
        %dma_wait3A_164 = arith.constant 0 : i32
        %dma_wait3A_165 = tpu.memref_slice %arg5[%arg0, %dma_wait3A_163, %dma_wait3A_164] : memref<2x10000x128xf32, #tpu.memory_space<hbm>> -> memref<1x10000x128xf32, #tpu.memory_space<hbm>>
        %dma_wait3A_166 = tpu.memref_squeeze %dma_wait3A_165 : memref<1x10000x128xf32, #tpu.memory_space<hbm>> -> memref<10000x128xf32, #tpu.memory_space<hbm>>
        %dma_wait3A_167 = arith.constant 9984 : i32
        %dma_wait3A_168 = arith.constant 0 : i32
        %dma_wait3A_169 = tpu.memref_slice %dma_wait3A_166[%dma_wait3A_167, %dma_wait3A_168] : memref<10000x128xf32, #tpu.memory_space<hbm>> -> memref<16x128xf32, #tpu.memory_space<hbm>>
        %dma_wait3A_170 = arith.constant 9984 : i32
        %dma_wait3A_171 = arith.constant 0 : i32
        %dma_wait3A_172 = tpu.memref_slice %arg8[%dma_wait3A_170, %dma_wait3A_171] : memref<10000x128xf32, #tpu.memory_space<vmem_shared>> -> memref<16x128xf32, #tpu.memory_space<vmem_shared>>
        tpu.wait_dma2 semaphore(%run_scoped3A : memref<!tpu.dma_semaphore, #tpu.memory_space<semaphore_mem>>) src(%dma_wait3A_172 : memref<16x128xf32, #tpu.memory_space<vmem_shared>>) dst(%dma_wait3A_169 : memref<16x128xf32, #tpu.memory_space<hbm>>)
        tpu.yield
      }) : () -> ()
    } else {
    }
    return
  }
}

module attributes {stable_mosaic.version = 14 : i64} {
  func.func @_mlp_body(%arg0: i32, %arg1: memref<2x5000x128xf32, #tpu.memory_space<vmem>>, %arg2: memref<128x128xf32, #tpu.memory_space<vmem>>, %arg3: memref<1x128xf32, #tpu.memory_space<vmem>>, %arg4: memref<128x128xf32, #tpu.memory_space<vmem>>, %arg5: memref<1x128xf32, #tpu.memory_space<vmem>>, %arg6: memref<5000x128xf32, #tpu.memory_space<vmem>>) attributes {dimension_semantics = [#tpu.dimension_semantics<arbitrary>], iteration_bounds = array<i64: 2>, scalar_prefetch = 0 : i64, scratch_operands = 0 : i64, tpu.core_type = #tpu.core_type<tc>, window_params = [{transform_indices = @transform_0, window_bounds = array<i64: 2, 5000, 128>}, {pipeline_mode = #tpu.pipeline_mode<synchronous>, transform_indices = @transform_1, window_bounds = array<i64: 128, 128>}, {pipeline_mode = #tpu.pipeline_mode<synchronous>, transform_indices = @transform_2, window_bounds = array<i64: 1, 128>}, {pipeline_mode = #tpu.pipeline_mode<synchronous>, transform_indices = @transform_3, window_bounds = array<i64: 128, 128>}, {pipeline_mode = #tpu.pipeline_mode<synchronous>, transform_indices = @transform_4, window_bounds = array<i64: 1, 128>}, {transform_indices = @transform_5, window_bounds = array<i64: 5000, 128>}]} {
    %get3A = arith.constant 0 : index
    %get3A_0 = arith.constant 0 : index
    %get3A_1 = arith.constant 0 : index
    %get3A_2 = vector.load %arg1[%get3A, %get3A_0, %get3A_1] : memref<2x5000x128xf32, #tpu.memory_space<vmem>>, vector<1x5000x128xf32>
    %get3A_3 = vector.shape_cast %get3A_2 : vector<1x5000x128xf32> to vector<5000x128xf32>
    %get3A_4 = arith.constant 1 : index
    %get3A_5 = arith.constant 0 : index
    %get3A_6 = arith.constant 0 : index
    %get3A_7 = vector.load %arg1[%get3A_4, %get3A_5, %get3A_6] : memref<2x5000x128xf32, #tpu.memory_space<vmem>>, vector<1x5000x128xf32>
    %get3A_8 = vector.shape_cast %get3A_7 : vector<1x5000x128xf32> to vector<5000x128xf32>
    %add3A = arith.addf %get3A_3, %get3A_8 : vector<5000x128xf32>
    %get3A_9 = arith.constant 0 : index
    %get3A_10 = arith.constant 0 : index
    %get3A_11 = vector.load %arg2[%get3A_9, %get3A_10] : memref<128x128xf32, #tpu.memory_space<vmem>>, vector<128x128xf32>
    %dot_general3A = arith.constant dense<0.000000e+00> : vector<5000x128xf32>
    %dot_general3A_12 = tpu.matmul %add3A, %get3A_11, %dot_general3A {dimension_numbers = #tpu.dot_dimension_numbers<[1], [0], [0], [1], [0, 0, 1, 1], [], []>, transpose_lhs_hint = false} : vector<5000x128xf32>, vector<128x128xf32>, vector<5000x128xf32> -> vector<5000x128xf32>
    %get3A_13 = arith.constant 0 : index
    %get3A_14 = arith.constant 0 : index
    %get3A_15 = vector.load %arg3[%get3A_13, %get3A_14] : memref<1x128xf32, #tpu.memory_space<vmem>>, vector<1x128xf32>
    %add3A_16 = vector.broadcast %get3A_15 : vector<1x128xf32> to vector<5000x128xf32>
    %add3A_17 = arith.addf %dot_general3A_12, %add3A_16 : vector<5000x128xf32>
    %max3A = arith.constant 0.000000e+00 : f32
    %max3A_18 = vector.broadcast %max3A : f32 to vector<5000x128xf32>
    %max3A_19 = arith.maximumf %add3A_17, %max3A_18 : vector<5000x128xf32>
    %get3A_20 = arith.constant 0 : index
    %get3A_21 = arith.constant 0 : index
    %get3A_22 = vector.load %arg4[%get3A_20, %get3A_21] : memref<128x128xf32, #tpu.memory_space<vmem>>, vector<128x128xf32>
    %dot_general3A_23 = arith.constant dense<0.000000e+00> : vector<5000x128xf32>
    %dot_general3A_24 = tpu.matmul %max3A_19, %get3A_22, %dot_general3A_23 {dimension_numbers = #tpu.dot_dimension_numbers<[1], [0], [0], [1], [0, 0, 1, 1], [], []>, transpose_lhs_hint = false} : vector<5000x128xf32>, vector<128x128xf32>, vector<5000x128xf32> -> vector<5000x128xf32>
    %get3A_25 = arith.constant 0 : index
    %get3A_26 = arith.constant 0 : index
    %get3A_27 = vector.load %arg5[%get3A_25, %get3A_26] : memref<1x128xf32, #tpu.memory_space<vmem>>, vector<1x128xf32>
    %add3A_28 = vector.broadcast %get3A_27 : vector<1x128xf32> to vector<5000x128xf32>
    %add3A_29 = arith.addf %dot_general3A_24, %add3A_28 : vector<5000x128xf32>
    %swap3A = arith.constant 0 : index
    %swap3A_30 = arith.constant 0 : index
    %swap3A_31 = vector.load %arg6[%swap3A, %swap3A_30] : memref<5000x128xf32, #tpu.memory_space<vmem>>, vector<5000x128xf32>
    tpu.vector_store %arg6[%swap3A, %swap3A_30], %add3A_29 {strides = array<i32>} : memref<5000x128xf32, #tpu.memory_space<vmem>>, vector<5000x128xf32>,
    return
  }
  func.func @transform_0(%arg0: i32) -> (i32, i32, i32) {
    %c0_i32 = arith.constant 0 : i32
    %c0_i32_0 = arith.constant 0 : i32
    %c0_i32_1 = arith.constant 0 : i32
    return %c0_i32, %arg0, %c0_i32_0 : i32, i32, i32
  }
  func.func @transform_1(%arg0: i32) -> (i32, i32) {
    %c0_i32 = arith.constant 0 : i32
    %c0_i32_0 = arith.constant 0 : i32
    %c0_i32_1 = arith.constant 0 : i32
    return %c0_i32, %c0_i32_0 : i32, i32
  }
  func.func @transform_2(%arg0: i32) -> (i32, i32) {
    %c0_i32 = arith.constant 0 : i32
    %c0_i32_0 = arith.constant 0 : i32
    %c0_i32_1 = arith.constant 0 : i32
    return %c0_i32, %c0_i32_0 : i32, i32
  }
  func.func @transform_3(%arg0: i32) -> (i32, i32) {
    %c0_i32 = arith.constant 0 : i32
    %c0_i32_0 = arith.constant 0 : i32
    %c0_i32_1 = arith.constant 0 : i32
    return %c0_i32, %c0_i32_0 : i32, i32
  }
  func.func @transform_4(%arg0: i32) -> (i32, i32) {
    %c0_i32 = arith.constant 0 : i32
    %c0_i32_0 = arith.constant 0 : i32
    %c0_i32_1 = arith.constant 0 : i32
    return %c0_i32, %c0_i32_0 : i32, i32
  }
  func.func @transform_5(%arg0: i32) -> (i32, i32) {
    %c0_i32 = arith.constant 0 : i32
    %c0_i32_0 = arith.constant 0 : i32
    return %arg0, %c0_i32 : i32, i32
  }
}

module attributes {stable_mosaic.version = 14 : i64} {
  func.func @_mlp_body(%arg0: i32, %arg1: memref<2x5000x128xf32, #tpu.memory_space<vmem>>, %arg2: memref<128x128xf32, #tpu.memory_space<vmem>>, %arg3: memref<1x128xf32, #tpu.memory_space<vmem>>, %arg4: memref<128x128xf32, #tpu.memory_space<vmem>>, %arg5: memref<1x128xf32, #tpu.memory_space<vmem>>, %arg6: memref<5000x128xf32, #tpu.memory_space<vmem>>) attributes {dimension_semantics = [#tpu.dimension_semantics<arbitrary>], iteration_bounds = array<i64: 2>, scalar_prefetch = 0 : i64, scratch_operands = 0 : i64, tpu.core_type = #tpu.core_type<tc>, window_params = [{transform_indices = @transform_0, window_bounds = array<i64: 2, 5000, 128>}, {pipeline_mode = #tpu.pipeline_mode<synchronous>, transform_indices = @transform_1, window_bounds = array<i64: 128, 128>}, {pipeline_mode = #tpu.pipeline_mode<synchronous>, transform_indices = @transform_2, window_bounds = array<i64: 1, 128>}, {pipeline_mode = #tpu.pipeline_mode<synchronous>, transform_indices = @transform_3, window_bounds = array<i64: 128, 128>}, {pipeline_mode = #tpu.pipeline_mode<synchronous>, transform_indices = @transform_4, window_bounds = array<i64: 1, 128>}, {transform_indices = @transform_5, window_bounds = array<i64: 5000, 128>}]} {
    %get3A = arith.constant 0 : index
    %get3A_0 = arith.constant 0 : index
    %get3A_1 = arith.constant 0 : index
    %get3A_2 = vector.load %arg1[%get3A, %get3A_0, %get3A_1] : memref<2x5000x128xf32, #tpu.memory_space<vmem>>, vector<1x5000x128xf32>
    %get3A_3 = vector.shape_cast %get3A_2 : vector<1x5000x128xf32> to vector<5000x128xf32>
    %get3A_4 = arith.constant 1 : index
    %get3A_5 = arith.constant 0 : index
    %get3A_6 = arith.constant 0 : index
    %get3A_7 = vector.load %arg1[%get3A_4, %get3A_5, %get3A_6] : memref<2x5000x128xf32, #tpu.memory_space<vmem>>, vector<1x5000x128xf32>
    %get3A_8 = vector.shape_cast %get3A_7 : vector<1x5000x128xf32> to vector<5000x128xf32>
    %add3A = arith.addf %get3A_3, %get3A_8 : vector<5000x128xf32>
    %get3A_9 = arith.constant 0 : index
    %get3A_10 = arith.constant 0 : index
    %get3A_11 = vector.load %arg2[%get3A_9, %get3A_10] : memref<128x128xf32, #tpu.memory_space<vmem>>, vector<128x128xf32>
    %dot_general3A = arith.constant dense<0.000000e+00> : vector<5000x128xf32>
    %dot_general3A_12 = tpu.matmul %add3A, %get3A_11, %dot_general3A {dimension_numbers = #tpu.dot_dimension_numbers<[1], [0], [0], [1], [0, 0, 1, 1], [], []>, transpose_lhs_hint = false} : vector<5000x128xf32>, vector<128x128xf32>, vector<5000x128xf32> -> vector<5000x128xf32>
    %get3A_13 = arith.constant 0 : index
    %get3A_14 = arith.constant 0 : index
    %get3A_15 = vector.load %arg3[%get3A_13, %get3A_14] : memref<1x128xf32, #tpu.memory_space<vmem>>, vector<1x128xf32>
    %add3A_16 = vector.broadcast %get3A_15 : vector<1x128xf32> to vector<5000x128xf32>
    %add3A_17 = arith.addf %dot_general3A_12, %add3A_16 : vector<5000x128xf32>
    %max3A = arith.constant 0.000000e+00 : f32
    %max3A_18 = vector.broadcast %max3A : f32 to vector<5000x128xf32>
    %max3A_19 = arith.maximumf %add3A_17, %max3A_18 : vector<5000x128xf32>
    %get3A_20 = arith.constant 0 : index
    %get3A_21 = arith.constant 0 : index
    %get3A_22 = vector.load %arg4[%get3A_20, %get3A_21] : memref<128x128xf32, #tpu.memory_space<vmem>>, vector<128x128xf32>
    %dot_general3A_23 = arith.constant dense<0.000000e+00> : vector<5000x128xf32>
    %dot_general3A_24 = tpu.matmul %max3A_19, %get3A_22, %dot_general3A_23 {dimension_numbers = #tpu.dot_dimension_numbers<[1], [0], [0], [1], [0, 0, 1, 1], [], []>, transpose_lhs_hint = false} : vector<5000x128xf32>, vector<128x128xf32>, vector<5000x128xf32> -> vector<5000x128xf32>
    %get3A_25 = arith.constant 0 : index
    %get3A_26 = arith.constant 0 : index
    %get3A_27 = vector.load %arg5[%get3A_25, %get3A_26] : memref<1x128xf32, #tpu.memory_space<vmem>>, vector<1x128xf32>
    %add3A_28 = vector.broadcast %get3A_27 : vector<1x128xf32> to vector<5000x128xf32>
    %add3A_29 = arith.addf %dot_general3A_24, %add3A_28 : vector<5000x128xf32>
    %swap3A = arith.constant 0 : index
    %swap3A_30 = arith.constant 0 : index
    %swap3A_31 = vector.load %arg6[%swap3A, %swap3A_30] : memref<5000x128xf32, #tpu.memory_space<vmem>>, vector<5000x128xf32>
    tpu.vector_store %arg6[%swap3A, %swap3A_30], %add3A_29 {strides = array<i32>} : memref<5000x128xf32, #tpu.memory_space<vmem>>, vector<5000x128xf32>,
    return
  }
  func.func @transform_0(%arg0: i32) -> (i32, i32, i32) {
    %c0_i32 = arith.constant 0 : i32
    %c0_i32_0 = arith.constant 0 : i32
    %c0_i32_1 = arith.constant 0 : i32
    return %c0_i32, %arg0, %c0_i32_0 : i32, i32, i32
  }
  func.func @transform_1(%arg0: i32) -> (i32, i32) {
    %c0_i32 = arith.constant 0 : i32
    %c0_i32_0 = arith.constant 0 : i32
    %c0_i32_1 = arith.constant 0 : i32
    return %c0_i32, %c0_i32_0 : i32, i32
  }
  func.func @transform_2(%arg0: i32) -> (i32, i32) {
    %c0_i32 = arith.constant 0 : i32
    %c0_i32_0 = arith.constant 0 : i32
    %c0_i32_1 = arith.constant 0 : i32
    return %c0_i32, %c0_i32_0 : i32, i32
  }
  func.func @transform_3(%arg0: i32) -> (i32, i32) {
    %c0_i32 = arith.constant 0 : i32
    %c0_i32_0 = arith.constant 0 : i32
    %c0_i32_1 = arith.constant 0 : i32
    return %c0_i32, %c0_i32_0 : i32, i32
  }
  func.func @transform_4(%arg0: i32) -> (i32, i32) {
    %c0_i32 = arith.constant 0 : i32
    %c0_i32_0 = arith.constant 0 : i32
    %c0_i32_1 = arith.constant 0 : i32
    return %c0_i32, %c0_i32_0 : i32, i32
  }
  func.func @transform_5(%arg0: i32) -> (i32, i32) {
    %c0_i32 = arith.constant 0 : i32
    %c0_i32_0 = arith.constant 0 : i32
    return %arg0, %c0_i32 : i32, i32
  }
}

</mosaic_0001>

<sc_bundles>
// kernel: kernel.6.cloned.1.call-start
scs
__scs_entry_jumppad:
0x0: {  	(pc) =	sbr.rel $0x88, $3  }
0x1: {  	(tag) =	ssettag $0x0;
	lr =	simm.s32 $0x1  }
0x2: {  	[smem:$0x3F97] =	sst lr;
	_ =	strace $0xD0000000  }
0x3: {  	_ = 	snop  }
0x4: {  	_ = 	snop  }
0x5: {  	_ = 	snop  }
0x6: {  	_ = 	snop  }
0x7: {  	_ = 	snop  }
__scs_overlays_trampoline_lowered:
0x8: {  	[smem:$0x3FA6] =	sst s0  }
0x9: {  	[smem:$0x3FA7] =	sst s1  }
0xa: {  	[smem:$0x3FA8] =	sst s2  }
0xb: {  	[smem:$0x3FA9] =	sst s3  }
0xc: {  	[smem:$0x3FAA] =	sst s4  }
0xd: {  	[smem:$0x3FAB] =	sst s5  }
0xe: {  	[smem:$0x3FAC] =	sst s6  }
0xf: {  	[smem:$0x3FAD] =	sst s7  }
0x10: {  	[smem:$0x3FAE] =	sst s8  }
0x11: {  	[smem:$0x3FAF] =	sst s9;
	s0 =	simm.s32 @!p0 $0x0  }
0x12: {  	s1 =	sld [smem:$0x3F95];
	s0 =	simm.s32 @p0 $0x1  }
0x13: {  	[smem:$0x3FB0] =	sst s0;
	s0 =	simm.s32 @!p1 $0x0  }
0x14: {  	s2 =	sld [smem:$0x3F94];
	s0 =	simm.s32 @p1 $0x1  }
0x15: {  	[smem:$0x3FB1] =	sst s0;
	s0 =	simm.s32 @!p2 $0x0  }
0x16: {  	s3 =	sld [smem:$0x3FDB];
	s0 =	simm.s32 @p2 $0x1  }
0x17: {  	s4 =	simm.s32 $0x1BF5;
	[smem:$0x3FB3] =	sst s0  }
0x18: {  	s0 =	sld [smem:$0x3F96];
	_ =	swait.ge [sflag:s4], $0x0  }
0x19: {  	s7 =	sld [smem:$0x3F97]  }
0x1a: {  	s8 =	sadd.s32 $0xFFFFE003, lr  }
0x1b: {  	s9 =	sadd.s32 $0xFFFFFEF7, lr;
	s5 =	simm.s32 $0xFFFFFFFF;
	p2 =	slt.u32 s8, $0xFFFFF086  }
0x1c: {  	p1 =	slt.u32 s9, $0xF7A;
	s5 =	simm.s32 @!p2 $0x0  }
0x1d: {  	s5 =	simm.s32 @p1 $0x1;
	p0 =	seq.s32 s7, s2  }
0x1e: {  	s7 =	smul.u32 @!p0 $0xF7A, s2;
	p2 =	seq.s32 @!p0 s5, $0x0  }
0x1f: {  	s9 =	smul.u32 $0xF7A, s1;
	s8 =	simm.s32 @!p0 $0x1BF5;
	p2 =	por !p2, p0  }
0x20: {  	[sflag:s8] =	ssyncset.s32 @!p0 $0xFFFFF086;
	s6 =	sadd.s32 @!p0 s3, s7;
	s7 =	simm.s32 @!p0 $0x108  }
0x21: {  	s3 =	sadd.s32 s3, s9;
	s6 =	sadd.s32 @!p0 $0x88, s6;
	s7 =	simm.s32 @p2 $0x1082  }
0x22: {  	[simem:s7], [sflag:s8] =	dma.local @!p0 [hbm:s6], $0xF7A  }
0x23: {  	s9 =	sor.u32 $0xD0000000, s2;
	s6 =	simm.s32 $0x108;
	_ =	swait.ge @!p0 [sflag:s8], $0x0  }
0x24: {  	s3 =	sadd.s32 $0x88, s3;
	s6 =	simm.s32 @!p1 $0x1082;
	[sflag:s4] =	ssyncset.s32 $0xFFFFF086  }
0x25: {  	[simem:s6], [sflag:s4] =	dma.local [hbm:s3], $0xF7A  }
0x26: {  	[smem:$0x3F97] =	sst s1;
	(tag) =	ssettag s2;
	_ =	strace s9  }
0x27: {  	s1 =	sld [smem:$0x3FA7]  }
0x28: {  	s2 =	sld [smem:$0x3FA8]  }
0x29: {  	s4 =	sld [smem:$0x3FAA]  }
0x2a: {  	p0 =	seq.s32 s5, $0x0;
	s5 =	sld [smem:$0x3FAB]  }
0x2b: {  	s6 =	sld [smem:$0x3FAC]  }
0x2c: {  	s7 =	sld [smem:$0x3FAD]  }
0x2d: {  	s3 =	simm.s32 $0x108;
	s8 =	sld [smem:$0x3FAE]  }
0x2e: {  	s3 =	simm.s32 @!p0 $0x1082;
	s9 =	sld [smem:$0x3FAF]  }
0x2f: {  	lr =	sadd.s32 s0, s3;
	s0 =	sld [smem:$0x3FA6]  }
0x30: {  	s3 =	sld [smem:$0x3FA9]  }
0x31: {  	[smem:$0x3FB2] =	sst s10  }
0x32: {  	s10 =	sld [smem:$0x3FB0];
	_ =	sdelay $0x3  }
0x33: {  	p0 =	seq.s32 s10, $0x1;
	s10 =	sld [smem:$0x3FB2];
	_ =	sdelay $0x3  }
0x34: {  	[smem:$0x3FB2] =	sst s10  }
0x35: {  	s10 =	sld [smem:$0x3FB1];
	_ =	sdelay $0x3  }
0x36: {  	p1 =	seq.s32 s10, $0x1;
	s10 =	sld [smem:$0x3FB2];
	_ =	sdelay $0x3  }
0x37: {  	[smem:$0x3FB2] =	sst s10  }
0x38: {  	s10 =	sld [smem:$0x3FB3]  }
0x39: {  	_ = 	snop;
	(pc) =	sbr.ind lr, $3  }
0x3a: {  	_ = 	snop  }
0x3b: {  	_ = 	snop  }
0x3c: {  	p2 =	seq.s32 s10, $0x1;
	s10 =	sld [smem:$0x3FB2]  }
0x3d: {  	_ =	shalt  }
0x3e: {  	_ =	shalt  }
0x3f: {  	_ =	shalt  }
0x40: {  	_ =	shalt  }
0x41: {  	_ =	shalt  }
0x42: {  	_ =	shalt  }
0x43: {  	_ =	shalt  }
0x44: {  	_ =	shalt  }
0x45: {  	_ =	shalt  }
0x46: {  	_ =	shalt  }
0x47: {  	_ =	shalt  }
0x48: {  	_ =	shalt  }
0x49: {  	_ =	shalt  }
0x4a: {  	_ =	shalt  }
0x4b: {  	_ =	shalt  }
0x4c: {  	_ =	shalt  }
0x4d: {  	_ =	shalt  }
0x4e: {  	_ =	shalt  }
0x4f: {  	_ =	shalt  }
0x50: {  	_ =	shalt  }
0x51: {  	_ =	shalt  }
0x52: {  	_ =	shalt  }
0x53: {  	_ =	shalt  }
0x54: {  	_ =	shalt  }
0x55: {  	_ =	shalt  }
0x56: {  	_ =	shalt  }
0x57: {  	_ =	shalt  }
0x58: {  	_ =	shalt  }
0x59: {  	_ =	shalt  }
0x5a: {  	_ =	shalt  }
0x5b: {  	_ =	shalt  }
0x5c: {  	_ =	shalt  }
0x5d: {  	_ =	shalt  }
0x5e: {  	_ =	shalt  }
0x5f: {  	_ =	shalt  }
0x60: {  	_ =	shalt  }
0x61: {  	_ =	shalt  }
0x62: {  	_ =	shalt  }
0x63: {  	_ =	shalt  }
0x64: {  	_ =	shalt  }
0x65: {  	_ =	shalt  }
0x66: {  	_ =	shalt  }
0x67: {  	_ =	shalt  }
0x68: {  	_ =	shalt  }
0x69: {  	_ =	shalt  }
0x6a: {  	_ =	shalt  }
0x6b: {  	_ =	shalt  }
0x6c: {  	_ =	shalt  }
0x6d: {  	_ =	shalt  }
0x6e: {  	_ =	shalt  }
0x6f: {  	_ =	shalt  }
0x70: {  	_ =	shalt  }
0x71: {  	_ =	shalt  }
0x72: {  	_ =	shalt  }
0x73: {  	_ =	shalt  }
0x74: {  	_ =	shalt  }
0x75: {  	_ =	shalt  }
0x76: {  	_ =	shalt  }
0x77: {  	_ =	shalt  }
0x78: {  	_ =	shalt  }
0x79: {  	_ =	shalt  }
0x7a: {  	_ =	shalt  }
0x7b: {  	_ =	shalt  }
0x7c: {  	_ =	shalt  }
0x7d: {  	_ =	shalt  }
0x7e: {  	_ =	shalt  }
0x7f: {  	_ =	shalt  }
0x80: {  	_ =	shalt  }
0x81: {  	_ =	shalt  }
0x82: {  	_ =	shalt  }
0x83: {  	_ =	shalt  }
0x84: {  	_ =	shalt  }
0x85: {  	_ =	shalt  }
0x86: {  	_ =	shalt  }
0x87: {  	_ =	shalt  }
.Lfunc_end0:
.L_simem_size_0:
called_computation_lowered:
.L_overlay_start_0:
0x88: {  	s2 =	sld [smem:$0x3FD9]  }
0x89: {  	s3 =	sld [smem:$0x3FFE];
	_ =	sdelay $0x1  }
0x8a: {  	s1 =	srdreg.scid  }
0x8b: {  	s0 =	sand.u32 $0x1, s1  }
0x8c: {  	s17 =	sshll.u32 s0, $0xA;
	s2 =	sadd.s32 s3, s2  }
0x8d: {  	s2 =	sadd.s32 s2, s17  }
0x8e: {  	[smem:$0x3FBE] =	sst s2  }
0x8f: {  	_ = 	snop  }
0x90: {  	s2 =	sld [smem:$0x3FC9]  }
0x91: {  	s18 =	sld [smem:$0x3FC8];
	(tm) =	ssettm $0x1  }
0x92: {  	s4 =	sld [smem:$0x3FFB];
	_ =	sdelay $0x3  }
0x93: {  	_ =	strace s4  }
0x94: {  	s4 =	sld [smem:$0x3FFC];
	_ =	sdelay $0x3  }
0x95: {  	_ =	strace s4  }
0x96: {  	s4 =	sld [smem:$0x3FFD];
	_ =	sdelay $0x3  }
0x97: {  	_ =	strace s4  }
0x98: {  	_ =	strace $0x8FFFFFFF  }
0x99: {  	s19 =	sld [smem:$0x3FDB];
	_ =	sdelay $0x1  }
0x9a: {  	s5 =	simm.s32 $_scs_section_size  }
0x9b: {  	s6 =	simm.s32 $_size__tile_overlayer_lowered;
	s7 =	simm.s32 $_tile_overlayer_lowered  }
0x9c: {  	s22 =	simm.s32 $0x1BFF;
	s21 =	sshll.u32 s7, $0x1;
	s4 =	sadd.s32 s5, s19  }
0x9d: {  	s8 =	simm.s32 $0x0;
	s20 =	sshll.u32 s6, $0x1;
	s6 =	sadd.s32 s21, s4  }
0x9e: {  	[timem:s8], [sflag:s22] =	dma.local [hbm:s6], s20  }
0x9f: {  	_ =	swait.ge [sflag:s22], s20  }
0xa0: {  	s5 =	ssub.s32 $0x0, s20;
	[sflag:s22] =	ssyncset.done $0x0  }
0xa1: {  	[sflag:s22] =	ssyncadd.s32 s5;
	_ =	sdelay $0x1  }
0xa2: {  	s23 =	simm.s32 $0x1B8B  }
0xa3: {  	_ =	swait.ge [sflag:s23], $0x1  }
0xa4: {  	[sflag:s23] =	ssyncset.done $0x0  }
0xa5: {  	s25 =	simm.s32 $0x1B8E;
	s24 =	sld [smem:$0x3FFE];
	[sflag:s23] =	ssyncadd.s32 $0xFFFFFFFF  }
0xa6: {  	s26 =	simm.s32 $execute0_lowered;
	[smem:$0x3FD2] =	sst s25  }
0xa7: {  	s6 =	sshll.u32 s26, $0x1;
	_ =	strace $0x80000046;
	[dreg:$0x1] =	wrdreg $0xFFFFFFFF  }
0xa8: {  	s28 =	simm.s32 $_size_execute0_lowered;
	s4 =	sadd.s32 s4, s6;
	[dreg:$0x0] =	wrdreg $0x0  }
0xa9: {  	s6 =	sshll.u32 s28, $0x1;
	[dreg:$0x2] =	wrdreg s4  }
0xaa: {  	[dreg:$0x3] =	wrdreg s6  }
0xab: {  	[dreg:$0x4] =	wrdreg $0xC0  }
0xac: {  	_ =	task [dreg:s8], $0x5FFFF  }
0xad: {  	[dreg:$0x1] =	wrdreg $0xFFFFFFFF  }
0xae: {  	[dreg:$0x0] =	wrdreg $0x60  }
0xaf: {  	[dreg:$0x2] =	wrdreg s2  }
0xb0: {  	[dreg:$0x3] =	wrdreg s18  }
0xb1: {  	[dreg:$0x4] =	wrdreg s24  }
0xb2: {  	[dreg:$0x5] =	wrdreg $0xC5000  }
0xb3: {  	[dreg:$0x6] =	wrdreg $0x9  }
0xb4: {  	_ =	task.clear_ibuf [dreg:s8], $0x7FFFF;
	_ =	strace $0x90000046  }
0xb5: {  	s29 =	simm.s32 $0x9;
	_ =	strace $0x80000048  }
0xb6: {  	_ =	swait.ge [sflag:s29], $0x1  }
0xb7: {  	[sflag:s29] =	ssyncadd.s32 $0xFFFFFFFF  }
0xb8: {  	_ =	strace $0x90000048  }
0xb9: {  	_ =	sfence  }
0xba: {  	s30 =	sld [smem:$0x0];
	_ =	sdelay $0x2  }
0xbb: {  	s31 =	sshll.u32 s1, $0xD;
	s1 =	sshrl.u32 s1, $0x2  }
0xbc: {  	s3 =	sand.u32 $0x4000, s31;
	s1 =	sadd.s32 s1, s30  }
0xbd: {  	s0 =	sor.u32 s3, s0;
	s1 =	sshll.u32 s1, $0x11  }
0xbe: {  	s0 =	sor.u32 s1, s0  }
0xbf: {  	s0 =	sadd.s32 $0x8F2B, s0  }
0xc0: {  	[sflag:s0] =	ssyncadd.remote.s32 $0x1  }
0xc1: {  	_ =	sfence.sel $0xFFFF  }
0xc2: {  	[dreg:$0x0] =	wrdreg $0xFFFFFFFF;
	(pc) =	sbr.abs _section_cstart, $3  }
0xc3: {  	[dreg:$0x1] =	wrdreg $0xFFFFFFFF  }
0xc4: {  	_ =	task.clear_ibuf [dreg:s8], $0x2FFFF;
	_ =	strace $0x9FFFFFFF  }
0xc5: {  	(tm) =	ssettm $0x7FFFFFFF  }
tec
execute0_lowered:
.L_overlay_start_1:
0x0: {  	(tag) =	ssettag $0x1  }
0x1: {  	s1 =	rddreg [dreg:$0x0]  }
0x2: {  	s2 =	rddreg [dreg:$0x1]  }
0x3: {  	s0 =	rddreg [dreg:$0x2]  }
0x4: {  	s4 =	rddreg [dreg:$0x3]  }
0x5: {  	s3 =	srdreg.scid;
	s15 =	stileid.u32;
	s5 =	simm.s32 $0x0  }
0x6: {  	s28 =	simm.s32 $0x500;
	s29 =	simm.s32 $0x4500;
	s30 =	simm.s32 $0x4  }
0x7: {  	s31 =	simm.s32 $0x1;
	s3 =	sand.u32 $0x1, s3;
	s12 =	smul.u32 $0x4E000, s15  }
0x8: {  	s6 =	sshll.u32 s15, $0x1;
	[smem:$0x7FF] =	sst s5;
	s18 =	smul.u32 $0x2700, s15  }
0x9: {  	s10 =	sadd.s32 $0x1E00, s0;
	s26 =	sadd.s32 $0x20, s2;
	s20 =	smul.u32 $0x9C, s15  }
0xa: {  	s14 =	sadd.s32 $0x138000, s4;
	s22 =	sadd.s32 $0x27000, s1;
	p1 =	sne.s32 s15, $0xF  }
0xb: {  	p2 =	sgt.u32 s15, $0x1;
	s15 =	simm.s32 $0x2;
	s7 =	smul.u32 $0x27100, s3  }
0xc: {  	s6 =	sor.u32 s3, s6;
	_ =	strace $0x80000047;
	s8 =	ssub.s32 $0x2, s3  }
0xd: {  	[dreg:$0x5] =	wrdreg s10;
	p0 =	seq.s32 s3, $0x1;
	s3 =	smul.u32 $0x4E, s3  }
0xe: {  	[dreg:$0xd] =	wrdreg s22;
	s9 =	smul.u32 $0x9C0, s6;
	s24 =	sshrl.u32 s8, $0x1  }
0xf: {  	s11 =	smul.u32 $0x4E00, s6;
	s12 =	sshrl.u32 s12, $0x2;
	[dreg:$0x8] =	wrdreg s18  }
0x10: {  	s13 =	sshll.u32 s6, $0x5;
	s16 =	smul.u32 $0x4E, s6;
	s0 =	sadd.s32 s7, s0  }
0x11: {  	s7 =	ssub.s32 s8, s24;
	s21 =	sadd.s32 s12, s4;
	s3 =	sadd.s32 s3, s20  }
0x12: {  	s23 =	sadd.s32 s13, s2;
	s13 =	simm.s32 $0x0;
	s25 =	sadd.s32 s2, s9  }
0x13: {  	s17 =	sshrl.u32 s11, $0x3;
	s9 =	sadd.s32 s9, s26;
	[dreg:$0xb] =	wrdreg s21  }
0x14: {  	s3 =	sshll.u32 s3, $0x5;
	s6 =	sadd.s32 $0x13800, s23;
	[dreg:$0x6] =	wrdreg s25  }
0x15: {  	[dreg:$0x7] =	wrdreg s9;
	s10 =	sadd.s32 s2, s17;
	s9 =	sadd.s32 s1, s18  }
0x16: {  	[dreg:$0xe] =	wrdreg s6;
	s18 =	sadd.s32 $0x4600, s0;
	s24 =	sadd.s32 s2, s3  }
.Ltmp0:
0x17: {  	s25 =	smax.u32 s7, $0x1;
	[dreg:$0xc] =	wrdreg s9;
	(pc) =	sbr.rel .LBB2_1-.Ltmp0, $4  }
0x18: {  	s26 =	sadd.s32 s26, s3;
	s19 =	sadd.s32 $0x40, s10;
	[dreg:$0xf] =	wrdreg s25  }
0x19: {  	s10 =	sadd.s32 $0x60, s10;
	s0 =	sadd.s32 $0xC0, s24;
	[dreg:$0x9] =	wrdreg s19  }
0x1a: {  	s6 =	sadd.s32 $0x80, s26;
	s25 =	simm.s32 $0x3;
	[dreg:$0xa] =	wrdreg s10  }
0x1b: {  	s26 =	simm.s32 $0x80;
	[dreg:$0x10] =	wrdreg s0;
	s0 =	simm.s32 $0x8500  }
.LBB2_11:
0x1c: {  	_ =	swait.ge [sflag:s15], $0x4000  }
0x1d: {  	[sflag:s15] =	ssyncset.done $0x0  }
0x1e: {  	s3 =	simm.s32 @!p2 $0x0;
	s7 =	rddreg [dreg:$0xe];
	[sflag:s15] =	ssyncadd.s32 $0xFFFFC000  }
0x1f: {  	[tilespmem:s3], [sflag:$0x4] =	stream.linear.gather @!p2 [hbm4b:s7+s3], $0x100, $0x38;
	[tilespmem:$0x1FD80] =	vst v63  }
0x20: {  	s7 =	simm.s32 @!p2 $0x4  }
0x21: {  	_ =	swait.ge @!p2 [sflag:s7], $0x100  }
0x22: {  	[sflag:s7] =	ssyncset.done @!p2 $0x0  }
0x23: {  	s8 =	simm.s32 @!p2 $0x80;
	s9 =	simm.s32 @!p2 $0x500;
	[sflag:s7] =	ssyncadd.s32 @!p2 $0xFFFFFF00  }
0x24: {  	[tilespmem:s9], [sflag:$0x1] =	stream.indirect.gather @!p2 [hbm4b:s1+s8], $0x80, s3, s8, $0xb8;
	[tilespmem:$0x1FD80] =	vst v63  }
0x25: {  	s3 =	simm.s32 @!p2 $0x1  }
0x26: {  	_ =	swait.ge @!p2 [sflag:s3], $0x4000  }
0x27: {  	[sflag:s3] =	ssyncset.done @!p2 $0x0  }
0x28: {  	[sflag:s3] =	ssyncadd.s32 @!p2 $0xFFFFC000  }
0x29: {  	[spmem:s4] =	stream.indirect.scatter.add.f32 @!p2 [tilespmem:s9], [sflag:$0x4], $0x80, s8, s8, $0xb8;
	[tilespmem:$0x1FD80] =	vst v63  }
0x2a: {  	_ =	swait.ge @!p2 [sflag:s7], $0x4000  }
0x2b: {  	[sflag:s7] =	ssyncset.done @!p2 $0x0  }
0x2c: {  	[sflag:s7] =	ssyncadd.s32 @!p2 $0xFFFFC000  }
0x2d: {  	[bflag:$0x0] =	sbarrier.arrive $0xFFFF  }
0x2e: {  	s22 =	rddreg [dreg:$0x8]  }
0x2f: {  	s3 =	sadd.s32 s22, s18  }
0x30: {  	[hbm:s3], [sflag:s23] =	dma.local [spmem:s24], $0x2700  }
0x31: {  	_ =	swait.ge [sflag:s30], $0x2700  }
0x32: {  	[sflag:s30] =	ssyncset.done $0x0  }
0x33: {  	s7 =	sshrl.u32 @!p1 s14, $0x3;
	s3 =	sadd.s32 @!p1 $0x27000, s18;
	[sflag:s30] =	ssyncadd.s32 $0xFFFFD900  }
0x34: {  	[hbm:s3], [sflag:s23] =	dma.local @!p1 [spmem:s7], $0x100  }
0x35: {  	s3 =	simm.s32 @!p1 $0x4  }
0x36: {  	_ =	swait.ge @!p1 [sflag:s3], $0x100  }
0x37: {  	s13 =	sadd.s32 $0x1, s13;
	s24 =	rddreg [dreg:$0xf]  }
0x38: {  	p3 =	sne.s32 s13, s24  }
.Ltmp1:
0x39: {  	_ = 	snop;
	(pc) =	sbr.rel @!p3 .LBB2_12-.Ltmp1, $3  }
0x3a: {  	_ =	sdelay $0x1  }
0x3b: {  	[sflag:s3] =	ssyncset.done @!p1 $0x0  }
0x3c: {  	[sflag:s3] =	ssyncadd.s32 @!p1 $0xFFFFFF00  }
.LBB2_1:
0x3d: {  	s3 =	rddreg [dreg:$0x6]  }
0x3e: {  	[tilespmem:s5], [sflag:$0x3] =	stream.linear.gather [hbm4b:s3+s5], $0x100, $0x38;
	[tilespmem:$0x1FD80] =	vst v63  }
0x3f: {  	s19 =	rddreg [dreg:$0x7];
	s7 =	simm.s32 $0x100  }
0x40: {  	[tilespmem:s7], [sflag:$0x3] =	stream.linear.gather [hbm4b:s19+s5], $0x100, $0x38;
	[tilespmem:$0x1FD80] =	vst v63  }
0x41: {  	s20 =	rddreg [dreg:$0x9];
	s8 =	simm.s32 $0x200  }
0x42: {  	[tilespmem:s8], [sflag:$0x3] =	stream.linear.gather [hbm4b:s20+s5], $0x100, $0x38;
	[tilespmem:$0x1FD80] =	vst v63  }
0x43: {  	s21 =	rddreg [dreg:$0xa];
	s22 =	simm.s32 $0x300  }
0x44: {  	[tilespmem:s22], [sflag:$0x3] =	stream.linear.gather [hbm4b:s21+s5], $0x100, $0x38;
	[tilespmem:$0x1FD80] =	vst v63  }
0x45: {  	_ =	swait.ge [sflag:s25], $0x100  }
0x46: {  	[sflag:s25] =	ssyncset.done $0x0  }
0x47: {  	[sflag:s25] =	ssyncadd.s32 $0xFFFFFF00  }
0x48: {  	_ =	swait.ge [sflag:s25], $0x100  }
.Ltmp2:
0x49: {  	s23 =	stileid.u32;
	[sflag:s25] =	ssyncset.done $0x0;
	(pc) =	sbr.rel @!p0 .LBB2_2-.Ltmp2, $4  }
0x4a: {  	s3 =	sshll.u32 s23, $0x6;
	s24 =	rddreg [dreg:$0xb];
	[sflag:s25] =	ssyncadd.s32 $0xFFFFFF00  }
0x4b: {  	[tilespmem:s28], [sflag:$0x1] =	stream.indirect.gather [hbm4b:s1+s26], $0x80, s5, s26, $0xb8;
	[tilespmem:$0x1FD80] =	vst v63  }
0x4c: {  	s23 =	sor.u32 $0x1C04, s3;
	s24 =	sshrl.u32 s24, $0x3  }
0x4d: {  	[tilespmem:s29], [sflag:$0x1] =	stream.indirect.gather [hbm4b:s1+s26], $0x80, s7, s26, $0xb8;
	[tilespmem:$0x1FD80] =	vst v63  }
.Ltmp3:
0x4e: {  	s3 =	rddreg [dreg:$0x5];
	(pc) =	sbr.rel @p1 .LBB2_7-.Ltmp3, $4  }
0x4f: {  	[spmem:s24], [sflag:s23] =	dma.local [hbm:s3], $0x2700  }
0x50: {  	_ =	swait.ge [sflag:s30], $0x2700  }
0x51: {  	[sflag:s30] =	ssyncset.done $0x0  }
0x52: {  	[sflag:s30] =	ssyncadd.s32 $0xFFFFD900  }
.Ltmp4:
0x53: {  	(pc) =	sbr.rel .LBB2_6-.Ltmp4, $3  }
0x54: {  	_ =	sdelay $0x1  }
0x55: {  	s3 =	sshrl.u32 s14, $0x3;
	s7 =	rddreg [dreg:$0x5]  }
0x56: {  	[spmem:s3], [sflag:s23] =	dma.local [hbm:s7], $0x100  }
.LBB2_2:
.Ltmp5:
0x57: {  	s3 =	rddreg [dreg:$0xc];
	(pc) =	sbr.rel @p1 .LBB2_7-.Ltmp5, $4  }
0x58: {  	[spmem:s24], [sflag:s23] =	dma.local [hbm:s3], $0x2700  }
0x59: {  	_ =	swait.ge [sflag:s30], $0x2700  }
0x5a: {  	[sflag:s30] =	ssyncset.done $0x0  }
0x5b: {  	[sflag:s30] =	ssyncadd.s32 $0xFFFFD900  }
0x5c: {  	s3 =	sshrl.u32 s14, $0x3;
	s7 =	rddreg [dreg:$0xd]  }
0x5d: {  	[spmem:s3], [sflag:s23] =	dma.local [hbm:s7], $0x100  }
.LBB2_6:
0x5e: {  	_ =	swait.ge [sflag:s30], $0x100  }
0x5f: {  	[sflag:s30] =	ssyncset.done $0x0  }
0x60: {  	[sflag:s30] =	ssyncadd.s32 $0xFFFFFF00  }
.LBB2_7:
.Ltmp6:
0x61: {  	(pc) =	sbr.rel .LBB2_8-.Ltmp6, $3  }
0x62: {  	_ =	sdelay $0x1  }
0x63: {  	[bflag:$0x0] =	sbarrier.arrive $0xFFFF;
	s3 =	simm.s32 $0x0  }
0x64: {  	s21 =	smov.u32 s6;
	s8 =	simm.s32 $0x0;
	s20 =	rddreg [dreg:$0x10]  }
.LBB2_10:
0x65: {  	s11 =	sadd.s32 $0x2, s3  }
0x66: {  	s12 =	sand.u32 $0xFF, s11  }
0x67: {  	s9 =	sadd.s32 $0x1, s3;
	s12 =	smul.u32 $0xCD, s12  }
0x68: {  	s17 =	sand.u32 $0xFF, s9  }
0x69: {  	s17 =	smul.u32 $0xCD, s17;
	s12 =	sshrl.u32 s12, $0xA  }
0x6a: {  	s12 =	smul.u32 $0x5, s12  }
0x6b: {  	s19 =	sshrl.u32 s17, $0xA  }
0x6c: {  	_ =	swait.ge [sflag:s25], $0x100;
	s11 =	ssub.s32 s11, s12;
	s12 =	smul.u32 $0x5, s19  }
0x6d: {  	[sflag:s25] =	ssyncset.done $0x0;
	s11 =	sand.u32 $0xFF, s11  }
0x6e: {  	[sflag:s25] =	ssyncadd.s32 $0xFFFFFF00;
	s11 =	sshll.u32 s11, $0x8;
	s9 =	ssub.s32 s9, s12  }
0x6f: {  	[tilespmem:s0], [sflag:$0x1] =	stream.indirect.gather [hbm4b:s1+s26], $0x80, s11, s26, $0xb8;
	[tilespmem:$0x1FD80] =	vst v63  }
0x70: {  	s9 =	sand.u32 $0xFF, s9;
	_ =	swait.ge [sflag:s31], $0x4000  }
0x71: {  	s12 =	sadd.s32 @!p3 $0x5, s3;
	s9 =	sshll.u32 s9, $0x8;
	[sflag:s31] =	ssyncset.done $0x0  }
0x72: {  	s17 =	smul.u32 @!p3 $0xCD, s12;
	s9 =	sor.u32 $0x80, s9;
	[sflag:s31] =	ssyncadd.s32 $0xFFFFC000  }
0x73: {  	[spmem:s4] =	stream.indirect.scatter.add.f32 [tilespmem:s29], [sflag:$0x2], $0x80, s9, s26, $0xb8;
	[tilespmem:$0x1FD80] =	vst v63  }
0x74: {  	s9 =	sshrl.u32 @!p3 s17, $0xA  }
0x75: {  	s17 =	sadd.s32 @!p3 $0x3, s3;
	s9 =	sand.u32 @!p3 $0x3F, s9  }
0x76: {  	s19 =	sand.u32 @!p3 $0xFF, s17;
	s9 =	smul.u32 @!p3 $0x5, s9  }
0x77: {  	_ =	swait.ge [sflag:s15], $0x4000;
	s19 =	smul.u32 @!p3 $0xCD, s19  }
0x78: {  	[sflag:s15] =	ssyncset.done $0x0;
	s9 =	ssub.s32 @!p3 s12, s9  }
0x79: {  	[sflag:s15] =	ssyncadd.s32 $0xFFFFC000;
	s12 =	sshrl.u32 @!p3 s19, $0xA;
	s9 =	sand.u32 @!p3 $0xFF, s9  }
0x7a: {  	s19 =	simm.s32 @!p3 $0x0;
	s12 =	smul.u32 @!p3 $0x5, s12;
	s9 =	sshll.u32 @!p3 s9, $0x8  }
0x7b: {  	[tilespmem:s9], [sflag:$0x3] =	stream.linear.gather @!p3 [hbm4b:s21+s19], $0x100, $0x38;
	[tilespmem:$0x1FD80] =	vst v63  }
0x7c: {  	p4 =	sgt.u32 s8, $0x17;
	s22 =	simm.s32 @!p3 $0x500;
	s9 =	simm.s32 @!p3 $0x3  }
0x7d: {  	s12 =	ssub.s32 @!p3 s17, s12;
	s17 =	sadd.s32 @!p4 $0x6, s3;
	_ =	swait.ge @!p3 [sflag:s9], $0x100  }
0x7e: {  	s19 =	simm.s32 @!p3 $0x80;
	s12 =	sand.u32 @!p3 $0xFF, s12;
	[sflag:s9] =	ssyncset.done @!p3 $0x0  }
0x7f: {  	s7 =	smul.u32 @!p4 $0xCD, s17;
	s12 =	sshll.u32 @!p3 s12, $0x8;
	[sflag:s9] =	ssyncadd.s32 @!p3 $0xFFFFFF00  }
0x80: {  	[tilespmem:s22], [sflag:$0x1] =	stream.indirect.gather @!p3 [hbm4b:s1+s19], $0x80, s12, s19, $0xb8;
	[tilespmem:$0x1FD80] =	vst v63  }
0x81: {  	s7 =	sshrl.u32 @!p4 s7, $0xA;
	s22 =	sand.u32 $0xFF, s10;
	_ =	swait.ge [sflag:s31], $0x4000  }
0x82: {  	s7 =	sand.u32 @!p4 $0x3F, s7;
	s12 =	smul.u32 $0xCD, s22;
	[sflag:s31] =	ssyncset.done $0x0  }
0x83: {  	s11 =	sadd.s32 $0x80, s11;
	s7 =	smul.u32 @!p4 $0x5, s7;
	[sflag:s31] =	ssyncadd.s32 $0xFFFFC000  }
0x84: {  	[spmem:s4] =	stream.indirect.scatter.add.f32 [tilespmem:s0], [sflag:$0x2], $0x80, s11, s26, $0xb8;
	[tilespmem:$0x1FD80] =	vst v63  }
0x85: {  	s12 =	sshrl.u32 s12, $0xA;
	s7 =	ssub.s32 @!p4 s17, s7;
	_ =	swait.ge [sflag:s15], $0x4000  }
0x86: {  	s11 =	smul.u32 $0x5, s12;
	s7 =	sand.u32 @!p4 $0xFF, s7;
	[sflag:s15] =	ssyncset.done $0x0  }
0x87: {  	s12 =	simm.s32 @!p4 $0x0;
	s7 =	sshll.u32 @!p4 s7, $0x8;
	[sflag:s15] =	ssyncadd.s32 $0xFFFFC000  }
0x88: {  	[tilespmem:s7], [sflag:$0x3] =	stream.linear.gather @!p4 [hbm4b:s20+s12], $0x100, $0x38;
	[tilespmem:$0x1FD80] =	vst v63  }
0x89: {  	s22 =	ssub.s32 s10, s11;
	_ =	swait.ge @!p3 [sflag:s9], $0x100  }
0x8a: {  	s3 =	sadd.s32 $0x3, s3;
	s7 =	sand.u32 $0xFF, s22;
	[sflag:s9] =	ssyncset.done @!p3 $0x0  }
0x8b: {  	s7 =	sshll.u32 @!p3 s7, $0x8;
	[sflag:s9] =	ssyncadd.s32 @!p3 $0xFFFFFF00;
	s9 =	simm.s32 @!p3 $0x4500  }
0x8c: {  	[tilespmem:s9], [sflag:$0x1] =	stream.indirect.gather @!p3 [hbm4b:s1+s19], $0x80, s7, s19, $0xb8;
	[tilespmem:$0x1FD80] =	vst v63  }
0x8d: {  	p3 =	sne.s32 s3, $0x4E  }
.Ltmp7:
0x8e: {  	_ = 	snop;
	(pc) =	sbr.rel @!p3 .LBB2_11-.Ltmp7, $2  }
0x8f: {  	_ =	sdelay $0x2  }
0x90: {  	s8 =	sadd.s32 $0x1, s8;
	s21 =	sadd.s32 $0x60, s21;
	s20 =	sadd.s32 $0x60, s20  }
.LBB2_8:
0x91: {  	s10 =	smul.u32 $0xCD, s3;
	_ =	sdelay $0x1  }
0x92: {  	s10 =	sshrl.u32 s10, $0xA  }
0x93: {  	s10 =	sand.u32 $0x3F, s10  }
0x94: {  	s10 =	smul.u32 $0x5, s10;
	_ =	sdelay $0x1  }
0x95: {  	s10 =	ssub.s32 s3, s10  }
0x96: {  	_ =	swait.ge [sflag:s31], $0x4000;
	p4 =	seq.s32 s3, $0x0;
	s10 =	sand.u32 $0xFF, s10  }
0x97: {  	[sflag:s31] =	ssyncset.done $0x0;
	p3 =	seq.s32 @!p4 s3, $0x4B;
	s10 =	sshll.u32 s10, $0x8  }
0x98: {  	[sflag:s31] =	ssyncadd.s32 $0xFFFFC000;
	p5 =	por p4, !p3;
	s10 =	sor.u32 $0x80, s10  }
0x99: {  	[spmem:s4] =	stream.indirect.scatter.add.f32 [tilespmem:s28], [sflag:$0x2], $0x80, s10, s26, $0xb8;
	[tilespmem:$0x1FD80] =	vst v63  }
.Ltmp8:
0x9a: {  	_ = 	snop;
	(pc) =	sbr.rel @!p5 .LBB2_10-.Ltmp8, $4  }
0x9b: {  	s10 =	simm.s32 @!p4 $0x2  }
0x9c: {  	_ =	swait.ge @!p4 [sflag:s10], $0x4000  }
0x9d: {  	[sflag:s10] =	ssyncset.done @!p4 $0x0  }
0x9e: {  	p3 =	por @!p4 $0x1, $0x1;
	[sflag:s10] =	ssyncadd.s32 @!p4 $0xFFFFC000;
	s10 =	sadd.s32 @!p4 $0x4, s3  }
0x9f: {  	s10 =	simm.s32 @p4 $0x4  }
0xa0: {  	s11 =	sand.u32 $0xFF, s10  }
0xa1: {  	s11 =	smul.u32 $0xCD, s11;
	_ =	sdelay $0x1  }
0xa2: {  	s11 =	sshrl.u32 s11, $0xA  }
0xa3: {  	s11 =	smul.u32 $0x5, s11  }
.Ltmp9:
0xa4: {  	s12 =	sadd.s32 s16, s10;
	(pc) =	sbr.rel .LBB2_10-.Ltmp9, $4  }
0xa5: {  	s12 =	sshll.u32 s12, $0x5;
	s11 =	ssub.s32 s10, s11  }
0xa6: {  	s12 =	sand.u32 $0x1FFFFFE0, s12;
	s11 =	sand.u32 $0xFF, s11  }
0xa7: {  	p3 =	por $0x0, $0x0;
	s12 =	sadd.s32 s2, s12;
	s11 =	sshll.u32 s11, $0x8  }
0xa8: {  	[tilespmem:s11], [sflag:$0x3] =	stream.linear.gather [hbm4b:s12+s5], $0x100, $0x38;
	[tilespmem:$0x1FD80] =	vst v63  }
.LBB2_12:
0xa9: {  	_ =	sfence.sel $0x180000  }
0xaa: {  	[bflag:$0x0] =	sbarrier.arrive $0xFFFF  }
0xab: {  	_ =	strace $0x90000047  }
0xac: {  	s0 =	stileid.u32;
	[bflag:$0x2] =	sbarrier.arrive $0xFFFF  }
0xad: {  	p0 =	sne.s32 s0, $0x0;
	s0 =	rddreg [dreg:$0x4]  }
0xae: {  	s0 =	sadd.s32 @!p0 $0x100000, s0  }
0xaf: {  	[sflag:s0] =	ssyncadd.tile.s32 @!p0 $0x1;
	_ =	shalt  }
.Lfunc_end2:
_tile_overlayer_lowered:
.L_overlay_start_2:
0xb0: {  	(tag) =	ssettag $0x2  }
0xb1: {  	s0 =	rddreg [dreg:$0x0];
	s2 =	stileid.u32  }
0xb2: {  	s1 =	rddreg [dreg:$0x1];
	p0 =	sne.s32 s2, $0x0  }
0xb3: {  	s3 =	rddreg [dreg:$0x2];
	[bflag:$0x3] =	sbarrier.arrive $0xFFFF;
	s2 =	simm.s32 @!p0 $0x1C04  }
0xb4: {  	[timem:s3], [sflag:s2] =	dma.local @!p0 [hbm:s0], s1  }
0xb5: {  	s0 =	simm.s32 @!p0 $0x4  }
0xb6: {  	_ =	swait.ge @!p0 [sflag:s0], s1  }
0xb7: {  	s1 =	ssub.s32 @!p0 $0x0, s1;
	[sflag:s0] =	ssyncset.done @!p0 $0x0  }
0xb8: {  	[sflag:s0] =	ssyncadd.s32 @!p0 s1  }
0xb9: {  	[bflag:$0x3] =	sbarrier.arrive $0xFFFF  }
0xba: {  	_ =	shalt  }

// kernel: kernel.9.cloned.1.call-start
scs
__scs_entry_jumppad:
0x0: {  	(pc) =	sbr.rel $0x88, $3  }
0x1: {  	(tag) =	ssettag $0x0;
	lr =	simm.s32 $0x1  }
0x2: {  	[smem:$0x3F97] =	sst lr;
	_ =	strace $0xD0000000  }
0x3: {  	_ = 	snop  }
0x4: {  	_ = 	snop  }
0x5: {  	_ = 	snop  }
0x6: {  	_ = 	snop  }
0x7: {  	_ = 	snop  }
__scs_overlays_trampoline_lowered:
0x8: {  	[smem:$0x3FA6] =	sst s0  }
0x9: {  	[smem:$0x3FA7] =	sst s1  }
0xa: {  	[smem:$0x3FA8] =	sst s2  }
0xb: {  	[smem:$0x3FA9] =	sst s3  }
0xc: {  	[smem:$0x3FAA] =	sst s4  }
0xd: {  	[smem:$0x3FAB] =	sst s5  }
0xe: {  	[smem:$0x3FAC] =	sst s6  }
0xf: {  	[smem:$0x3FAD] =	sst s7  }
0x10: {  	[smem:$0x3FAE] =	sst s8  }
0x11: {  	[smem:$0x3FAF] =	sst s9;
	s0 =	simm.s32 @!p0 $0x0  }
0x12: {  	s1 =	sld [smem:$0x3F95];
	s0 =	simm.s32 @p0 $0x1  }
0x13: {  	[smem:$0x3FB0] =	sst s0;
	s0 =	simm.s32 @!p1 $0x0  }
0x14: {  	s2 =	sld [smem:$0x3F94];
	s0 =	simm.s32 @p1 $0x1  }
0x15: {  	[smem:$0x3FB1] =	sst s0;
	s0 =	simm.s32 @!p2 $0x0  }
0x16: {  	s3 =	sld [smem:$0x3FDB];
	s0 =	simm.s32 @p2 $0x1  }
0x17: {  	s4 =	simm.s32 $0x1BF5;
	[smem:$0x3FB3] =	sst s0  }
0x18: {  	s0 =	sld [smem:$0x3F96];
	_ =	swait.ge [sflag:s4], $0x0  }
0x19: {  	s7 =	sld [smem:$0x3F97]  }
0x1a: {  	s8 =	sadd.s32 $0xFFFFE003, lr  }
0x1b: {  	s9 =	sadd.s32 $0xFFFFFEF7, lr;
	s5 =	simm.s32 $0xFFFFFFFF;
	p2 =	slt.u32 s8, $0xFFFFF086  }
0x1c: {  	p1 =	slt.u32 s9, $0xF7A;
	s5 =	simm.s32 @!p2 $0x0  }
0x1d: {  	s5 =	simm.s32 @p1 $0x1;
	p0 =	seq.s32 s7, s2  }
0x1e: {  	s7 =	smul.u32 @!p0 $0xF7A, s2;
	p2 =	seq.s32 @!p0 s5, $0x0  }
0x1f: {  	s9 =	smul.u32 $0xF7A, s1;
	s8 =	simm.s32 @!p0 $0x1BF5;
	p2 =	por !p2, p0  }
0x20: {  	[sflag:s8] =	ssyncset.s32 @!p0 $0xFFFFF086;
	s6 =	sadd.s32 @!p0 s3, s7;
	s7 =	simm.s32 @!p0 $0x108  }
0x21: {  	s3 =	sadd.s32 s3, s9;
	s6 =	sadd.s32 @!p0 $0x88, s6;
	s7 =	simm.s32 @p2 $0x1082  }
0x22: {  	[simem:s7], [sflag:s8] =	dma.local @!p0 [hbm:s6], $0xF7A  }
0x23: {  	s9 =	sor.u32 $0xD0000000, s2;
	s6 =	simm.s32 $0x108;
	_ =	swait.ge @!p0 [sflag:s8], $0x0  }
0x24: {  	s3 =	sadd.s32 $0x88, s3;
	s6 =	simm.s32 @!p1 $0x1082;
	[sflag:s4] =	ssyncset.s32 $0xFFFFF086  }
0x25: {  	[simem:s6], [sflag:s4] =	dma.local [hbm:s3], $0xF7A  }
0x26: {  	[smem:$0x3F97] =	sst s1;
	(tag) =	ssettag s2;
	_ =	strace s9  }
0x27: {  	s1 =	sld [smem:$0x3FA7]  }
0x28: {  	s2 =	sld [smem:$0x3FA8]  }
0x29: {  	s4 =	sld [smem:$0x3FAA]  }
0x2a: {  	p0 =	seq.s32 s5, $0x0;
	s5 =	sld [smem:$0x3FAB]  }
0x2b: {  	s6 =	sld [smem:$0x3FAC]  }
0x2c: {  	s7 =	sld [smem:$0x3FAD]  }
0x2d: {  	s3 =	simm.s32 $0x108;
	s8 =	sld [smem:$0x3FAE]  }
0x2e: {  	s3 =	simm.s32 @!p0 $0x1082;
	s9 =	sld [smem:$0x3FAF]  }
0x2f: {  	lr =	sadd.s32 s0, s3;
	s0 =	sld [smem:$0x3FA6]  }
0x30: {  	s3 =	sld [smem:$0x3FA9]  }
0x31: {  	[smem:$0x3FB2] =	sst s10  }
0x32: {  	s10 =	sld [smem:$0x3FB0];
	_ =	sdelay $0x3  }
0x33: {  	p0 =	seq.s32 s10, $0x1;
	s10 =	sld [smem:$0x3FB2];
	_ =	sdelay $0x3  }
0x34: {  	[smem:$0x3FB2] =	sst s10  }
0x35: {  	s10 =	sld [smem:$0x3FB1];
	_ =	sdelay $0x3  }
0x36: {  	p1 =	seq.s32 s10, $0x1;
	s10 =	sld [smem:$0x3FB2];
	_ =	sdelay $0x3  }
0x37: {  	[smem:$0x3FB2] =	sst s10  }
0x38: {  	s10 =	sld [smem:$0x3FB3]  }
0x39: {  	_ = 	snop;
	(pc) =	sbr.ind lr, $3  }
0x3a: {  	_ = 	snop  }
0x3b: {  	_ = 	snop  }
0x3c: {  	p2 =	seq.s32 s10, $0x1;
	s10 =	sld [smem:$0x3FB2]  }
0x3d: {  	_ =	shalt  }
0x3e: {  	_ =	shalt  }
0x3f: {  	_ =	shalt  }
0x40: {  	_ =	shalt  }
0x41: {  	_ =	shalt  }
0x42: {  	_ =	shalt  }
0x43: {  	_ =	shalt  }
0x44: {  	_ =	shalt  }
0x45: {  	_ =	shalt  }
0x46: {  	_ =	shalt  }
0x47: {  	_ =	shalt  }
0x48: {  	_ =	shalt  }
0x49: {  	_ =	shalt  }
0x4a: {  	_ =	shalt  }
0x4b: {  	_ =	shalt  }
0x4c: {  	_ =	shalt  }
0x4d: {  	_ =	shalt  }
0x4e: {  	_ =	shalt  }
0x4f: {  	_ =	shalt  }
0x50: {  	_ =	shalt  }
0x51: {  	_ =	shalt  }
0x52: {  	_ =	shalt  }
0x53: {  	_ =	shalt  }
0x54: {  	_ =	shalt  }
0x55: {  	_ =	shalt  }
0x56: {  	_ =	shalt  }
0x57: {  	_ =	shalt  }
0x58: {  	_ =	shalt  }
0x59: {  	_ =	shalt  }
0x5a: {  	_ =	shalt  }
0x5b: {  	_ =	shalt  }
0x5c: {  	_ =	shalt  }
0x5d: {  	_ =	shalt  }
0x5e: {  	_ =	shalt  }
0x5f: {  	_ =	shalt  }
0x60: {  	_ =	shalt  }
0x61: {  	_ =	shalt  }
0x62: {  	_ =	shalt  }
0x63: {  	_ =	shalt  }
0x64: {  	_ =	shalt  }
0x65: {  	_ =	shalt  }
0x66: {  	_ =	shalt  }
0x67: {  	_ =	shalt  }
0x68: {  	_ =	shalt  }
0x69: {  	_ =	shalt  }
0x6a: {  	_ =	shalt  }
0x6b: {  	_ =	shalt  }
0x6c: {  	_ =	shalt  }
0x6d: {  	_ =	shalt  }
0x6e: {  	_ =	shalt  }
0x6f: {  	_ =	shalt  }
0x70: {  	_ =	shalt  }
0x71: {  	_ =	shalt  }
0x72: {  	_ =	shalt  }
0x73: {  	_ =	shalt  }
0x74: {  	_ =	shalt  }
0x75: {  	_ =	shalt  }
0x76: {  	_ =	shalt  }
0x77: {  	_ =	shalt  }
0x78: {  	_ =	shalt  }
0x79: {  	_ =	shalt  }
0x7a: {  	_ =	shalt  }
0x7b: {  	_ =	shalt  }
0x7c: {  	_ =	shalt  }
0x7d: {  	_ =	shalt  }
0x7e: {  	_ =	shalt  }
0x7f: {  	_ =	shalt  }
0x80: {  	_ =	shalt  }
0x81: {  	_ =	shalt  }
0x82: {  	_ =	shalt  }
0x83: {  	_ =	shalt  }
0x84: {  	_ =	shalt  }
0x85: {  	_ =	shalt  }
0x86: {  	_ =	shalt  }
0x87: {  	_ =	shalt  }
.Lfunc_end0:
.L_simem_size_0:
called_computation.1_lowered:
.L_overlay_start_0:
0x88: {  	s2 =	sld [smem:$0x3FD9]  }
0x89: {  	s3 =	sld [smem:$0x3FFE];
	_ =	sdelay $0x1  }
0x8a: {  	s1 =	srdreg.scid  }
0x8b: {  	s0 =	sand.u32 $0x1, s1  }
0x8c: {  	s17 =	sshll.u32 s0, $0xA;
	s2 =	sadd.s32 s3, s2  }
0x8d: {  	s2 =	sadd.s32 s2, s17  }
0x8e: {  	[smem:$0x3FBE] =	sst s2  }
0x8f: {  	_ = 	snop  }
0x90: {  	s2 =	sld [smem:$0x3FC8]  }
0x91: {  	s18 =	sld [smem:$0x3FD0];
	(tm) =	ssettm $0x1  }
0x92: {  	s4 =	sld [smem:$0x3FFB];
	_ =	sdelay $0x3  }
0x93: {  	_ =	strace s4  }
0x94: {  	s4 =	sld [smem:$0x3FFC];
	_ =	sdelay $0x3  }
0x95: {  	_ =	strace s4  }
0x96: {  	s4 =	sld [smem:$0x3FFD];
	_ =	sdelay $0x3  }
0x97: {  	_ =	strace s4  }
0x98: {  	_ =	strace $0x8FFFFFFF  }
0x99: {  	s19 =	sld [smem:$0x3FDB];
	_ =	sdelay $0x1  }
0x9a: {  	s5 =	simm.s32 $_scs_section_size  }
0x9b: {  	s6 =	simm.s32 $_size__tile_overlayer_lowered;
	s7 =	simm.s32 $_tile_overlayer_lowered  }
0x9c: {  	s22 =	simm.s32 $0x1BFF;
	s21 =	sshll.u32 s7, $0x1;
	s4 =	sadd.s32 s5, s19  }
0x9d: {  	s8 =	simm.s32 $0x0;
	s20 =	sshll.u32 s6, $0x1;
	s6 =	sadd.s32 s21, s4  }
0x9e: {  	[timem:s8], [sflag:s22] =	dma.local [hbm:s6], s20  }
0x9f: {  	_ =	swait.ge [sflag:s22], s20  }
0xa0: {  	s5 =	ssub.s32 $0x0, s20;
	[sflag:s22] =	ssyncset.done $0x0  }
0xa1: {  	[sflag:s22] =	ssyncadd.s32 s5;
	_ =	sdelay $0x1  }
0xa2: {  	s23 =	simm.s32 $0x1B8B  }
0xa3: {  	_ =	swait.ge [sflag:s23], $0x1  }
0xa4: {  	[sflag:s23] =	ssyncset.done $0x0  }
0xa5: {  	s25 =	simm.s32 $0x1B8E;
	s24 =	sld [smem:$0x3FFE];
	[sflag:s23] =	ssyncadd.s32 $0xFFFFFFFF  }
0xa6: {  	s26 =	simm.s32 $execute0_lowered;
	[smem:$0x3FD2] =	sst s25  }
0xa7: {  	s6 =	sshll.u32 s26, $0x1;
	_ =	strace $0x80000049;
	[dreg:$0x1] =	wrdreg $0xFFFFFFFF  }
0xa8: {  	s28 =	simm.s32 $_size_execute0_lowered;
	s4 =	sadd.s32 s4, s6;
	[dreg:$0x0] =	wrdreg $0x0  }
0xa9: {  	s6 =	sshll.u32 s28, $0x1;
	[dreg:$0x2] =	wrdreg s4  }
0xaa: {  	[dreg:$0x3] =	wrdreg s6  }
0xab: {  	[dreg:$0x4] =	wrdreg $0xC0  }
0xac: {  	_ =	task [dreg:s8], $0x5FFFF  }
0xad: {  	[dreg:$0x1] =	wrdreg $0xFFFFFFFF  }
0xae: {  	[dreg:$0x0] =	wrdreg $0x60  }
0xaf: {  	[dreg:$0x2] =	wrdreg s18  }
0xb0: {  	[dreg:$0x3] =	wrdreg s2  }
0xb1: {  	[dreg:$0x4] =	wrdreg s24  }
0xb2: {  	[dreg:$0x5] =	wrdreg $0xC5000  }
0xb3: {  	[dreg:$0x6] =	wrdreg $0x9  }
0xb4: {  	_ =	task.clear_ibuf [dreg:s8], $0x7FFFF;
	_ =	strace $0x90000049  }
0xb5: {  	s29 =	simm.s32 $0x9;
	_ =	strace $0x8000004B  }
0xb6: {  	_ =	swait.ge [sflag:s29], $0x1  }
0xb7: {  	[sflag:s29] =	ssyncadd.s32 $0xFFFFFFFF  }
0xb8: {  	_ =	strace $0x9000004B  }
0xb9: {  	_ =	sfence  }
0xba: {  	s30 =	sld [smem:$0x0];
	_ =	sdelay $0x2  }
0xbb: {  	s31 =	sshll.u32 s1, $0xD;
	s1 =	sshrl.u32 s1, $0x2  }
0xbc: {  	s3 =	sand.u32 $0x4000, s31;
	s1 =	sadd.s32 s1, s30  }
0xbd: {  	s0 =	sor.u32 s3, s0;
	s1 =	sshll.u32 s1, $0x11  }
0xbe: {  	s0 =	sor.u32 s1, s0  }
0xbf: {  	s0 =	sadd.s32 $0x8F2B, s0  }
0xc0: {  	[sflag:s0] =	ssyncadd.remote.s32 $0x1  }
0xc1: {  	_ =	sfence.sel $0xFFFF  }
0xc2: {  	[dreg:$0x0] =	wrdreg $0xFFFFFFFF;
	(pc) =	sbr.abs _section_cstart, $3  }
0xc3: {  	[dreg:$0x1] =	wrdreg $0xFFFFFFFF  }
0xc4: {  	_ =	task.clear_ibuf [dreg:s8], $0x2FFFF;
	_ =	strace $0x9FFFFFFF  }
0xc5: {  	(tm) =	ssettm $0x7FFFFFFF  }
tec
execute0_lowered:
.L_overlay_start_1:
0x0: {  	(tag) =	ssettag $0x1  }
0x1: {  	s1 =	rddreg [dreg:$0x0]  }
0x2: {  	s2 =	rddreg [dreg:$0x1]  }
0x3: {  	s0 =	rddreg [dreg:$0x2]  }
0x4: {  	s4 =	rddreg [dreg:$0x3]  }
0x5: {  	s3 =	srdreg.scid;
	s15 =	stileid.u32;
	s5 =	simm.s32 $0x0  }
0x6: {  	s28 =	simm.s32 $0x500;
	s29 =	simm.s32 $0x4500;
	s30 =	simm.s32 $0x4  }
0x7: {  	s31 =	simm.s32 $0x1;
	s3 =	sand.u32 $0x1, s3;
	s12 =	smul.u32 $0x4E000, s15  }
0x8: {  	s6 =	sshll.u32 s15, $0x1;
	[smem:$0x7FF] =	sst s5;
	s18 =	smul.u32 $0x2700, s15  }
0x9: {  	s10 =	sadd.s32 $0x1E00, s0;
	s26 =	sadd.s32 $0x20, s2;
	s20 =	smul.u32 $0x9C, s15  }
0xa: {  	s14 =	sadd.s32 $0x138000, s4;
	s22 =	sadd.s32 $0x27000, s1;
	p1 =	sne.s32 s15, $0xF  }
0xb: {  	p2 =	sgt.u32 s15, $0x1;
	s15 =	simm.s32 $0x2;
	s7 =	smul.u32 $0x27100, s3  }
0xc: {  	s6 =	sor.u32 s3, s6;
	_ =	strace $0x8000004A;
	s8 =	ssub.s32 $0x2, s3  }
0xd: {  	[dreg:$0x5] =	wrdreg s10;
	p0 =	seq.s32 s3, $0x1;
	s3 =	smul.u32 $0x4E, s3  }
0xe: {  	[dreg:$0xd] =	wrdreg s22;
	s9 =	smul.u32 $0x9C0, s6;
	s24 =	sshrl.u32 s8, $0x1  }
0xf: {  	s11 =	smul.u32 $0x4E00, s6;
	s12 =	sshrl.u32 s12, $0x2;
	[dreg:$0x8] =	wrdreg s18  }
0x10: {  	s13 =	sshll.u32 s6, $0x5;
	s16 =	smul.u32 $0x4E, s6;
	s0 =	sadd.s32 s7, s0  }
0x11: {  	s7 =	ssub.s32 s8, s24;
	s21 =	sadd.s32 s12, s4;
	s3 =	sadd.s32 s3, s20  }
0x12: {  	s23 =	sadd.s32 s13, s2;
	s13 =	simm.s32 $0x0;
	s25 =	sadd.s32 s2, s9  }
0x13: {  	s17 =	sshrl.u32 s11, $0x3;
	s9 =	sadd.s32 s9, s26;
	[dreg:$0xb] =	wrdreg s21  }
0x14: {  	s3 =	sshll.u32 s3, $0x5;
	s6 =	sadd.s32 $0x13800, s23;
	[dreg:$0x6] =	wrdreg s25  }
0x15: {  	[dreg:$0x7] =	wrdreg s9;
	s10 =	sadd.s32 s2, s17;
	s9 =	sadd.s32 s1, s18  }
0x16: {  	[dreg:$0xe] =	wrdreg s6;
	s18 =	sadd.s32 $0x4600, s0;
	s24 =	sadd.s32 s2, s3  }
.Ltmp0:
0x17: {  	s25 =	smax.u32 s7, $0x1;
	[dreg:$0xc] =	wrdreg s9;
	(pc) =	sbr.rel .LBB2_1-.Ltmp0, $4  }
0x18: {  	s26 =	sadd.s32 s26, s3;
	s19 =	sadd.s32 $0x40, s10;
	[dreg:$0xf] =	wrdreg s25  }
0x19: {  	s10 =	sadd.s32 $0x60, s10;
	s0 =	sadd.s32 $0xC0, s24;
	[dreg:$0x9] =	wrdreg s19  }
0x1a: {  	s6 =	sadd.s32 $0x80, s26;
	s25 =	simm.s32 $0x3;
	[dreg:$0xa] =	wrdreg s10  }
0x1b: {  	s26 =	simm.s32 $0x80;
	[dreg:$0x10] =	wrdreg s0;
	s0 =	simm.s32 $0x8500  }
.LBB2_11:
0x1c: {  	_ =	swait.ge [sflag:s15], $0x4000  }
0x1d: {  	[sflag:s15] =	ssyncset.done $0x0  }
0x1e: {  	s3 =	simm.s32 @!p2 $0x0;
	s7 =	rddreg [dreg:$0xe];
	[sflag:s15] =	ssyncadd.s32 $0xFFFFC000  }
0x1f: {  	[tilespmem:s3], [sflag:$0x4] =	stream.linear.gather @!p2 [hbm4b:s7+s3], $0x100, $0x38;
	[tilespmem:$0x1FD80] =	vst v63  }
0x20: {  	s7 =	simm.s32 @!p2 $0x4  }
0x21: {  	_ =	swait.ge @!p2 [sflag:s7], $0x100  }
0x22: {  	[sflag:s7] =	ssyncset.done @!p2 $0x0  }
0x23: {  	s8 =	simm.s32 @!p2 $0x80;
	s9 =	simm.s32 @!p2 $0x500;
	[sflag:s7] =	ssyncadd.s32 @!p2 $0xFFFFFF00  }
0x24: {  	[tilespmem:s9], [sflag:$0x1] =	stream.indirect.gather @!p2 [hbm4b:s1+s8], $0x80, s3, s8, $0xb8;
	[tilespmem:$0x1FD80] =	vst v63  }
0x25: {  	s3 =	simm.s32 @!p2 $0x1  }
0x26: {  	_ =	swait.ge @!p2 [sflag:s3], $0x4000  }
0x27: {  	[sflag:s3] =	ssyncset.done @!p2 $0x0  }
0x28: {  	[sflag:s3] =	ssyncadd.s32 @!p2 $0xFFFFC000  }
0x29: {  	[spmem:s4] =	stream.indirect.scatter.add.f32 @!p2 [tilespmem:s9], [sflag:$0x4], $0x80, s8, s8, $0xb8;
	[tilespmem:$0x1FD80] =	vst v63  }
0x2a: {  	_ =	swait.ge @!p2 [sflag:s7], $0x4000  }
0x2b: {  	[sflag:s7] =	ssyncset.done @!p2 $0x0  }
0x2c: {  	[sflag:s7] =	ssyncadd.s32 @!p2 $0xFFFFC000  }
0x2d: {  	[bflag:$0x0] =	sbarrier.arrive $0xFFFF  }
0x2e: {  	s22 =	rddreg [dreg:$0x8]  }
0x2f: {  	s3 =	sadd.s32 s22, s18  }
0x30: {  	[hbm:s3], [sflag:s23] =	dma.local [spmem:s24], $0x2700  }
0x31: {  	_ =	swait.ge [sflag:s30], $0x2700  }
0x32: {  	[sflag:s30] =	ssyncset.done $0x0  }
0x33: {  	s7 =	sshrl.u32 @!p1 s14, $0x3;
	s3 =	sadd.s32 @!p1 $0x27000, s18;
	[sflag:s30] =	ssyncadd.s32 $0xFFFFD900  }
0x34: {  	[hbm:s3], [sflag:s23] =	dma.local @!p1 [spmem:s7], $0x100  }
0x35: {  	s3 =	simm.s32 @!p1 $0x4  }
0x36: {  	_ =	swait.ge @!p1 [sflag:s3], $0x100  }
0x37: {  	s13 =	sadd.s32 $0x1, s13;
	s24 =	rddreg [dreg:$0xf]  }
0x38: {  	p3 =	sne.s32 s13, s24  }
.Ltmp1:
0x39: {  	_ = 	snop;
	(pc) =	sbr.rel @!p3 .LBB2_12-.Ltmp1, $3  }
0x3a: {  	_ =	sdelay $0x1  }
0x3b: {  	[sflag:s3] =	ssyncset.done @!p1 $0x0  }
0x3c: {  	[sflag:s3] =	ssyncadd.s32 @!p1 $0xFFFFFF00  }
.LBB2_1:
0x3d: {  	s3 =	rddreg [dreg:$0x6]  }
0x3e: {  	[tilespmem:s5], [sflag:$0x3] =	stream.linear.gather [hbm4b:s3+s5], $0x100, $0x38;
	[tilespmem:$0x1FD80] =	vst v63  }
0x3f: {  	s19 =	rddreg [dreg:$0x7];
	s7 =	simm.s32 $0x100  }
0x40: {  	[tilespmem:s7], [sflag:$0x3] =	stream.linear.gather [hbm4b:s19+s5], $0x100, $0x38;
	[tilespmem:$0x1FD80] =	vst v63  }
0x41: {  	s20 =	rddreg [dreg:$0x9];
	s8 =	simm.s32 $0x200  }
0x42: {  	[tilespmem:s8], [sflag:$0x3] =	stream.linear.gather [hbm4b:s20+s5], $0x100, $0x38;
	[tilespmem:$0x1FD80] =	vst v63  }
0x43: {  	s21 =	rddreg [dreg:$0xa];
	s22 =	simm.s32 $0x300  }
0x44: {  	[tilespmem:s22], [sflag:$0x3] =	stream.linear.gather [hbm4b:s21+s5], $0x100, $0x38;
	[tilespmem:$0x1FD80] =	vst v63  }
0x45: {  	_ =	swait.ge [sflag:s25], $0x100  }
0x46: {  	[sflag:s25] =	ssyncset.done $0x0  }
0x47: {  	[sflag:s25] =	ssyncadd.s32 $0xFFFFFF00  }
0x48: {  	_ =	swait.ge [sflag:s25], $0x100  }
.Ltmp2:
0x49: {  	s23 =	stileid.u32;
	[sflag:s25] =	ssyncset.done $0x0;
	(pc) =	sbr.rel @!p0 .LBB2_2-.Ltmp2, $4  }
0x4a: {  	s3 =	sshll.u32 s23, $0x6;
	s24 =	rddreg [dreg:$0xb];
	[sflag:s25] =	ssyncadd.s32 $0xFFFFFF00  }
0x4b: {  	[tilespmem:s28], [sflag:$0x1] =	stream.indirect.gather [hbm4b:s1+s26], $0x80, s5, s26, $0xb8;
	[tilespmem:$0x1FD80] =	vst v63  }
0x4c: {  	s23 =	sor.u32 $0x1C04, s3;
	s24 =	sshrl.u32 s24, $0x3  }
0x4d: {  	[tilespmem:s29], [sflag:$0x1] =	stream.indirect.gather [hbm4b:s1+s26], $0x80, s7, s26, $0xb8;
	[tilespmem:$0x1FD80] =	vst v63  }
.Ltmp3:
0x4e: {  	s3 =	rddreg [dreg:$0x5];
	(pc) =	sbr.rel @p1 .LBB2_7-.Ltmp3, $4  }
0x4f: {  	[spmem:s24], [sflag:s23] =	dma.local [hbm:s3], $0x2700  }
0x50: {  	_ =	swait.ge [sflag:s30], $0x2700  }
0x51: {  	[sflag:s30] =	ssyncset.done $0x0  }
0x52: {  	[sflag:s30] =	ssyncadd.s32 $0xFFFFD900  }
.Ltmp4:
0x53: {  	(pc) =	sbr.rel .LBB2_6-.Ltmp4, $3  }
0x54: {  	_ =	sdelay $0x1  }
0x55: {  	s3 =	sshrl.u32 s14, $0x3;
	s7 =	rddreg [dreg:$0x5]  }
0x56: {  	[spmem:s3], [sflag:s23] =	dma.local [hbm:s7], $0x100  }
.LBB2_2:
.Ltmp5:
0x57: {  	s3 =	rddreg [dreg:$0xc];
	(pc) =	sbr.rel @p1 .LBB2_7-.Ltmp5, $4  }
0x58: {  	[spmem:s24], [sflag:s23] =	dma.local [hbm:s3], $0x2700  }
0x59: {  	_ =	swait.ge [sflag:s30], $0x2700  }
0x5a: {  	[sflag:s30] =	ssyncset.done $0x0  }
0x5b: {  	[sflag:s30] =	ssyncadd.s32 $0xFFFFD900  }
0x5c: {  	s3 =	sshrl.u32 s14, $0x3;
	s7 =	rddreg [dreg:$0xd]  }
0x5d: {  	[spmem:s3], [sflag:s23] =	dma.local [hbm:s7], $0x100  }
.LBB2_6:
0x5e: {  	_ =	swait.ge [sflag:s30], $0x100  }
0x5f: {  	[sflag:s30] =	ssyncset.done $0x0  }
0x60: {  	[sflag:s30] =	ssyncadd.s32 $0xFFFFFF00  }
.LBB2_7:
.Ltmp6:
0x61: {  	(pc) =	sbr.rel .LBB2_8-.Ltmp6, $3  }
0x62: {  	_ =	sdelay $0x1  }
0x63: {  	[bflag:$0x0] =	sbarrier.arrive $0xFFFF;
	s3 =	simm.s32 $0x0  }
0x64: {  	s21 =	smov.u32 s6;
	s8 =	simm.s32 $0x0;
	s20 =	rddreg [dreg:$0x10]  }
.LBB2_10:
0x65: {  	s11 =	sadd.s32 $0x2, s3  }
0x66: {  	s12 =	sand.u32 $0xFF, s11  }
0x67: {  	s9 =	sadd.s32 $0x1, s3;
	s12 =	smul.u32 $0xCD, s12  }
0x68: {  	s17 =	sand.u32 $0xFF, s9  }
0x69: {  	s17 =	smul.u32 $0xCD, s17;
	s12 =	sshrl.u32 s12, $0xA  }
0x6a: {  	s12 =	smul.u32 $0x5, s12  }
0x6b: {  	s19 =	sshrl.u32 s17, $0xA  }
0x6c: {  	_ =	swait.ge [sflag:s25], $0x100;
	s11 =	ssub.s32 s11, s12;
	s12 =	smul.u32 $0x5, s19  }
0x6d: {  	[sflag:s25] =	ssyncset.done $0x0;
	s11 =	sand.u32 $0xFF, s11  }
0x6e: {  	[sflag:s25] =	ssyncadd.s32 $0xFFFFFF00;
	s11 =	sshll.u32 s11, $0x8;
	s9 =	ssub.s32 s9, s12  }
0x6f: {  	[tilespmem:s0], [sflag:$0x1] =	stream.indirect.gather [hbm4b:s1+s26], $0x80, s11, s26, $0xb8;
	[tilespmem:$0x1FD80] =	vst v63  }
0x70: {  	s9 =	sand.u32 $0xFF, s9;
	_ =	swait.ge [sflag:s31], $0x4000  }
0x71: {  	s12 =	sadd.s32 @!p3 $0x5, s3;
	s9 =	sshll.u32 s9, $0x8;
	[sflag:s31] =	ssyncset.done $0x0  }
0x72: {  	s17 =	smul.u32 @!p3 $0xCD, s12;
	s9 =	sor.u32 $0x80, s9;
	[sflag:s31] =	ssyncadd.s32 $0xFFFFC000  }
0x73: {  	[spmem:s4] =	stream.indirect.scatter.add.f32 [tilespmem:s29], [sflag:$0x2], $0x80, s9, s26, $0xb8;
	[tilespmem:$0x1FD80] =	vst v63  }
0x74: {  	s9 =	sshrl.u32 @!p3 s17, $0xA  }
0x75: {  	s17 =	sadd.s32 @!p3 $0x3, s3;
	s9 =	sand.u32 @!p3 $0x3F, s9  }
0x76: {  	s19 =	sand.u32 @!p3 $0xFF, s17;
	s9 =	smul.u32 @!p3 $0x5, s9  }
0x77: {  	_ =	swait.ge [sflag:s15], $0x4000;
	s19 =	smul.u32 @!p3 $0xCD, s19  }
0x78: {  	[sflag:s15] =	ssyncset.done $0x0;
	s9 =	ssub.s32 @!p3 s12, s9  }
0x79: {  	[sflag:s15] =	ssyncadd.s32 $0xFFFFC000;
	s12 =	sshrl.u32 @!p3 s19, $0xA;
	s9 =	sand.u32 @!p3 $0xFF, s9  }
0x7a: {  	s19 =	simm.s32 @!p3 $0x0;
	s12 =	smul.u32 @!p3 $0x5, s12;
	s9 =	sshll.u32 @!p3 s9, $0x8  }
0x7b: {  	[tilespmem:s9], [sflag:$0x3] =	stream.linear.gather @!p3 [hbm4b:s21+s19], $0x100, $0x38;
	[tilespmem:$0x1FD80] =	vst v63  }
0x7c: {  	p4 =	sgt.u32 s8, $0x17;
	s22 =	simm.s32 @!p3 $0x500;
	s9 =	simm.s32 @!p3 $0x3  }
0x7d: {  	s12 =	ssub.s32 @!p3 s17, s12;
	s17 =	sadd.s32 @!p4 $0x6, s3;
	_ =	swait.ge @!p3 [sflag:s9], $0x100  }
0x7e: {  	s19 =	simm.s32 @!p3 $0x80;
	s12 =	sand.u32 @!p3 $0xFF, s12;
	[sflag:s9] =	ssyncset.done @!p3 $0x0  }
0x7f: {  	s7 =	smul.u32 @!p4 $0xCD, s17;
	s12 =	sshll.u32 @!p3 s12, $0x8;
	[sflag:s9] =	ssyncadd.s32 @!p3 $0xFFFFFF00  }
0x80: {  	[tilespmem:s22], [sflag:$0x1] =	stream.indirect.gather @!p3 [hbm4b:s1+s19], $0x80, s12, s19, $0xb8;
	[tilespmem:$0x1FD80] =	vst v63  }
0x81: {  	s7 =	sshrl.u32 @!p4 s7, $0xA;
	s22 =	sand.u32 $0xFF, s10;
	_ =	swait.ge [sflag:s31], $0x4000  }
0x82: {  	s7 =	sand.u32 @!p4 $0x3F, s7;
	s12 =	smul.u32 $0xCD, s22;
	[sflag:s31] =	ssyncset.done $0x0  }
0x83: {  	s11 =	sadd.s32 $0x80, s11;
	s7 =	smul.u32 @!p4 $0x5, s7;
	[sflag:s31] =	ssyncadd.s32 $0xFFFFC000  }
0x84: {  	[spmem:s4] =	stream.indirect.scatter.add.f32 [tilespmem:s0], [sflag:$0x2], $0x80, s11, s26, $0xb8;
	[tilespmem:$0x1FD80] =	vst v63  }
0x85: {  	s12 =	sshrl.u32 s12, $0xA;
	s7 =	ssub.s32 @!p4 s17, s7;
	_ =	swait.ge [sflag:s15], $0x4000  }
0x86: {  	s11 =	smul.u32 $0x5, s12;
	s7 =	sand.u32 @!p4 $0xFF, s7;
	[sflag:s15] =	ssyncset.done $0x0  }
0x87: {  	s12 =	simm.s32 @!p4 $0x0;
	s7 =	sshll.u32 @!p4 s7, $0x8;
	[sflag:s15] =	ssyncadd.s32 $0xFFFFC000  }
0x88: {  	[tilespmem:s7], [sflag:$0x3] =	stream.linear.gather @!p4 [hbm4b:s20+s12], $0x100, $0x38;
	[tilespmem:$0x1FD80] =	vst v63  }
0x89: {  	s22 =	ssub.s32 s10, s11;
	_ =	swait.ge @!p3 [sflag:s9], $0x100  }
0x8a: {  	s3 =	sadd.s32 $0x3, s3;
	s7 =	sand.u32 $0xFF, s22;
	[sflag:s9] =	ssyncset.done @!p3 $0x0  }
0x8b: {  	s7 =	sshll.u32 @!p3 s7, $0x8;
	[sflag:s9] =	ssyncadd.s32 @!p3 $0xFFFFFF00;
	s9 =	simm.s32 @!p3 $0x4500  }
0x8c: {  	[tilespmem:s9], [sflag:$0x1] =	stream.indirect.gather @!p3 [hbm4b:s1+s19], $0x80, s7, s19, $0xb8;
	[tilespmem:$0x1FD80] =	vst v63  }
0x8d: {  	p3 =	sne.s32 s3, $0x4E  }
.Ltmp7:
0x8e: {  	_ = 	snop;
	(pc) =	sbr.rel @!p3 .LBB2_11-.Ltmp7, $2  }
0x8f: {  	_ =	sdelay $0x2  }
0x90: {  	s8 =	sadd.s32 $0x1, s8;
	s21 =	sadd.s32 $0x60, s21;
	s20 =	sadd.s32 $0x60, s20  }
.LBB2_8:
0x91: {  	s10 =	smul.u32 $0xCD, s3;
	_ =	sdelay $0x1  }
0x92: {  	s10 =	sshrl.u32 s10, $0xA  }
0x93: {  	s10 =	sand.u32 $0x3F, s10  }
0x94: {  	s10 =	smul.u32 $0x5, s10;
	_ =	sdelay $0x1  }
0x95: {  	s10 =	ssub.s32 s3, s10  }
0x96: {  	_ =	swait.ge [sflag:s31], $0x4000;
	p4 =	seq.s32 s3, $0x0;
	s10 =	sand.u32 $0xFF, s10  }
0x97: {  	[sflag:s31] =	ssyncset.done $0x0;
	p3 =	seq.s32 @!p4 s3, $0x4B;
	s10 =	sshll.u32 s10, $0x8  }
0x98: {  	[sflag:s31] =	ssyncadd.s32 $0xFFFFC000;
	p5 =	por p4, !p3;
	s10 =	sor.u32 $0x80, s10  }
0x99: {  	[spmem:s4] =	stream.indirect.scatter.add.f32 [tilespmem:s28], [sflag:$0x2], $0x80, s10, s26, $0xb8;
	[tilespmem:$0x1FD80] =	vst v63  }
.Ltmp8:
0x9a: {  	_ = 	snop;
	(pc) =	sbr.rel @!p5 .LBB2_10-.Ltmp8, $4  }
0x9b: {  	s10 =	simm.s32 @!p4 $0x2  }
0x9c: {  	_ =	swait.ge @!p4 [sflag:s10], $0x4000  }
0x9d: {  	[sflag:s10] =	ssyncset.done @!p4 $0x0  }
0x9e: {  	p3 =	por @!p4 $0x1, $0x1;
	[sflag:s10] =	ssyncadd.s32 @!p4 $0xFFFFC000;
	s10 =	sadd.s32 @!p4 $0x4, s3  }
0x9f: {  	s10 =	simm.s32 @p4 $0x4  }
0xa0: {  	s11 =	sand.u32 $0xFF, s10  }
0xa1: {  	s11 =	smul.u32 $0xCD, s11;
	_ =	sdelay $0x1  }
0xa2: {  	s11 =	sshrl.u32 s11, $0xA  }
0xa3: {  	s11 =	smul.u32 $0x5, s11  }
.Ltmp9:
0xa4: {  	s12 =	sadd.s32 s16, s10;
	(pc) =	sbr.rel .LBB2_10-.Ltmp9, $4  }
0xa5: {  	s12 =	sshll.u32 s12, $0x5;
	s11 =	ssub.s32 s10, s11  }
0xa6: {  	s12 =	sand.u32 $0x1FFFFFE0, s12;
	s11 =	sand.u32 $0xFF, s11  }
0xa7: {  	p3 =	por $0x0, $0x0;
	s12 =	sadd.s32 s2, s12;
	s11 =	sshll.u32 s11, $0x8  }
0xa8: {  	[tilespmem:s11], [sflag:$0x3] =	stream.linear.gather [hbm4b:s12+s5], $0x100, $0x38;
	[tilespmem:$0x1FD80] =	vst v63  }
.LBB2_12:
0xa9: {  	_ =	sfence.sel $0x180000  }
0xaa: {  	[bflag:$0x0] =	sbarrier.arrive $0xFFFF  }
0xab: {  	_ =	strace $0x9000004A  }
0xac: {  	s0 =	stileid.u32;
	[bflag:$0x2] =	sbarrier.arrive $0xFFFF  }
0xad: {  	p0 =	sne.s32 s0, $0x0;
	s0 =	rddreg [dreg:$0x4]  }
0xae: {  	s0 =	sadd.s32 @!p0 $0x100000, s0  }
0xaf: {  	[sflag:s0] =	ssyncadd.tile.s32 @!p0 $0x1;
	_ =	shalt  }
.Lfunc_end2:
_tile_overlayer_lowered:
.L_overlay_start_2:
0xb0: {  	(tag) =	ssettag $0x2  }
0xb1: {  	s0 =	rddreg [dreg:$0x0];
	s2 =	stileid.u32  }
0xb2: {  	s1 =	rddreg [dreg:$0x1];
	p0 =	sne.s32 s2, $0x0  }
0xb3: {  	s3 =	rddreg [dreg:$0x2];
	[bflag:$0x3] =	sbarrier.arrive $0xFFFF;
	s2 =	simm.s32 @!p0 $0x1C04  }
0xb4: {  	[timem:s3], [sflag:s2] =	dma.local @!p0 [hbm:s0], s1  }
0xb5: {  	s0 =	simm.s32 @!p0 $0x4  }
0xb6: {  	_ =	swait.ge @!p0 [sflag:s0], s1  }
0xb7: {  	s1 =	ssub.s32 @!p0 $0x0, s1;
	[sflag:s0] =	ssyncset.done @!p0 $0x0  }
0xb8: {  	[sflag:s0] =	ssyncadd.s32 @!p0 s1  }
0xb9: {  	[bflag:$0x3] =	sbarrier.arrive $0xFFFF  }
0xba: {  	_ =	shalt  }

</sc_bundles>
